<compile_context>
chip_gen: v7x
topology: tpu7x:2x2x1
jax: 0.10.2.dev20260603
libtpu: 0.0.44.dev20260713+nightly
codegen_flags: <defaults>
</compile_context>

<pallas_src>
import functools

import jax
import jax.numpy as jnp
from jax import lax
from jax.experimental import pallas as pl
from jax.experimental.pallas import tpu as pltpu
from jax.experimental.pallas import tpu_sc as plsc

MAX_REL = 128
DIM = 64
ROWS = 2 * MAX_REL + 1
SEQ = 2048
NC = 2
NS = 16
NW = NC * NS
BJ = 4352
JC = BJ // NW
BK = 32
QCH = 256
WW = 512


def _sc_build_bt(position_embeddings):
    mesh = plsc.VectorSubcoreMesh(core_axis_name="c", subcore_axis_name="s")

    @functools.partial(
        pl.kernel,
        mesh=mesh,
        out_type=jax.ShapeDtypeStruct((DIM, BJ), jnp.float32),
        scratch_types=[
            pltpu.VMEM((ROWS, DIM), jnp.float32),
            pltpu.VMEM((DIM, JC), jnp.float32),
        ],
        compiler_params=pltpu.CompilerParams(
            use_tc_tiling_on_sc=False, needs_layout_passes=False),
    )
    def run(table_hbm, out_hbm, table_v, bt_v):
        wid = lax.axis_index("s") * NC + lax.axis_index("c")
        j0 = wid * JC

        pltpu.sync_copy(table_hbm, table_v)

        lanes = lax.iota(jnp.int32, 16)

        def build(j, carry):
            idx = jnp.clip(j0 + j - 1919, 0, ROWS - 1)
            jvec = jnp.full((16,), 0, jnp.int32) + j
            for c in range(DIM // 16):
                v = table_v[idx, pl.ds(16 * c, 16)]
                plsc.store_scatter(bt_v, [16 * c + lanes, jvec], v)
            return carry

        lax.fori_loop(0, JC, build, 0, unroll=False)

        pltpu.sync_copy(bt_v, out_hbm.at[:, pl.ds(j0, JC)])

    return run(position_embeddings)


def _tc_materialize(b_t):

    def body(bt_ref, out_ref):
        ib = pl.program_id(0)
        base_last = SEQ - 1 - (ib * BK + (BK - 1))
        aligned = pl.multiple_of((base_last // 128) * 128, 128)
        ph_last = base_last - aligned
        for ch in range(SEQ // QCH):
            w = bt_ref[:, pl.ds(aligned + QCH * ch, WW)]
            rolled = pltpu.roll(w, -ph_last, 1)
            for i in range(BK):
                off = BK - 1 - i
                out_ref[i, :, pl.ds(QCH * ch, QCH)] = (
                    rolled[:, off:off + QCH])

    return pl.pallas_call(
        body,
        grid=(SEQ // BK,),
        in_specs=[pl.BlockSpec((DIM, BJ), lambda ib: (0, 0))],
        out_specs=pl.BlockSpec((BK, DIM, SEQ), lambda ib: (ib, 0, 0)),
        out_shape=jax.ShapeDtypeStruct((SEQ, DIM, SEQ), jnp.float32),
    )(b_t)


def kernel(query_length, key_length, position_embeddings):
    del query_length, key_length
    p = _tc_materialize(_sc_build_bt(position_embeddings))
    return p.transpose(0, 2, 1)

# --- scband reference (transcript-rebuilt; emitter-appended) ---
"""Pipeline reference for scband-relative-positional-encoding-52682068853256 (READ-ONLY COPY).

The authoritative reference and input builder live on the scoring server;
editing this copy changes nothing except your own understanding.
"""

import jax, jax.numpy as jnp
import numpy as np

MAX_REL = 128
DIM = 64


def setup_inputs(seed: int = 0) -> dict:
    key = jax.random.key(seed)
    rows = 2 * MAX_REL + 1
    # xavier_uniform init: limit = sqrt(6 / (fan_in + fan_out))
    limit = float(np.sqrt(6.0 / (rows + DIM)))
    position_embeddings = jax.random.uniform(
        key, (rows, DIM), dtype=jnp.float32, minval=-limit, maxval=limit
    )
    return {
        "query_length": 2048,
        "key_length": 2048,
        "position_embeddings": position_embeddings,
    }


def reference(query_length, key_length, position_embeddings):
    query_positions = jnp.arange(2048) + 0 * query_length
    key_positions = jnp.arange(2048) + 0 * key_length
    # relative_distances[k, q] = q - k  (matches torch unsqueeze pattern)
    relative_distances = query_positions[None, :] - key_positions[:, None]
    clamped_distances = jnp.clip(relative_distances, -MAX_REL, MAX_REL)
    embedding_indices = clamped_distances + MAX_REL
    relative_embeddings = jnp.take(position_embeddings, embedding_indices, axis=0)
    return relative_embeddings

if __name__ == "__main__":
    import jax
    _d = setup_inputs()
    print(jax.jit(kernel)(*tuple(_d.values())))

</pallas_src>

<mosaic_0001>
#map = affine_map<(d0, d1) -> (0, 0)>
module attributes {stable_mosaic.version = 14 : i64} {
  func.func @run(%arg0: i32, %arg1: i32, %arg2: memref<257x64xf32, #tpu.memory_space<hbm>>, %arg3: memref<64x4352xf32, #tpu.memory_space<hbm>>, %arg4: memref<257x64xf32, #tpu.memory_space<vmem>>, %arg5: memref<64x136xf32, #tpu.memory_space<vmem>>) attributes {dimension_semantics = [#tpu.dimension_semantics<core_parallel>, #tpu.dimension_semantics<subcore_parallel>], iteration_bounds = array<i64: 2, 16>, scalar_prefetch = 0 : i64, scratch_operands = 2 : i64, tpu.core_type = #tpu.core_type<sc_vector_subcore>, window_params = [{transform_indices = #map}, {transform_indices = #map}]} {
    %mul3A = arith.constant 2 : i32
    %mul3A_0 = arith.muli %arg1, %mul3A : i32
    %add3A = arith.addi %mul3A_0, %arg0 : i32
    %mul3A_1 = arith.constant 136 : i32
    %mul3A_2 = arith.muli %add3A, %mul3A_1 : i32
    "tpu.region"() ({
      %run_scoped3A = tpu.sem_alloc : memref<!tpu.dma_semaphore, #tpu.memory_space<semaphore_mem>>
      tpu.enqueue_dma source(%arg2 : memref<257x64xf32, #tpu.memory_space<hbm>>) target(%arg4 : memref<257x64xf32, #tpu.memory_space<vmem>>) target_semaphore(%run_scoped3A : memref<!tpu.dma_semaphore, #tpu.memory_space<semaphore_mem>>)
      tpu.wait_dma2 semaphore(%run_scoped3A : memref<!tpu.dma_semaphore, #tpu.memory_space<semaphore_mem>>) src(%arg2 : memref<257x64xf32, #tpu.memory_space<hbm>>) dst(%arg4 : memref<257x64xf32, #tpu.memory_space<vmem>>)
      tpu.yield
    }) : () -> ()
    %iota3A = tpu.iota {dimensions = array<i32: 0>} : vector<16xi32>
    %scan3A = arith.constant 0 : i32
    %scan3A_3 = arith.constant 0 : i32
    %scan3A_4 = arith.constant 136 : i32
    %scan3A_5 = arith.addi %scan3A_3, %scan3A_4 : i32
    %scan3A_6 = arith.constant 1 : i32
    scf.for %scan3A_8 = %scan3A_3 to %scan3A_5 step %scan3A_6  : i32 {
      %add3A_9 = arith.addi %mul3A_2, %scan3A_8 : i32
      %sub3A = arith.constant 1919 : i32
      %sub3A_10 = arith.subi %add3A_9, %sub3A : i32
      %jit3A = arith.constant 0 : i32
      %jit3A_11 = arith.constant 256 : i32
      %max3A = arith.maxsi %jit3A, %sub3A_10 : i32
      %min3A = arith.minsi %jit3A_11, %max3A : i32
      %broadcast_in_dim3A = arith.constant 0 : i32
      %broadcast_in_dim3A_12 = vector.broadcast %broadcast_in_dim3A : i32 to vector<16xi32>
      %add3A_13 = vector.broadcast %scan3A_8 : i32 to vector<16xi32>
      %add3A_14 = arith.addi %broadcast_in_dim3A_12, %add3A_13 : vector<16xi32>
      %get3A = arith.index_cast %min3A : i32 to index
      %get3A_15 = arith.constant 0 : index
      %get3A_16 = tpu.vector_load %arg4[%get3A, %get3A_15] {strides = array<i32>} : memref<257x64xf32, #tpu.memory_space<vmem>>, vector<16xf32>,
      %add3A_17 = arith.constant 0 : i32
      %add3A_18 = vector.broadcast %add3A_17 : i32 to vector<16xi32>
      %add3A_19 = arith.addi %add3A_18, %iota3A : vector<16xi32>
      tpu.vector_store_idx %arg5[%add3A_19, %add3A_14], %get3A_16 : memref<64x136xf32, #tpu.memory_space<vmem>>[vector<16xi32>, vector<16xi32>], vector<16xf32>,
      %get3A_20 = arith.index_cast %min3A : i32 to index
      %get3A_21 = arith.constant 16 : index
      %get3A_22 = tpu.vector_load %arg4[%get3A_20, %get3A_21] {strides = array<i32>} : memref<257x64xf32, #tpu.memory_space<vmem>>, vector<16xf32>,
      %add3A_23 = arith.constant 16 : i32
      %add3A_24 = vector.broadcast %add3A_23 : i32 to vector<16xi32>
      %add3A_25 = arith.addi %add3A_24, %iota3A : vector<16xi32>
      tpu.vector_store_idx %arg5[%add3A_25, %add3A_14], %get3A_22 : memref<64x136xf32, #tpu.memory_space<vmem>>[vector<16xi32>, vector<16xi32>], vector<16xf32>,
      %get3A_26 = arith.index_cast %min3A : i32 to index
      %get3A_27 = arith.constant 32 : index
      %get3A_28 = tpu.vector_load %arg4[%get3A_26, %get3A_27] {strides = array<i32>} : memref<257x64xf32, #tpu.memory_space<vmem>>, vector<16xf32>,
      %add3A_29 = arith.constant 32 : i32
      %add3A_30 = vector.broadcast %add3A_29 : i32 to vector<16xi32>
      %add3A_31 = arith.addi %add3A_30, %iota3A : vector<16xi32>
      tpu.vector_store_idx %arg5[%add3A_31, %add3A_14], %get3A_28 : memref<64x136xf32, #tpu.memory_space<vmem>>[vector<16xi32>, vector<16xi32>], vector<16xf32>,
      %get3A_32 = arith.index_cast %min3A : i32 to index
      %get3A_33 = arith.constant 48 : index
      %get3A_34 = tpu.vector_load %arg4[%get3A_32, %get3A_33] {strides = array<i32>} : memref<257x64xf32, #tpu.memory_space<vmem>>, vector<16xf32>,
      %add3A_35 = arith.constant 48 : i32
      %add3A_36 = vector.broadcast %add3A_35 : i32 to vector<16xi32>
      %add3A_37 = arith.addi %add3A_36, %iota3A : vector<16xi32>
      tpu.vector_store_idx %arg5[%add3A_37, %add3A_14], %get3A_34 : memref<64x136xf32, #tpu.memory_space<vmem>>[vector<16xi32>, vector<16xi32>], vector<16xf32>,
    }
    %scan3A_7 = arith.constant 136 : i32
    "tpu.region"() ({
      %run_scoped3A = tpu.sem_alloc : memref<!tpu.dma_semaphore, #tpu.memory_space<semaphore_mem>>
      %dma_start3A = arith.constant 0 : i32
      %dma_start3A_8 = tpu.memref_slice %arg3[%dma_start3A, %mul3A_2] : memref<64x4352xf32, #tpu.memory_space<hbm>> -> memref<64x136xf32, #tpu.memory_space<hbm>>
      %dma_start3A_9 = arith.constant 0 : i32
      %dma_start3A_10 = tpu.memref_slice %arg3[%dma_start3A_9, %mul3A_2] : memref<64x4352xf32, #tpu.memory_space<hbm>> -> memref<64x136xf32, #tpu.memory_space<hbm>>
      tpu.enqueue_dma source(%arg5 : memref<64x136xf32, #tpu.memory_space<vmem>>) target(%dma_start3A_10 : memref<64x136xf32, #tpu.memory_space<hbm>>) target_semaphore(%run_scoped3A : memref<!tpu.dma_semaphore, #tpu.memory_space<semaphore_mem>>)
      %dma_wait3A = arith.constant 0 : i32
      %dma_wait3A_11 = tpu.memref_slice %arg3[%dma_wait3A, %mul3A_2] : memref<64x4352xf32, #tpu.memory_space<hbm>> -> memref<64x136xf32, #tpu.memory_space<hbm>>
      %dma_wait3A_12 = arith.constant 0 : i32
      %dma_wait3A_13 = tpu.memref_slice %arg3[%dma_wait3A_12, %mul3A_2] : memref<64x4352xf32, #tpu.memory_space<hbm>> -> memref<64x136xf32, #tpu.memory_space<hbm>>
      tpu.wait_dma2 semaphore(%run_scoped3A : memref<!tpu.dma_semaphore, #tpu.memory_space<semaphore_mem>>) src(%arg5 : memref<64x136xf32, #tpu.memory_space<vmem>>) dst(%dma_wait3A_13 : memref<64x136xf32, #tpu.memory_space<hbm>>)
      tpu.yield
    }) : () -> ()
    return
  }
}

module attributes {stable_mosaic.version = 14 : i64} {
  func.func @body(%arg0: i32, %arg1: memref<64x4352xf32, #tpu.memory_space<vmem>>, %arg2: memref<32x64x2048xf32, #tpu.memory_space<vmem>>) attributes {dimension_semantics = [#tpu.dimension_semantics<arbitrary>], iteration_bounds = array<i64: 64>, scalar_prefetch = 0 : i64, scratch_operands = 0 : i64, tpu.core_type = #tpu.core_type<tc>, window_params = [{pipeline_mode = #tpu.pipeline_mode<synchronous>, transform_indices = @transform_0, window_bounds = array<i64: 64, 4352>}, {transform_indices = @transform_1, window_bounds = array<i64: 32, 64, 2048>}]} {
    %mul3A = arith.constant 32 : i32
    %mul3A_0 = arith.muli %arg0, %mul3A : i32
    %add3A = arith.constant 31 : i32
    %add3A_1 = arith.addi %mul3A_0, %add3A : i32
    %sub3A = arith.constant 2047 : i32
    %sub3A_2 = arith.subi %sub3A, %add3A_1 : i32
    %jit3A = arith.constant 128 : i32
    %div3A = arith.divsi %sub3A_2, %jit3A : i32
    %sign3A = arith.constant 0 : i32
    %sign3A_3 = arith.cmpi sgt, %sub3A_2, %sign3A : i32
    %sign3A_4 = arith.extui %sign3A_3 : i1 to i32
    %sign3A_5 = arith.constant 0 : i32
    %sign3A_6 = arith.cmpi slt, %sub3A_2, %sign3A_5 : i32
    %sign3A_7 = arith.extui %sign3A_6 : i1 to i32
    %sign3A_8 = arith.subi %sign3A_4, %sign3A_7 : i32
    %sign3A_9 = arith.constant 0 : i32
    %sign3A_10 = arith.cmpi sgt, %jit3A, %sign3A_9 : i32
    %sign3A_11 = arith.extui %sign3A_10 : i1 to i32
    %sign3A_12 = arith.constant 0 : i32
    %sign3A_13 = arith.cmpi slt, %jit3A, %sign3A_12 : i32
    %sign3A_14 = arith.extui %sign3A_13 : i1 to i32
    %sign3A_15 = arith.subi %sign3A_11, %sign3A_14 : i32
    %ne3A = arith.cmpi ne, %sign3A_8, %sign3A_15 : i32
    %rem3A = arith.remsi %sub3A_2, %jit3A : i32
    %ne3A_16 = arith.constant 0 : i32
    %ne3A_17 = arith.cmpi ne, %rem3A, %ne3A_16 : i32
    %and3A = arith.andi %ne3A, %ne3A_17 : i1
    %sub3A_18 = arith.constant 1 : i32
    %sub3A_19 = arith.subi %div3A, %sub3A_18 : i32
    %select_n3A = arith.select %and3A, %sub3A_19, %div3A : i32
    %mul3A_20 = arith.constant 128 : i32
    %mul3A_21 = arith.muli %select_n3A, %mul3A_20 : i32
    %multiple_of3A = tpu.assume_multiple %mul3A_21, 128 : i32
    %sub3A_22 = arith.subi %sub3A_2, %multiple_of3A : i32
    %add3A_23 = arith.constant 0 : i32
    %add3A_24 = arith.addi %multiple_of3A, %add3A_23 : i32
    %get3A = arith.constant 0 : index
    %get3A_25 = arith.index_cast %add3A_24 : i32 to index
    %get3A_26 = vector.load %arg1[%get3A, %get3A_25] : memref<64x4352xf32, #tpu.memory_space<vmem>>, vector<64x512xf32>
    %neg3A = arith.constant 0 : i32
    %neg3A_27 = arith.subi %neg3A, %sub3A_22 : i32
    %roll3A = tpu.dynamic_rotate %get3A_26 by %neg3A_27 dim 1 : vector<64x512xf32>, i32 -> vector<64x512xf32>
    %slice3A = vector.extract_strided_slice %roll3A {offsets = [0, 31], sizes = [64, 256], strides = [1, 1]} : vector<64x512xf32> to vector<64x256xf32>
    %swap3A = arith.constant 0 : index
    %swap3A_28 = arith.constant 0 : index
    %swap3A_29 = arith.constant 0 : index
    %swap3A_30 = vector.load %arg2[%swap3A, %swap3A_28, %swap3A_29] : memref<32x64x2048xf32, #tpu.memory_space<vmem>>, vector<1x64x256xf32>
    %swap3A_31 = vector.shape_cast %swap3A_30 : vector<1x64x256xf32> to vector<64x256xf32>
    %swap3A_32 = vector.shape_cast %slice3A : vector<64x256xf32> to vector<1x64x256xf32>
    tpu.vector_store %arg2[%swap3A, %swap3A_28, %swap3A_29], %swap3A_32 {strides = array<i32>} : memref<32x64x2048xf32, #tpu.memory_space<vmem>>, vector<1x64x256xf32>,
    %slice3A_33 = vector.extract_strided_slice %roll3A {offsets = [0, 30], sizes = [64, 256], strides = [1, 1]} : vector<64x512xf32> to vector<64x256xf32>
    %swap3A_34 = arith.constant 1 : index
    %swap3A_35 = arith.constant 0 : index
    %swap3A_36 = arith.constant 0 : index
    %swap3A_37 = vector.load %arg2[%swap3A_34, %swap3A_35, %swap3A_36] : memref<32x64x2048xf32, #tpu.memory_space<vmem>>, vector<1x64x256xf32>
    %swap3A_38 = vector.shape_cast %swap3A_37 : vector<1x64x256xf32> to vector<64x256xf32>
    %swap3A_39 = vector.shape_cast %slice3A_33 : vector<64x256xf32> to vector<1x64x256xf32>
    tpu.vector_store %arg2[%swap3A_34, %swap3A_35, %swap3A_36], %swap3A_39 {strides = array<i32>} : memref<32x64x2048xf32, #tpu.memory_space<vmem>>, vector<1x64x256xf32>,
    %slice3A_40 = vector.extract_strided_slice %roll3A {offsets = [0, 29], sizes = [64, 256], strides = [1, 1]} : vector<64x512xf32> to vector<64x256xf32>
    %swap3A_41 = arith.constant 2 : index
    %swap3A_42 = arith.constant 0 : index
    %swap3A_43 = arith.constant 0 : index
    %swap3A_44 = vector.load %arg2[%swap3A_41, %swap3A_42, %swap3A_43] : memref<32x64x2048xf32, #tpu.memory_space<vmem>>, vector<1x64x256xf32>
    %swap3A_45 = vector.shape_cast %swap3A_44 : vector<1x64x256xf32> to vector<64x256xf32>
    %swap3A_46 = vector.shape_cast %slice3A_40 : vector<64x256xf32> to vector<1x64x256xf32>
    tpu.vector_store %arg2[%swap3A_41, %swap3A_42, %swap3A_43], %swap3A_46 {strides = array<i32>} : memref<32x64x2048xf32, #tpu.memory_space<vmem>>, vector<1x64x256xf32>,
    %slice3A_47 = vector.extract_strided_slice %roll3A {offsets = [0, 28], sizes = [64, 256], strides = [1, 1]} : vector<64x512xf32> to vector<64x256xf32>
    %swap3A_48 = arith.constant 3 : index
    %swap3A_49 = arith.constant 0 : index
    %swap3A_50 = arith.constant 0 : index
    %swap3A_51 = vector.load %arg2[%swap3A_48, %swap3A_49, %swap3A_50] : memref<32x64x2048xf32, #tpu.memory_space<vmem>>, vector<1x64x256xf32>
    %swap3A_52 = vector.shape_cast %swap3A_51 : vector<1x64x256xf32> to vector<64x256xf32>
    %swap3A_53 = vector.shape_cast %slice3A_47 : vector<64x256xf32> to vector<1x64x256xf32>
    tpu.vector_store %arg2[%swap3A_48, %swap3A_49, %swap3A_50], %swap3A_53 {strides = array<i32>} : memref<32x64x2048xf32, #tpu.memory_space<vmem>>, vector<1x64x256xf32>,
    %slice3A_54 = vector.extract_strided_slice %roll3A {offsets = [0, 27], sizes = [64, 256], strides = [1, 1]} : vector<64x512xf32> to vector<64x256xf32>
    %swap3A_55 = arith.constant 4 : index
    %swap3A_56 = arith.constant 0 : index
    %swap3A_57 = arith.constant 0 : index
    %swap3A_58 = vector.load %arg2[%swap3A_55, %swap3A_56, %swap3A_57] : memref<32x64x2048xf32, #tpu.memory_space<vmem>>, vector<1x64x256xf32>
    %swap3A_59 = vector.shape_cast %swap3A_58 : vector<1x64x256xf32> to vector<64x256xf32>
    %swap3A_60 = vector.shape_cast %slice3A_54 : vector<64x256xf32> to vector<1x64x256xf32>
    tpu.vector_store %arg2[%swap3A_55, %swap3A_56, %swap3A_57], %swap3A_60 {strides = array<i32>} : memref<32x64x2048xf32, #tpu.memory_space<vmem>>, vector<1x64x256xf32>,
    %slice3A_61 = vector.extract_strided_slice %roll3A {offsets = [0, 26], sizes = [64, 256], strides = [1, 1]} : vector<64x512xf32> to vector<64x256xf32>
    %swap3A_62 = arith.constant 5 : index
    %swap3A_63 = arith.constant 0 : index
    %swap3A_64 = arith.constant 0 : index
    %swap3A_65 = vector.load %arg2[%swap3A_62, %swap3A_63, %swap3A_64] : memref<32x64x2048xf32, #tpu.memory_space<vmem>>, vector<1x64x256xf32>
    %swap3A_66 = vector.shape_cast %swap3A_65 : vector<1x64x256xf32> to vector<64x256xf32>
    %swap3A_67 = vector.shape_cast %slice3A_61 : vector<64x256xf32> to vector<1x64x256xf32>
    tpu.vector_store %arg2[%swap3A_62, %swap3A_63, %swap3A_64], %swap3A_67 {strides = array<i32>} : memref<32x64x2048xf32, #tpu.memory_space<vmem>>, vector<1x64x256xf32>,
    %slice3A_68 = vector.extract_strided_slice %roll3A {offsets = [0, 25], sizes = [64, 256], strides = [1, 1]} : vector<64x512xf32> to vector<64x256xf32>
    %swap3A_69 = arith.constant 6 : index
    %swap3A_70 = arith.constant 0 : index
    %swap3A_71 = arith.constant 0 : index
    %swap3A_72 = vector.load %arg2[%swap3A_69, %swap3A_70, %swap3A_71] : memref<32x64x2048xf32, #tpu.memory_space<vmem>>, vector<1x64x256xf32>
    %swap3A_73 = vector.shape_cast %swap3A_72 : vector<1x64x256xf32> to vector<64x256xf32>
    %swap3A_74 = vector.shape_cast %slice3A_68 : vector<64x256xf32> to vector<1x64x256xf32>
    tpu.vector_store %arg2[%swap3A_69, %swap3A_70, %swap3A_71], %swap3A_74 {strides = array<i32>} : memref<32x64x2048xf32, #tpu.memory_space<vmem>>, vector<1x64x256xf32>,
    %slice3A_75 = vector.extract_strided_slice %roll3A {offsets = [0, 24], sizes = [64, 256], strides = [1, 1]} : vector<64x512xf32> to vector<64x256xf32>
    %swap3A_76 = arith.constant 7 : index
    %swap3A_77 = arith.constant 0 : index
    %swap3A_78 = arith.constant 0 : index
    %swap3A_79 = vector.load %arg2[%swap3A_76, %swap3A_77, %swap3A_78] : memref<32x64x2048xf32, #tpu.memory_space<vmem>>, vector<1x64x256xf32>
    %swap3A_80 = vector.shape_cast %swap3A_79 : vector<1x64x256xf32> to vector<64x256xf32>
    %swap3A_81 = vector.shape_cast %slice3A_75 : vector<64x256xf32> to vector<1x64x256xf32>
    tpu.vector_store %arg2[%swap3A_76, %swap3A_77, %swap3A_78], %swap3A_81 {strides = array<i32>} : memref<32x64x2048xf32, #tpu.memory_space<vmem>>, vector<1x64x256xf32>,
    %slice3A_82 = vector.extract_strided_slice %roll3A {offsets = [0, 23], sizes = [64, 256], strides = [1, 1]} : vector<64x512xf32> to vector<64x256xf32>
    %swap3A_83 = arith.constant 8 : index
    %swap3A_84 = arith.constant 0 : index
    %swap3A_85 = arith.constant 0 : index
    %swap3A_86 = vector.load %arg2[%swap3A_83, %swap3A_84, %swap3A_85] : memref<32x64x2048xf32, #tpu.memory_space<vmem>>, vector<1x64x256xf32>
    %swap3A_87 = vector.shape_cast %swap3A_86 : vector<1x64x256xf32> to vector<64x256xf32>
    %swap3A_88 = vector.shape_cast %slice3A_82 : vector<64x256xf32> to vector<1x64x256xf32>
    tpu.vector_store %arg2[%swap3A_83, %swap3A_84, %swap3A_85], %swap3A_88 {strides = array<i32>} : memref<32x64x2048xf32, #tpu.memory_space<vmem>>, vector<1x64x256xf32>,
    %slice3A_89 = vector.extract_strided_slice %roll3A {offsets = [0, 22], sizes = [64, 256], strides = [1, 1]} : vector<64x512xf32> to vector<64x256xf32>
    %swap3A_90 = arith.constant 9 : index
    %swap3A_91 = arith.constant 0 : index
    %swap3A_92 = arith.constant 0 : index
    %swap3A_93 = vector.load %arg2[%swap3A_90, %swap3A_91, %swap3A_92] : memref<32x64x2048xf32, #tpu.memory_space<vmem>>, vector<1x64x256xf32>
    %swap3A_94 = vector.shape_cast %swap3A_93 : vector<1x64x256xf32> to vector<64x256xf32>
    %swap3A_95 = vector.shape_cast %slice3A_89 : vector<64x256xf32> to vector<1x64x256xf32>
    tpu.vector_store %arg2[%swap3A_90, %swap3A_91, %swap3A_92], %swap3A_95 {strides = array<i32>} : memref<32x64x2048xf32, #tpu.memory_space<vmem>>, vector<1x64x256xf32>,
    %slice3A_96 = vector.extract_strided_slice %roll3A {offsets = [0, 21], sizes = [64, 256], strides = [1, 1]} : vector<64x512xf32> to vector<64x256xf32>
    %swap3A_97 = arith.constant 10 : index
    %swap3A_98 = arith.constant 0 : index
    %swap3A_99 = arith.constant 0 : index
    %swap3A_100 = vector.load %arg2[%swap3A_97, %swap3A_98, %swap3A_99] : memref<32x64x2048xf32, #tpu.memory_space<vmem>>, vector<1x64x256xf32>
    %swap3A_101 = vector.shape_cast %swap3A_100 : vector<1x64x256xf32> to vector<64x256xf32>
    %swap3A_102 = vector.shape_cast %slice3A_96 : vector<64x256xf32> to vector<1x64x256xf32>
    tpu.vector_store %arg2[%swap3A_97, %swap3A_98, %swap3A_99], %swap3A_102 {strides = array<i32>} : memref<32x64x2048xf32, #tpu.memory_space<vmem>>, vector<1x64x256xf32>,
    %slice3A_103 = vector.extract_strided_slice %roll3A {offsets = [0, 20], sizes = [64, 256], strides = [1, 1]} : vector<64x512xf32> to vector<64x256xf32>
    %swap3A_104 = arith.constant 11 : index
    %swap3A_105 = arith.constant 0 : index
    %swap3A_106 = arith.constant 0 : index
    %swap3A_107 = vector.load %arg2[%swap3A_104, %swap3A_105, %swap3A_106] : memref<32x64x2048xf32, #tpu.memory_space<vmem>>, vector<1x64x256xf32>
    %swap3A_108 = vector.shape_cast %swap3A_107 : vector<1x64x256xf32> to vector<64x256xf32>
    %swap3A_109 = vector.shape_cast %slice3A_103 : vector<64x256xf32> to vector<1x64x256xf32>
    tpu.vector_store %arg2[%swap3A_104, %swap3A_105, %swap3A_106], %swap3A_109 {strides = array<i32>} : memref<32x64x2048xf32, #tpu.memory_space<vmem>>, vector<1x64x256xf32>,
    %slice3A_110 = vector.extract_strided_slice %roll3A {offsets = [0, 19], sizes = [64, 256], strides = [1, 1]} : vector<64x512xf32> to vector<64x256xf32>
    %swap3A_111 = arith.constant 12 : index
    %swap3A_112 = arith.constant 0 : index
    %swap3A_113 = arith.constant 0 : index
    %swap3A_114 = vector.load %arg2[%swap3A_111, %swap3A_112, %swap3A_113] : memref<32x64x2048xf32, #tpu.memory_space<vmem>>, vector<1x64x256xf32>
    %swap3A_115 = vector.shape_cast %swap3A_114 : vector<1x64x256xf32> to vector<64x256xf32>
    %swap3A_116 = vector.shape_cast %slice3A_110 : vector<64x256xf32> to vector<1x64x256xf32>
    tpu.vector_store %arg2[%swap3A_111, %swap3A_112, %swap3A_113], %swap3A_116 {strides = array<i32>} : memref<32x64x2048xf32, #tpu.memory_space<vmem>>, vector<1x64x256xf32>,
    %slice3A_117 = vector.extract_strided_slice %roll3A {offsets = [0, 18], sizes = [64, 256], strides = [1, 1]} : vector<64x512xf32> to vector<64x256xf32>
    %swap3A_118 = arith.constant 13 : index
    %swap3A_119 = arith.constant 0 : index
    %swap3A_120 = arith.constant 0 : index
    %swap3A_121 = vector.load %arg2[%swap3A_118, %swap3A_119, %swap3A_120] : memref<32x64x2048xf32, #tpu.memory_space<vmem>>, vector<1x64x256xf32>
    %swap3A_122 = vector.shape_cast %swap3A_121 : vector<1x64x256xf32> to vector<64x256xf32>
    %swap3A_123 = vector.shape_cast %slice3A_117 : vector<64x256xf32> to vector<1x64x256xf32>
    tpu.vector_store %arg2[%swap3A_118, %swap3A_119, %swap3A_120], %swap3A_123 {strides = array<i32>} : memref<32x64x2048xf32, #tpu.memory_space<vmem>>, vector<1x64x256xf32>,
    %slice3A_124 = vector.extract_strided_slice %roll3A {offsets = [0, 17], sizes = [64, 256], strides = [1, 1]} : vector<64x512xf32> to vector<64x256xf32>
    %swap3A_125 = arith.constant 14 : index
    %swap3A_126 = arith.constant 0 : index
    %swap3A_127 = arith.constant 0 : index
    %swap3A_128 = vector.load %arg2[%swap3A_125, %swap3A_126, %swap3A_127] : memref<32x64x2048xf32, #tpu.memory_space<vmem>>, vector<1x64x256xf32>
    %swap3A_129 = vector.shape_cast %swap3A_128 : vector<1x64x256xf32> to vector<64x256xf32>
    %swap3A_130 = vector.shape_cast %slice3A_124 : vector<64x256xf32> to vector<1x64x256xf32>
    tpu.vector_store %arg2[%swap3A_125, %swap3A_126, %swap3A_127], %swap3A_130 {strides = array<i32>} : memref<32x64x2048xf32, #tpu.memory_space<vmem>>, vector<1x64x256xf32>,
    %slice3A_131 = vector.extract_strided_slice %roll3A {offsets = [0, 16], sizes = [64, 256], strides = [1, 1]} : vector<64x512xf32> to vector<64x256xf32>
    %swap3A_132 = arith.constant 15 : index
    %swap3A_133 = arith.constant 0 : index
    %swap3A_134 = arith.constant 0 : index
    %swap3A_135 = vector.load %arg2[%swap3A_132, %swap3A_133, %swap3A_134] : memref<32x64x2048xf32, #tpu.memory_space<vmem>>, vector<1x64x256xf32>
    %swap3A_136 = vector.shape_cast %swap3A_135 : vector<1x64x256xf32> to vector<64x256xf32>
    %swap3A_137 = vector.shape_cast %slice3A_131 : vector<64x256xf32> to vector<1x64x256xf32>
    tpu.vector_store %arg2[%swap3A_132, %swap3A_133, %swap3A_134], %swap3A_137 {strides = array<i32>} : memref<32x64x2048xf32, #tpu.memory_space<vmem>>, vector<1x64x256xf32>,
    %slice3A_138 = vector.extract_strided_slice %roll3A {offsets = [0, 15], sizes = [64, 256], strides = [1, 1]} : vector<64x512xf32> to vector<64x256xf32>
    %swap3A_139 = arith.constant 16 : index
    %swap3A_140 = arith.constant 0 : index
    %swap3A_141 = arith.constant 0 : index
    %swap3A_142 = vector.load %arg2[%swap3A_139, %swap3A_140, %swap3A_141] : memref<32x64x2048xf32, #tpu.memory_space<vmem>>, vector<1x64x256xf32>
    %swap3A_143 = vector.shape_cast %swap3A_142 : vector<1x64x256xf32> to vector<64x256xf32>
    %swap3A_144 = vector.shape_cast %slice3A_138 : vector<64x256xf32> to vector<1x64x256xf32>
    tpu.vector_store %arg2[%swap3A_139, %swap3A_140, %swap3A_141], %swap3A_144 {strides = array<i32>} : memref<32x64x2048xf32, #tpu.memory_space<vmem>>, vector<1x64x256xf32>,
    %slice3A_145 = vector.extract_strided_slice %roll3A {offsets = [0, 14], sizes = [64, 256], strides = [1, 1]} : vector<64x512xf32> to vector<64x256xf32>
    %swap3A_146 = arith.constant 17 : index
    %swap3A_147 = arith.constant 0 : index
    %swap3A_148 = arith.constant 0 : index
    %swap3A_149 = vector.load %arg2[%swap3A_146, %swap3A_147, %swap3A_148] : memref<32x64x2048xf32, #tpu.memory_space<vmem>>, vector<1x64x256xf32>
    %swap3A_150 = vector.shape_cast %swap3A_149 : vector<1x64x256xf32> to vector<64x256xf32>
    %swap3A_151 = vector.shape_cast %slice3A_145 : vector<64x256xf32> to vector<1x64x256xf32>
    tpu.vector_store %arg2[%swap3A_146, %swap3A_147, %swap3A_148], %swap3A_151 {strides = array<i32>} : memref<32x64x2048xf32, #tpu.memory_space<vmem>>, vector<1x64x256xf32>,
    %slice3A_152 = vector.extract_strided_slice %roll3A {offsets = [0, 13], sizes = [64, 256], strides = [1, 1]} : vector<64x512xf32> to vector<64x256xf32>
    %swap3A_153 = arith.constant 18 : index
    %swap3A_154 = arith.constant 0 : index
    %swap3A_155 = arith.constant 0 : index
    %swap3A_156 = vector.load %arg2[%swap3A_153, %swap3A_154, %swap3A_155] : memref<32x64x2048xf32, #tpu.memory_space<vmem>>, vector<1x64x256xf32>
    %swap3A_157 = vector.shape_cast %swap3A_156 : vector<1x64x256xf32> to vector<64x256xf32>
    %swap3A_158 = vector.shape_cast %slice3A_152 : vector<64x256xf32> to vector<1x64x256xf32>
    tpu.vector_store %arg2[%swap3A_153, %swap3A_154, %swap3A_155], %swap3A_158 {strides = array<i32>} : memref<32x64x2048xf32, #tpu.memory_space<vmem>>, vector<1x64x256xf32>,
    %slice3A_159 = vector.extract_strided_slice %roll3A {offsets = [0, 12], sizes = [64, 256], strides = [1, 1]} : vector<64x512xf32> to vector<64x256xf32>
    %swap3A_160 = arith.constant 19 : index
    %swap3A_161 = arith.constant 0 : index
    %swap3A_162 = arith.constant 0 : index
    %swap3A_163 = vector.load %arg2[%swap3A_160, %swap3A_161, %swap3A_162] : memref<32x64x2048xf32, #tpu.memory_space<vmem>>, vector<1x64x256xf32>
    %swap3A_164 = vector.shape_cast %swap3A_163 : vector<1x64x256xf32> to vector<64x256xf32>
    %swap3A_165 = vector.shape_cast %slice3A_159 : vector<64x256xf32> to vector<1x64x256xf32>
    tpu.vector_store %arg2[%swap3A_160, %swap3A_161, %swap3A_162], %swap3A_165 {strides = array<i32>} : memref<32x64x2048xf32, #tpu.memory_space<vmem>>, vector<1x64x256xf32>,
    %slice3A_166 = vector.extract_strided_slice %roll3A {offsets = [0, 11], sizes = [64, 256], strides = [1, 1]} : vector<64x512xf32> to vector<64x256xf32>
    %swap3A_167 = arith.constant 20 : index
    %swap3A_168 = arith.constant 0 : index
    %swap3A_169 = arith.constant 0 : index
    %swap3A_170 = vector.load %arg2[%swap3A_167, %swap3A_168, %swap3A_169] : memref<32x64x2048xf32, #tpu.memory_space<vmem>>, vector<1x64x256xf32>
    %swap3A_171 = vector.shape_cast %swap3A_170 : vector<1x64x256xf32> to vector<64x256xf32>
    %swap3A_172 = vector.shape_cast %slice3A_166 : vector<64x256xf32> to vector<1x64x256xf32>
    tpu.vector_store %arg2[%swap3A_167, %swap3A_168, %swap3A_169], %swap3A_172 {strides = array<i32>} : memref<32x64x2048xf32, #tpu.memory_space<vmem>>, vector<1x64x256xf32>,
    %slice3A_173 = vector.extract_strided_slice %roll3A {offsets = [0, 10], sizes = [64, 256], strides = [1, 1]} : vector<64x512xf32> to vector<64x256xf32>
    %swap3A_174 = arith.constant 21 : index
    %swap3A_175 = arith.constant 0 : index
    %swap3A_176 = arith.constant 0 : index
    %swap3A_177 = vector.load %arg2[%swap3A_174, %swap3A_175, %swap3A_176] : memref<32x64x2048xf32, #tpu.memory_space<vmem>>, vector<1x64x256xf32>
    %swap3A_178 = vector.shape_cast %swap3A_177 : vector<1x64x256xf32> to vector<64x256xf32>
    %swap3A_179 = vector.shape_cast %slice3A_173 : vector<64x256xf32> to vector<1x64x256xf32>
    tpu.vector_store %arg2[%swap3A_174, %swap3A_175, %swap3A_176], %swap3A_179 {strides = array<i32>} : memref<32x64x2048xf32, #tpu.memory_space<vmem>>, vector<1x64x256xf32>,
    %slice3A_180 = vector.extract_strided_slice %roll3A {offsets = [0, 9], sizes = [64, 256], strides = [1, 1]} : vector<64x512xf32> to vector<64x256xf32>
    %swap3A_181 = arith.constant 22 : index
    %swap3A_182 = arith.constant 0 : index
    %swap3A_183 = arith.constant 0 : index
    %swap3A_184 = vector.load %arg2[%swap3A_181, %swap3A_182, %swap3A_183] : memref<32x64x2048xf32, #tpu.memory_space<vmem>>, vector<1x64x256xf32>
    %swap3A_185 = vector.shape_cast %swap3A_184 : vector<1x64x256xf32> to vector<64x256xf32>
    %swap3A_186 = vector.shape_cast %slice3A_180 : vector<64x256xf32> to vector<1x64x256xf32>
    tpu.vector_store %arg2[%swap3A_181, %swap3A_182, %swap3A_183], %swap3A_186 {strides = array<i32>} : memref<32x64x2048xf32, #tpu.memory_space<vmem>>, vector<1x64x256xf32>,
    %slice3A_187 = vector.extract_strided_slice %roll3A {offsets = [0, 8], sizes = [64, 256], strides = [1, 1]} : vector<64x512xf32> to vector<64x256xf32>
    %swap3A_188 = arith.constant 23 : index
    %swap3A_189 = arith.constant 0 : index
    %swap3A_190 = arith.constant 0 : index
    %swap3A_191 = vector.load %arg2[%swap3A_188, %swap3A_189, %swap3A_190] : memref<32x64x2048xf32, #tpu.memory_space<vmem>>, vector<1x64x256xf32>
    %swap3A_192 = vector.shape_cast %swap3A_191 : vector<1x64x256xf32> to vector<64x256xf32>
    %swap3A_193 = vector.shape_cast %slice3A_187 : vector<64x256xf32> to vector<1x64x256xf32>
    tpu.vector_store %arg2[%swap3A_188, %swap3A_189, %swap3A_190], %swap3A_193 {strides = array<i32>} : memref<32x64x2048xf32, #tpu.memory_space<vmem>>, vector<1x64x256xf32>,
    %slice3A_194 = vector.extract_strided_slice %roll3A {offsets = [0, 7], sizes = [64, 256], strides = [1, 1]} : vector<64x512xf32> to vector<64x256xf32>
    %swap3A_195 = arith.constant 24 : index
    %swap3A_196 = arith.constant 0 : index
    %swap3A_197 = arith.constant 0 : index
    %swap3A_198 = vector.load %arg2[%swap3A_195, %swap3A_196, %swap3A_197] : memref<32x64x2048xf32, #tpu.memory_space<vmem>>, vector<1x64x256xf32>
    %swap3A_199 = vector.shape_cast %swap3A_198 : vector<1x64x256xf32> to vector<64x256xf32>
    %swap3A_200 = vector.shape_cast %slice3A_194 : vector<64x256xf32> to vector<1x64x256xf32>
    tpu.vector_store %arg2[%swap3A_195, %swap3A_196, %swap3A_197], %swap3A_200 {strides = array<i32>} : memref<32x64x2048xf32, #tpu.memory_space<vmem>>, vector<1x64x256xf32>,
    %slice3A_201 = vector.extract_strided_slice %roll3A {offsets = [0, 6], sizes = [64, 256], strides = [1, 1]} : vector<64x512xf32> to vector<64x256xf32>
    %swap3A_202 = arith.constant 25 : index
    %swap3A_203 = arith.constant 0 : index
    %swap3A_204 = arith.constant 0 : index
    %swap3A_205 = vector.load %arg2[%swap3A_202, %swap3A_203, %swap3A_204] : memref<32x64x2048xf32, #tpu.memory_space<vmem>>, vector<1x64x256xf32>
    %swap3A_206 = vector.shape_cast %swap3A_205 : vector<1x64x256xf32> to vector<64x256xf32>
    %swap3A_207 = vector.shape_cast %slice3A_201 : vector<64x256xf32> to vector<1x64x256xf32>
    tpu.vector_store %arg2[%swap3A_202, %swap3A_203, %swap3A_204], %swap3A_207 {strides = array<i32>} : memref<32x64x2048xf32, #tpu.memory_space<vmem>>, vector<1x64x256xf32>,
    %slice3A_208 = vector.extract_strided_slice %roll3A {offsets = [0, 5], sizes = [64, 256], strides = [1, 1]} : vector<64x512xf32> to vector<64x256xf32>
    %swap3A_209 = arith.constant 26 : index
    %swap3A_210 = arith.constant 0 : index
    %swap3A_211 = arith.constant 0 : index
    %swap3A_212 = vector.load %arg2[%swap3A_209, %swap3A_210, %swap3A_211] : memref<32x64x2048xf32, #tpu.memory_space<vmem>>, vector<1x64x256xf32>
    %swap3A_213 = vector.shape_cast %swap3A_212 : vector<1x64x256xf32> to vector<64x256xf32>
    %swap3A_214 = vector.shape_cast %slice3A_208 : vector<64x256xf32> to vector<1x64x256xf32>
    tpu.vector_store %arg2[%swap3A_209, %swap3A_210, %swap3A_211], %swap3A_214 {strides = array<i32>} : memref<32x64x2048xf32, #tpu.memory_space<vmem>>, vector<1x64x256xf32>,
    %slice3A_215 = vector.extract_strided_slice %roll3A {offsets = [0, 4], sizes = [64, 256], strides = [1, 1]} : vector<64x512xf32> to vector<64x256xf32>
    %swap3A_216 = arith.constant 27 : index
    %swap3A_217 = arith.constant 0 : index
    %swap3A_218 = arith.constant 0 : index
    %swap3A_219 = vector.load %arg2[%swap3A_216, %swap3A_217, %swap3A_218] : memref<32x64x2048xf32, #tpu.memory_space<vmem>>, vector<1x64x256xf32>
    %swap3A_220 = vector.shape_cast %swap3A_219 : vector<1x64x256xf32> to vector<64x256xf32>
    %swap3A_221 = vector.shape_cast %slice3A_215 : vector<64x256xf32> to vector<1x64x256xf32>
    tpu.vector_store %arg2[%swap3A_216, %swap3A_217, %swap3A_218], %swap3A_221 {strides = array<i32>} : memref<32x64x2048xf32, #tpu.memory_space<vmem>>, vector<1x64x256xf32>,
    %slice3A_222 = vector.extract_strided_slice %roll3A {offsets = [0, 3], sizes = [64, 256], strides = [1, 1]} : vector<64x512xf32> to vector<64x256xf32>
    %swap3A_223 = arith.constant 28 : index
    %swap3A_224 = arith.constant 0 : index
    %swap3A_225 = arith.constant 0 : index
    %swap3A_226 = vector.load %arg2[%swap3A_223, %swap3A_224, %swap3A_225] : memref<32x64x2048xf32, #tpu.memory_space<vmem>>, vector<1x64x256xf32>
    %swap3A_227 = vector.shape_cast %swap3A_226 : vector<1x64x256xf32> to vector<64x256xf32>
    %swap3A_228 = vector.shape_cast %slice3A_222 : vector<64x256xf32> to vector<1x64x256xf32>
    tpu.vector_store %arg2[%swap3A_223, %swap3A_224, %swap3A_225], %swap3A_228 {strides = array<i32>} : memref<32x64x2048xf32, #tpu.memory_space<vmem>>, vector<1x64x256xf32>,
    %slice3A_229 = vector.extract_strided_slice %roll3A {offsets = [0, 2], sizes = [64, 256], strides = [1, 1]} : vector<64x512xf32> to vector<64x256xf32>
    %swap3A_230 = arith.constant 29 : index
    %swap3A_231 = arith.constant 0 : index
    %swap3A_232 = arith.constant 0 : index
    %swap3A_233 = vector.load %arg2[%swap3A_230, %swap3A_231, %swap3A_232] : memref<32x64x2048xf32, #tpu.memory_space<vmem>>, vector<1x64x256xf32>
    %swap3A_234 = vector.shape_cast %swap3A_233 : vector<1x64x256xf32> to vector<64x256xf32>
    %swap3A_235 = vector.shape_cast %slice3A_229 : vector<64x256xf32> to vector<1x64x256xf32>
    tpu.vector_store %arg2[%swap3A_230, %swap3A_231, %swap3A_232], %swap3A_235 {strides = array<i32>} : memref<32x64x2048xf32, #tpu.memory_space<vmem>>, vector<1x64x256xf32>,
    %slice3A_236 = vector.extract_strided_slice %roll3A {offsets = [0, 1], sizes = [64, 256], strides = [1, 1]} : vector<64x512xf32> to vector<64x256xf32>
    %swap3A_237 = arith.constant 30 : index
    %swap3A_238 = arith.constant 0 : index
    %swap3A_239 = arith.constant 0 : index
    %swap3A_240 = vector.load %arg2[%swap3A_237, %swap3A_238, %swap3A_239] : memref<32x64x2048xf32, #tpu.memory_space<vmem>>, vector<1x64x256xf32>
    %swap3A_241 = vector.shape_cast %swap3A_240 : vector<1x64x256xf32> to vector<64x256xf32>
    %swap3A_242 = vector.shape_cast %slice3A_236 : vector<64x256xf32> to vector<1x64x256xf32>
    tpu.vector_store %arg2[%swap3A_237, %swap3A_238, %swap3A_239], %swap3A_242 {strides = array<i32>} : memref<32x64x2048xf32, #tpu.memory_space<vmem>>, vector<1x64x256xf32>,
    %slice3A_243 = vector.extract_strided_slice %roll3A {offsets = [0, 0], sizes = [64, 256], strides = [1, 1]} : vector<64x512xf32> to vector<64x256xf32>
    %swap3A_244 = arith.constant 31 : index
    %swap3A_245 = arith.constant 0 : index
    %swap3A_246 = arith.constant 0 : index
    %swap3A_247 = vector.load %arg2[%swap3A_244, %swap3A_245, %swap3A_246] : memref<32x64x2048xf32, #tpu.memory_space<vmem>>, vector<1x64x256xf32>
    %swap3A_248 = vector.shape_cast %swap3A_247 : vector<1x64x256xf32> to vector<64x256xf32>
    %swap3A_249 = vector.shape_cast %slice3A_243 : vector<64x256xf32> to vector<1x64x256xf32>
    tpu.vector_store %arg2[%swap3A_244, %swap3A_245, %swap3A_246], %swap3A_249 {strides = array<i32>} : memref<32x64x2048xf32, #tpu.memory_space<vmem>>, vector<1x64x256xf32>,
    %add3A_250 = arith.constant 256 : i32
    %add3A_251 = arith.addi %multiple_of3A, %add3A_250 : i32
    %get3A_252 = arith.constant 0 : index
    %get3A_253 = arith.index_cast %add3A_251 : i32 to index
    %get3A_254 = vector.load %arg1[%get3A_252, %get3A_253] : memref<64x4352xf32, #tpu.memory_space<vmem>>, vector<64x512xf32>
    %neg3A_255 = arith.constant 0 : i32
    %neg3A_256 = arith.subi %neg3A_255, %sub3A_22 : i32
    %roll3A_257 = tpu.dynamic_rotate %get3A_254 by %neg3A_256 dim 1 : vector<64x512xf32>, i32 -> vector<64x512xf32>
    %slice3A_258 = vector.extract_strided_slice %roll3A_257 {offsets = [0, 31], sizes = [64, 256], strides = [1, 1]} : vector<64x512xf32> to vector<64x256xf32>
    %swap3A_259 = arith.constant 0 : index
    %swap3A_260 = arith.constant 0 : index
    %swap3A_261 = arith.constant 256 : index
    %swap3A_262 = vector.load %arg2[%swap3A_259, %swap3A_260, %swap3A_261] : memref<32x64x2048xf32, #tpu.memory_space<vmem>>, vector<1x64x256xf32>
    %swap3A_263 = vector.shape_cast %swap3A_262 : vector<1x64x256xf32> to vector<64x256xf32>
    %swap3A_264 = vector.shape_cast %slice3A_258 : vector<64x256xf32> to vector<1x64x256xf32>
    tpu.vector_store %arg2[%swap3A_259, %swap3A_260, %swap3A_261], %swap3A_264 {strides = array<i32>} : memref<32x64x2048xf32, #tpu.memory_space<vmem>>, vector<1x64x256xf32>,
    %slice3A_265 = vector.extract_strided_slice %roll3A_257 {offsets = [0, 30], sizes = [64, 256], strides = [1, 1]} : vector<64x512xf32> to vector<64x256xf32>
    %swap3A_266 = arith.constant 1 : index
    %swap3A_267 = arith.constant 0 : index
    %swap3A_268 = arith.constant 256 : index
    %swap3A_269 = vector.load %arg2[%swap3A_266, %swap3A_267, %swap3A_268] : memref<32x64x2048xf32, #tpu.memory_space<vmem>>, vector<1x64x256xf32>
    %swap3A_270 = vector.shape_cast %swap3A_269 : vector<1x64x256xf32> to vector<64x256xf32>
    %swap3A_271 = vector.shape_cast %slice3A_265 : vector<64x256xf32> to vector<1x64x256xf32>
    tpu.vector_store %arg2[%swap3A_266, %swap3A_267, %swap3A_268], %swap3A_271 {strides = array<i32>} : memref<32x64x2048xf32, #tpu.memory_space<vmem>>, vector<1x64x256xf32>,
    %slice3A_272 = vector.extract_strided_slice %roll3A_257 {offsets = [0, 29], sizes = [64, 256], strides = [1, 1]} : vector<64x512xf32> to vector<64x256xf32>
    %swap3A_273 = arith.constant 2 : index
    %swap3A_274 = arith.constant 0 : index
    %swap3A_275 = arith.constant 256 : index
    %swap3A_276 = vector.load %arg2[%swap3A_273, %swap3A_274, %swap3A_275] : memref<32x64x2048xf32, #tpu.memory_space<vmem>>, vector<1x64x256xf32>
    %swap3A_277 = vector.shape_cast %swap3A_276 : vector<1x64x256xf32> to vector<64x256xf32>
    %swap3A_278 = vector.shape_cast %slice3A_272 : vector<64x256xf32> to vector<1x64x256xf32>
    tpu.vector_store %arg2[%swap3A_273, %swap3A_274, %swap3A_275], %swap3A_278 {strides = array<i32>} : memref<32x64x2048xf32, #tpu.memory_space<vmem>>, vector<1x64x256xf32>,
    %slice3A_279 = vector.extract_strided_slice %roll3A_257 {offsets = [0, 28], sizes = [64, 256], strides = [1, 1]} : vector<64x512xf32> to vector<64x256xf32>
    %swap3A_280 = arith.constant 3 : index
    %swap3A_281 = arith.constant 0 : index
    %swap3A_282 = arith.constant 256 : index
    %swap3A_283 = vector.load %arg2[%swap3A_280, %swap3A_281, %swap3A_282] : memref<32x64x2048xf32, #tpu.memory_space<vmem>>, vector<1x64x256xf32>
    %swap3A_284 = vector.shape_cast %swap3A_283 : vector<1x64x256xf32> to vector<64x256xf32>
    %swap3A_285 = vector.shape_cast %slice3A_279 : vector<64x256xf32> to vector<1x64x256xf32>
    tpu.vector_store %arg2[%swap3A_280, %swap3A_281, %swap3A_282], %swap3A_285 {strides = array<i32>} : memref<32x64x2048xf32, #tpu.memory_space<vmem>>, vector<1x64x256xf32>,
    %slice3A_286 = vector.extract_strided_slice %roll3A_257 {offsets = [0, 27], sizes = [64, 256], strides = [1, 1]} : vector<64x512xf32> to vector<64x256xf32>
    %swap3A_287 = arith.constant 4 : index
    %swap3A_288 = arith.constant 0 : index
    %swap3A_289 = arith.constant 256 : index
    %swap3A_290 = vector.load %arg2[%swap3A_287, %swap3A_288, %swap3A_289] : memref<32x64x2048xf32, #tpu.memory_space<vmem>>, vector<1x64x256xf32>
    %swap3A_291 = vector.shape_cast %swap3A_290 : vector<1x64x256xf32> to vector<64x256xf32>
    %swap3A_292 = vector.shape_cast %slice3A_286 : vector<64x256xf32> to vector<1x64x256xf32>
    tpu.vector_store %arg2[%swap3A_287, %swap3A_288, %swap3A_289], %swap3A_292 {strides = array<i32>} : memref<32x64x2048xf32, #tpu.memory_space<vmem>>, vector<1x64x256xf32>,
    %slice3A_293 = vector.extract_strided_slice %roll3A_257 {offsets = [0, 26], sizes = [64, 256], strides = [1, 1]} : vector<64x512xf32> to vector<64x256xf32>
    %swap3A_294 = arith.constant 5 : index
    %swap3A_295 = arith.constant 0 : index
    %swap3A_296 = arith.constant 256 : index
    %swap3A_297 = vector.load %arg2[%swap3A_294, %swap3A_295, %swap3A_296] : memref<32x64x2048xf32, #tpu.memory_space<vmem>>, vector<1x64x256xf32>
    %swap3A_298 = vector.shape_cast %swap3A_297 : vector<1x64x256xf32> to vector<64x256xf32>
    %swap3A_299 = vector.shape_cast %slice3A_293 : vector<64x256xf32> to vector<1x64x256xf32>
    tpu.vector_store %arg2[%swap3A_294, %swap3A_295, %swap3A_296], %swap3A_299 {strides = array<i32>} : memref<32x64x2048xf32, #tpu.memory_space<vmem>>, vector<1x64x256xf32>,
    %slice3A_300 = vector.extract_strided_slice %roll3A_257 {offsets = [0, 25], sizes = [64, 256], strides = [1, 1]} : vector<64x512xf32> to vector<64x256xf32>
    %swap3A_301 = arith.constant 6 : index
    %swap3A_302 = arith.constant 0 : index
    %swap3A_303 = arith.constant 256 : index
    %swap3A_304 = vector.load %arg2[%swap3A_301, %swap3A_302, %swap3A_303] : memref<32x64x2048xf32, #tpu.memory_space<vmem>>, vector<1x64x256xf32>
    %swap3A_305 = vector.shape_cast %swap3A_304 : vector<1x64x256xf32> to vector<64x256xf32>
    %swap3A_306 = vector.shape_cast %slice3A_300 : vector<64x256xf32> to vector<1x64x256xf32>
    tpu.vector_store %arg2[%swap3A_301, %swap3A_302, %swap3A_303], %swap3A_306 {strides = array<i32>} : memref<32x64x2048xf32, #tpu.memory_space<vmem>>, vector<1x64x256xf32>,
    %slice3A_307 = vector.extract_strided_slice %roll3A_257 {offsets = [0, 24], sizes = [64, 256], strides = [1, 1]} : vector<64x512xf32> to vector<64x256xf32>
    %swap3A_308 = arith.constant 7 : index
    %swap3A_309 = arith.constant 0 : index
    %swap3A_310 = arith.constant 256 : index
    %swap3A_311 = vector.load %arg2[%swap3A_308, %swap3A_309, %swap3A_310] : memref<32x64x2048xf32, #tpu.memory_space<vmem>>, vector<1x64x256xf32>
    %swap3A_312 = vector.shape_cast %swap3A_311 : vector<1x64x256xf32> to vector<64x256xf32>
    %swap3A_313 = vector.shape_cast %slice3A_307 : vector<64x256xf32> to vector<1x64x256xf32>
    tpu.vector_store %arg2[%swap3A_308, %swap3A_309, %swap3A_310], %swap3A_313 {strides = array<i32>} : memref<32x64x2048xf32, #tpu.memory_space<vmem>>, vector<1x64x256xf32>,
    %slice3A_314 = vector.extract_strided_slice %roll3A_257 {offsets = [0, 23], sizes = [64, 256], strides = [1, 1]} : vector<64x512xf32> to vector<64x256xf32>
    %swap3A_315 = arith.constant 8 : index
    %swap3A_316 = arith.constant 0 : index
    %swap3A_317 = arith.constant 256 : index
    %swap3A_318 = vector.load %arg2[%swap3A_315, %swap3A_316, %swap3A_317] : memref<32x64x2048xf32, #tpu.memory_space<vmem>>, vector<1x64x256xf32>
    %swap3A_319 = vector.shape_cast %swap3A_318 : vector<1x64x256xf32> to vector<64x256xf32>
    %swap3A_320 = vector.shape_cast %slice3A_314 : vector<64x256xf32> to vector<1x64x256xf32>
    tpu.vector_store %arg2[%swap3A_315, %swap3A_316, %swap3A_317], %swap3A_320 {strides = array<i32>} : memref<32x64x2048xf32, #tpu.memory_space<vmem>>, vector<1x64x256xf32>,
    %slice3A_321 = vector.extract_strided_slice %roll3A_257 {offsets = [0, 22], sizes = [64, 256], strides = [1, 1]} : vector<64x512xf32> to vector<64x256xf32>
    %swap3A_322 = arith.constant 9 : index
    %swap3A_323 = arith.constant 0 : index
    %swap3A_324 = arith.constant 256 : index
    %swap3A_325 = vector.load %arg2[%swap3A_322, %swap3A_323, %swap3A_324] : memref<32x64x2048xf32, #tpu.memory_space<vmem>>, vector<1x64x256xf32>
    %swap3A_326 = vector.shape_cast %swap3A_325 : vector<1x64x256xf32> to vector<64x256xf32>
    %swap3A_327 = vector.shape_cast %slice3A_321 : vector<64x256xf32> to vector<1x64x256xf32>
    tpu.vector_store %arg2[%swap3A_322, %swap3A_323, %swap3A_324], %swap3A_327 {strides = array<i32>} : memref<32x64x2048xf32, #tpu.memory_space<vmem>>, vector<1x64x256xf32>,
    %slice3A_328 = vector.extract_strided_slice %roll3A_257 {offsets = [0, 21], sizes = [64, 256], strides = [1, 1]} : vector<64x512xf32> to vector<64x256xf32>
    %swap3A_329 = arith.constant 10 : index
    %swap3A_330 = arith.constant 0 : index
    %swap3A_331 = arith.constant 256 : index
    %swap3A_332 = vector.load %arg2[%swap3A_329, %swap3A_330, %swap3A_331] : memref<32x64x2048xf32, #tpu.memory_space<vmem>>, vector<1x64x256xf32>
    %swap3A_333 = vector.shape_cast %swap3A_332 : vector<1x64x256xf32> to vector<64x256xf32>
    %swap3A_334 = vector.shape_cast %slice3A_328 : vector<64x256xf32> to vector<1x64x256xf32>
    tpu.vector_store %arg2[%swap3A_329, %swap3A_330, %swap3A_331], %swap3A_334 {strides = array<i32>} : memref<32x64x2048xf32, #tpu.memory_space<vmem>>, vector<1x64x256xf32>,
    %slice3A_335 = vector.extract_strided_slice %roll3A_257 {offsets = [0, 20], sizes = [64, 256], strides = [1, 1]} : vector<64x512xf32> to vector<64x256xf32>
    %swap3A_336 = arith.constant 11 : index
    %swap3A_337 = arith.constant 0 : index
    %swap3A_338 = arith.constant 256 : index
    %swap3A_339 = vector.load %arg2[%swap3A_336, %swap3A_337, %swap3A_338] : memref<32x64x2048xf32, #tpu.memory_space<vmem>>, vector<1x64x256xf32>
    %swap3A_340 = vector.shape_cast %swap3A_339 : vector<1x64x256xf32> to vector<64x256xf32>
    %swap3A_341 = vector.shape_cast %slice3A_335 : vector<64x256xf32> to vector<1x64x256xf32>
    tpu.vector_store %arg2[%swap3A_336, %swap3A_337, %swap3A_338], %swap3A_341 {strides = array<i32>} : memref<32x64x2048xf32, #tpu.memory_space<vmem>>, vector<1x64x256xf32>,
    %slice3A_342 = vector.extract_strided_slice %roll3A_257 {offsets = [0, 19], sizes = [64, 256], strides = [1, 1]} : vector<64x512xf32> to vector<64x256xf32>
    %swap3A_343 = arith.constant 12 : index
    %swap3A_344 = arith.constant 0 : index
    %swap3A_345 = arith.constant 256 : index
    %swap3A_346 = vector.load %arg2[%swap3A_343, %swap3A_344, %swap3A_345] : memref<32x64x2048xf32, #tpu.memory_space<vmem>>, vector<1x64x256xf32>
    %swap3A_347 = vector.shape_cast %swap3A_346 : vector<1x64x256xf32> to vector<64x256xf32>
    %swap3A_348 = vector.shape_cast %slice3A_342 : vector<64x256xf32> to vector<1x64x256xf32>
    tpu.vector_store %arg2[%swap3A_343, %swap3A_344, %swap3A_345], %swap3A_348 {strides = array<i32>} : memref<32x64x2048xf32, #tpu.memory_space<vmem>>, vector<1x64x256xf32>,
    %slice3A_349 = vector.extract_strided_slice %roll3A_257 {offsets = [0, 18], sizes = [64, 256], strides = [1, 1]} : vector<64x512xf32> to vector<64x256xf32>
    %swap3A_350 = arith.constant 13 : index
    %swap3A_351 = arith.constant 0 : index
    %swap3A_352 = arith.constant 256 : index
    %swap3A_353 = vector.load %arg2[%swap3A_350, %swap3A_351, %swap3A_352] : memref<32x64x2048xf32, #tpu.memory_space<vmem>>, vector<1x64x256xf32>
    %swap3A_354 = vector.shape_cast %swap3A_353 : vector<1x64x256xf32> to vector<64x256xf32>
    %swap3A_355 = vector.shape_cast %slice3A_349 : vector<64x256xf32> to vector<1x64x256xf32>
    tpu.vector_store %arg2[%swap3A_350, %swap3A_351, %swap3A_352], %swap3A_355 {strides = array<i32>} : memref<32x64x2048xf32, #tpu.memory_space<vmem>>, vector<1x64x256xf32>,
    %slice3A_356 = vector.extract_strided_slice %roll3A_257 {offsets = [0, 17], sizes = [64, 256], strides = [1, 1]} : vector<64x512xf32> to vector<64x256xf32>
    %swap3A_357 = arith.constant 14 : index
    %swap3A_358 = arith.constant 0 : index
    %swap3A_359 = arith.constant 256 : index
    %swap3A_360 = vector.load %arg2[%swap3A_357, %swap3A_358, %swap3A_359] : memref<32x64x2048xf32, #tpu.memory_space<vmem>>, vector<1x64x256xf32>
    %swap3A_361 = vector.shape_cast %swap3A_360 : vector<1x64x256xf32> to vector<64x256xf32>
    %swap3A_362 = vector.shape_cast %slice3A_356 : vector<64x256xf32> to vector<1x64x256xf32>
    tpu.vector_store %arg2[%swap3A_357, %swap3A_358, %swap3A_359], %swap3A_362 {strides = array<i32>} : memref<32x64x2048xf32, #tpu.memory_space<vmem>>, vector<1x64x256xf32>,
    %slice3A_363 = vector.extract_strided_slice %roll3A_257 {offsets = [0, 16], sizes = [64, 256], strides = [1, 1]} : vector<64x512xf32> to vector<64x256xf32>
    %swap3A_364 = arith.constant 15 : index
    %swap3A_365 = arith.constant 0 : index
    %swap3A_366 = arith.constant 256 : index
    %swap3A_367 = vector.load %arg2[%swap3A_364, %swap3A_365, %swap3A_366] : memref<32x64x2048xf32, #tpu.memory_space<vmem>>, vector<1x64x256xf32>
    %swap3A_368 = vector.shape_cast %swap3A_367 : vector<1x64x256xf32> to vector<64x256xf32>
    %swap3A_369 = vector.shape_cast %slice3A_363 : vector<64x256xf32> to vector<1x64x256xf32>
    tpu.vector_store %arg2[%swap3A_364, %swap3A_365, %swap3A_366], %swap3A_369 {strides = array<i32>} : memref<32x64x2048xf32, #tpu.memory_space<vmem>>, vector<1x64x256xf32>,
    %slice3A_370 = vector.extract_strided_slice %roll3A_257 {offsets = [0, 15], sizes = [64, 256], strides = [1, 1]} : vector<64x512xf32> to vector<64x256xf32>
    %swap3A_371 = arith.constant 16 : index
    %swap3A_372 = arith.constant 0 : index
    %swap3A_373 = arith.constant 256 : index
    %swap3A_374 = vector.load %arg2[%swap3A_371, %swap3A_372, %swap3A_373] : memref<32x64x2048xf32, #tpu.memory_space<vmem>>, vector<1x64x256xf32>
    %swap3A_375 = vector.shape_cast %swap3A_374 : vector<1x64x256xf32> to vector<64x256xf32>
    %swap3A_376 = vector.shape_cast %slice3A_370 : vector<64x256xf32> to vector<1x64x256xf32>
    tpu.vector_store %arg2[%swap3A_371, %swap3A_372, %swap3A_373], %swap3A_376 {strides = array<i32>} : memref<32x64x2048xf32, #tpu.memory_space<vmem>>, vector<1x64x256xf32>,
    %slice3A_377 = vector.extract_strided_slice %roll3A_257 {offsets = [0, 14], sizes = [64, 256], strides = [1, 1]} : vector<64x512xf32> to vector<64x256xf32>
    %swap3A_378 = arith.constant 17 : index
    %swap3A_379 = arith.constant 0 : index
    %swap3A_380 = arith.constant 256 : index
    %swap3A_381 = vector.load %arg2[%swap3A_378, %swap3A_379, %swap3A_380] : memref<32x64x2048xf32, #tpu.memory_space<vmem>>, vector<1x64x256xf32>
    %swap3A_382 = vector.shape_cast %swap3A_381 : vector<1x64x256xf32> to vector<64x256xf32>
    %swap3A_383 = vector.shape_cast %slice3A_377 : vector<64x256xf32> to vector<1x64x256xf32>
    tpu.vector_store %arg2[%swap3A_378, %swap3A_379, %swap3A_380], %swap3A_383 {strides = array<i32>} : memref<32x64x2048xf32, #tpu.memory_space<vmem>>, vector<1x64x256xf32>,
    %slice3A_384 = vector.extract_strided_slice %roll3A_257 {offsets = [0, 13], sizes = [64, 256], strides = [1, 1]} : vector<64x512xf32> to vector<64x256xf32>
    %swap3A_385 = arith.constant 18 : index
    %swap3A_386 = arith.constant 0 : index
    %swap3A_387 = arith.constant 256 : index
    %swap3A_388 = vector.load %arg2[%swap3A_385, %swap3A_386, %swap3A_387] : memref<32x64x2048xf32, #tpu.memory_space<vmem>>, vector<1x64x256xf32>
    %swap3A_389 = vector.shape_cast %swap3A_388 : vector<1x64x256xf32> to vector<64x256xf32>
    %swap3A_390 = vector.shape_cast %slice3A_384 : vector<64x256xf32> to vector<1x64x256xf32>
    tpu.vector_store %arg2[%swap3A_385, %swap3A_386, %swap3A_387], %swap3A_390 {strides = array<i32>} : memref<32x64x2048xf32, #tpu.memory_space<vmem>>, vector<1x64x256xf32>,
    %slice3A_391 = vector.extract_strided_slice %roll3A_257 {offsets = [0, 12], sizes = [64, 256], strides = [1, 1]} : vector<64x512xf32> to vector<64x256xf32>
    %swap3A_392 = arith.constant 19 : index
    %swap3A_393 = arith.constant 0 : index
    %swap3A_394 = arith.constant 256 : index
    %swap3A_395 = vector.load %arg2[%swap3A_392, %swap3A_393, %swap3A_394] : memref<32x64x2048xf32, #tpu.memory_space<vmem>>, vector<1x64x256xf32>
    %swap3A_396 = vector.shape_cast %swap3A_395 : vector<1x64x256xf32> to vector<64x256xf32>
    %swap3A_397 = vector.shape_cast %slice3A_391 : vector<64x256xf32> to vector<1x64x256xf32>
    tpu.vector_store %arg2[%swap3A_392, %swap3A_393, %swap3A_394], %swap3A_397 {strides = array<i32>} : memref<32x64x2048xf32, #tpu.memory_space<vmem>>, vector<1x64x256xf32>,
    %slice3A_398 = vector.extract_strided_slice %roll3A_257 {offsets = [0, 11], sizes = [64, 256], strides = [1, 1]} : vector<64x512xf32> to vector<64x256xf32>
    %swap3A_399 = arith.constant 20 : index
    %swap3A_400 = arith.constant 0 : index
    %swap3A_401 = arith.constant 256 : index
    %swap3A_402 = vector.load %arg2[%swap3A_399, %swap3A_400, %swap3A_401] : memref<32x64x2048xf32, #tpu.memory_space<vmem>>, vector<1x64x256xf32>
    %swap3A_403 = vector.shape_cast %swap3A_402 : vector<1x64x256xf32> to vector<64x256xf32>
    %swap3A_404 = vector.shape_cast %slice3A_398 : vector<64x256xf32> to vector<1x64x256xf32>
    tpu.vector_store %arg2[%swap3A_399, %swap3A_400, %swap3A_401], %swap3A_404 {strides = array<i32>} : memref<32x64x2048xf32, #tpu.memory_space<vmem>>, vector<1x64x256xf32>,
    %slice3A_405 = vector.extract_strided_slice %roll3A_257 {offsets = [0, 10], sizes = [64, 256], strides = [1, 1]} : vector<64x512xf32> to vector<64x256xf32>
    %swap3A_406 = arith.constant 21 : index
    %swap3A_407 = arith.constant 0 : index
    %swap3A_408 = arith.constant 256 : index
    %swap3A_409 = vector.load %arg2[%swap3A_406, %swap3A_407, %swap3A_408] : memref<32x64x2048xf32, #tpu.memory_space<vmem>>, vector<1x64x256xf32>
    %swap3A_410 = vector.shape_cast %swap3A_409 : vector<1x64x256xf32> to vector<64x256xf32>
    %swap3A_411 = vector.shape_cast %slice3A_405 : vector<64x256xf32> to vector<1x64x256xf32>
    tpu.vector_store %arg2[%swap3A_406, %swap3A_407, %swap3A_408], %swap3A_411 {strides = array<i32>} : memref<32x64x2048xf32, #tpu.memory_space<vmem>>, vector<1x64x256xf32>,
    %slice3A_412 = vector.extract_strided_slice %roll3A_257 {offsets = [0, 9], sizes = [64, 256], strides = [1, 1]} : vector<64x512xf32> to vector<64x256xf32>
    %swap3A_413 = arith.constant 22 : index
    %swap3A_414 = arith.constant 0 : index
    %swap3A_415 = arith.constant 256 : index
    %swap3A_416 = vector.load %arg2[%swap3A_413, %swap3A_414, %swap3A_415] : memref<32x64x2048xf32, #tpu.memory_space<vmem>>, vector<1x64x256xf32>
    %swap3A_417 = vector.shape_cast %swap3A_416 : vector<1x64x256xf32> to vector<64x256xf32>
    %swap3A_418 = vector.shape_cast %slice3A_412 : vector<64x256xf32> to vector<1x64x256xf32>
    tpu.vector_store %arg2[%swap3A_413, %swap3A_414, %swap3A_415], %swap3A_418 {strides = array<i32>} : memref<32x64x2048xf32, #tpu.memory_space<vmem>>, vector<1x64x256xf32>,
    %slice3A_419 = vector.extract_strided_slice %roll3A_257 {offsets = [0, 8], sizes = [64, 256], strides = [1, 1]} : vector<64x512xf32> to vector<64x256xf32>
    %swap3A_420 = arith.constant 23 : index
    %swap3A_421 = arith.constant 0 : index
    %swap3A_422 = arith.constant 256 : index
    %swap3A_423 = vector.load %arg2[%swap3A_420, %swap3A_421, %swap3A_422] : memref<32x64x2048xf32, #tpu.memory_space<vmem>>, vector<1x64x256xf32>
    %swap3A_424 = vector.shape_cast %swap3A_423 : vector<1x64x256xf32> to vector<64x256xf32>
    %swap3A_425 = vector.shape_cast %slice3A_419 : vector<64x256xf32> to vector<1x64x256xf32>
    tpu.vector_store %arg2[%swap3A_420, %swap3A_421, %swap3A_422], %swap3A_425 {strides = array<i32>} : memref<32x64x2048xf32, #tpu.memory_space<vmem>>, vector<1x64x256xf32>,
    %slice3A_426 = vector.extract_strided_slice %roll3A_257 {offsets = [0, 7], sizes = [64, 256], strides = [1, 1]} : vector<64x512xf32> to vector<64x256xf32>
    %swap3A_427 = arith.constant 24 : index
    %swap3A_428 = arith.constant 0 : index
    %swap3A_429 = arith.constant 256 : index
    %swap3A_430 = vector.load %arg2[%swap3A_427, %swap3A_428, %swap3A_429] : memref<32x64x2048xf32, #tpu.memory_space<vmem>>, vector<1x64x256xf32>
    %swap3A_431 = vector.shape_cast %swap3A_430 : vector<1x64x256xf32> to vector<64x256xf32>
    %swap3A_432 = vector.shape_cast %slice3A_426 : vector<64x256xf32> to vector<1x64x256xf32>
    tpu.vector_store %arg2[%swap3A_427, %swap3A_428, %swap3A_429], %swap3A_432 {strides = array<i32>} : memref<32x64x2048xf32, #tpu.memory_space<vmem>>, vector<1x64x256xf32>,
    %slice3A_433 = vector.extract_strided_slice %roll3A_257 {offsets = [0, 6], sizes = [64, 256], strides = [1, 1]} : vector<64x512xf32> to vector<64x256xf32>
    %swap3A_434 = arith.constant 25 : index
    %swap3A_435 = arith.constant 0 : index
    %swap3A_436 = arith.constant 256 : index
    %swap3A_437 = vector.load %arg2[%swap3A_434, %swap3A_435, %swap3A_436] : memref<32x64x2048xf32, #tpu.memory_space<vmem>>, vector<1x64x256xf32>
    %swap3A_438 = vector.shape_cast %swap3A_437 : vector<1x64x256xf32> to vector<64x256xf32>
    %swap3A_439 = vector.shape_cast %slice3A_433 : vector<64x256xf32> to vector<1x64x256xf32>
    tpu.vector_store %arg2[%swap3A_434, %swap3A_435, %swap3A_436], %swap3A_439 {strides = array<i32>} : memref<32x64x2048xf32, #tpu.memory_space<vmem>>, vector<1x64x256xf32>,
    %slice3A_440 = vector.extract_strided_slice %roll3A_257 {offsets = [0, 5], sizes = [64, 256], strides = [1, 1]} : vector<64x512xf32> to vector<64x256xf32>
    %swap3A_441 = arith.constant 26 : index
    %swap3A_442 = arith.constant 0 : index
    %swap3A_443 = arith.constant 256 : index
    %swap3A_444 = vector.load %arg2[%swap3A_441, %swap3A_442, %swap3A_443] : memref<32x64x2048xf32, #tpu.memory_space<vmem>>, vector<1x64x256xf32>
    %swap3A_445 = vector.shape_cast %swap3A_444 : vector<1x64x256xf32> to vector<64x256xf32>
    %swap3A_446 = vector.shape_cast %slice3A_440 : vector<64x256xf32> to vector<1x64x256xf32>
    tpu.vector_store %arg2[%swap3A_441, %swap3A_442, %swap3A_443], %swap3A_446 {strides = array<i32>} : memref<32x64x2048xf32, #tpu.memory_space<vmem>>, vector<1x64x256xf32>,
    %slice3A_447 = vector.extract_strided_slice %roll3A_257 {offsets = [0, 4], sizes = [64, 256], strides = [1, 1]} : vector<64x512xf32> to vector<64x256xf32>
    %swap3A_448 = arith.constant 27 : index
    %swap3A_449 = arith.constant 0 : index
    %swap3A_450 = arith.constant 256 : index
    %swap3A_451 = vector.load %arg2[%swap3A_448, %swap3A_449, %swap3A_450] : memref<32x64x2048xf32, #tpu.memory_space<vmem>>, vector<1x64x256xf32>
    %swap3A_452 = vector.shape_cast %swap3A_451 : vector<1x64x256xf32> to vector<64x256xf32>
    %swap3A_453 = vector.shape_cast %slice3A_447 : vector<64x256xf32> to vector<1x64x256xf32>
    tpu.vector_store %arg2[%swap3A_448, %swap3A_449, %swap3A_450], %swap3A_453 {strides = array<i32>} : memref<32x64x2048xf32, #tpu.memory_space<vmem>>, vector<1x64x256xf32>,
    %slice3A_454 = vector.extract_strided_slice %roll3A_257 {offsets = [0, 3], sizes = [64, 256], strides = [1, 1]} : vector<64x512xf32> to vector<64x256xf32>
    %swap3A_455 = arith.constant 28 : index
    %swap3A_456 = arith.constant 0 : index
    %swap3A_457 = arith.constant 256 : index
    %swap3A_458 = vector.load %arg2[%swap3A_455, %swap3A_456, %swap3A_457] : memref<32x64x2048xf32, #tpu.memory_space<vmem>>, vector<1x64x256xf32>
    %swap3A_459 = vector.shape_cast %swap3A_458 : vector<1x64x256xf32> to vector<64x256xf32>
    %swap3A_460 = vector.shape_cast %slice3A_454 : vector<64x256xf32> to vector<1x64x256xf32>
    tpu.vector_store %arg2[%swap3A_455, %swap3A_456, %swap3A_457], %swap3A_460 {strides = array<i32>} : memref<32x64x2048xf32, #tpu.memory_space<vmem>>, vector<1x64x256xf32>,
    %slice3A_461 = vector.extract_strided_slice %roll3A_257 {offsets = [0, 2], sizes = [64, 256], strides = [1, 1]} : vector<64x512xf32> to vector<64x256xf32>
    %swap3A_462 = arith.constant 29 : index
    %swap3A_463 = arith.constant 0 : index
    %swap3A_464 = arith.constant 256 : index
    %swap3A_465 = vector.load %arg2[%swap3A_462, %swap3A_463, %swap3A_464] : memref<32x64x2048xf32, #tpu.memory_space<vmem>>, vector<1x64x256xf32>
    %swap3A_466 = vector.shape_cast %swap3A_465 : vector<1x64x256xf32> to vector<64x256xf32>
    %swap3A_467 = vector.shape_cast %slice3A_461 : vector<64x256xf32> to vector<1x64x256xf32>
    tpu.vector_store %arg2[%swap3A_462, %swap3A_463, %swap3A_464], %swap3A_467 {strides = array<i32>} : memref<32x64x2048xf32, #tpu.memory_space<vmem>>, vector<1x64x256xf32>,
    %slice3A_468 = vector.extract_strided_slice %roll3A_257 {offsets = [0, 1], sizes = [64, 256], strides = [1, 1]} : vector<64x512xf32> to vector<64x256xf32>
    %swap3A_469 = arith.constant 30 : index
    %swap3A_470 = arith.constant 0 : index
    %swap3A_471 = arith.constant 256 : index
    %swap3A_472 = vector.load %arg2[%swap3A_469, %swap3A_470, %swap3A_471] : memref<32x64x2048xf32, #tpu.memory_space<vmem>>, vector<1x64x256xf32>
    %swap3A_473 = vector.shape_cast %swap3A_472 : vector<1x64x256xf32> to vector<64x256xf32>
    %swap3A_474 = vector.shape_cast %slice3A_468 : vector<64x256xf32> to vector<1x64x256xf32>
    tpu.vector_store %arg2[%swap3A_469, %swap3A_470, %swap3A_471], %swap3A_474 {strides = array<i32>} : memref<32x64x2048xf32, #tpu.memory_space<vmem>>, vector<1x64x256xf32>,
    %slice3A_475 = vector.extract_strided_slice %roll3A_257 {offsets = [0, 0], sizes = [64, 256], strides = [1, 1]} : vector<64x512xf32> to vector<64x256xf32>
    %swap3A_476 = arith.constant 31 : index
    %swap3A_477 = arith.constant 0 : index
    %swap3A_478 = arith.constant 256 : index
    %swap3A_479 = vector.load %arg2[%swap3A_476, %swap3A_477, %swap3A_478] : memref<32x64x2048xf32, #tpu.memory_space<vmem>>, vector<1x64x256xf32>
    %swap3A_480 = vector.shape_cast %swap3A_479 : vector<1x64x256xf32> to vector<64x256xf32>
    %swap3A_481 = vector.shape_cast %slice3A_475 : vector<64x256xf32> to vector<1x64x256xf32>
    tpu.vector_store %arg2[%swap3A_476, %swap3A_477, %swap3A_478], %swap3A_481 {strides = array<i32>} : memref<32x64x2048xf32, #tpu.memory_space<vmem>>, vector<1x64x256xf32>,
    %add3A_482 = arith.constant 512 : i32
    %add3A_483 = arith.addi %multiple_of3A, %add3A_482 : i32
    %get3A_484 = arith.constant 0 : index
    %get3A_485 = arith.index_cast %add3A_483 : i32 to index
    %get3A_486 = vector.load %arg1[%get3A_484, %get3A_485] : memref<64x4352xf32, #tpu.memory_space<vmem>>, vector<64x512xf32>
    %neg3A_487 = arith.constant 0 : i32
    %neg3A_488 = arith.subi %neg3A_487, %sub3A_22 : i32
    %roll3A_489 = tpu.dynamic_rotate %get3A_486 by %neg3A_488 dim 1 : vector<64x512xf32>, i32 -> vector<64x512xf32>
    %slice3A_490 = vector.extract_strided_slice %roll3A_489 {offsets = [0, 31], sizes = [64, 256], strides = [1, 1]} : vector<64x512xf32> to vector<64x256xf32>
    %swap3A_491 = arith.constant 0 : index
    %swap3A_492 = arith.constant 0 : index
    %swap3A_493 = arith.constant 512 : index
    %swap3A_494 = vector.load %arg2[%swap3A_491, %swap3A_492, %swap3A_493] : memref<32x64x2048xf32, #tpu.memory_space<vmem>>, vector<1x64x256xf32>
    %swap3A_495 = vector.shape_cast %swap3A_494 : vector<1x64x256xf32> to vector<64x256xf32>
    %swap3A_496 = vector.shape_cast %slice3A_490 : vector<64x256xf32> to vector<1x64x256xf32>
    tpu.vector_store %arg2[%swap3A_491, %swap3A_492, %swap3A_493], %swap3A_496 {strides = array<i32>} : memref<32x64x2048xf32, #tpu.memory_space<vmem>>, vector<1x64x256xf32>,
    %slice3A_497 = vector.extract_strided_slice %roll3A_489 {offsets = [0, 30], sizes = [64, 256], strides = [1, 1]} : vector<64x512xf32> to vector<64x256xf32>
    %swap3A_498 = arith.constant 1 : index
    %swap3A_499 = arith.constant 0 : index
    %swap3A_500 = arith.constant 512 : index
    %swap3A_501 = vector.load %arg2[%swap3A_498, %swap3A_499, %swap3A_500] : memref<32x64x2048xf32, #tpu.memory_space<vmem>>, vector<1x64x256xf32>
    %swap3A_502 = vector.shape_cast %swap3A_501 : vector<1x64x256xf32> to vector<64x256xf32>
    %swap3A_503 = vector.shape_cast %slice3A_497 : vector<64x256xf32> to vector<1x64x256xf32>
    tpu.vector_store %arg2[%swap3A_498, %swap3A_499, %swap3A_500], %swap3A_503 {strides = array<i32>} : memref<32x64x2048xf32, #tpu.memory_space<vmem>>, vector<1x64x256xf32>,
    %slice3A_504 = vector.extract_strided_slice %roll3A_489 {offsets = [0, 29], sizes = [64, 256], strides = [1, 1]} : vector<64x512xf32> to vector<64x256xf32>
    %swap3A_505 = arith.constant 2 : index
    %swap3A_506 = arith.constant 0 : index
    %swap3A_507 = arith.constant 512 : index
    %swap3A_508 = vector.load %arg2[%swap3A_505, %swap3A_506, %swap3A_507] : memref<32x64x2048xf32, #tpu.memory_space<vmem>>, vector<1x64x256xf32>
    %swap3A_509 = vector.shape_cast %swap3A_508 : vector<1x64x256xf32> to vector<64x256xf32>
    %swap3A_510 = vector.shape_cast %slice3A_504 : vector<64x256xf32> to vector<1x64x256xf32>
    tpu.vector_store %arg2[%swap3A_505, %swap3A_506, %swap3A_507], %swap3A_510 {strides = array<i32>} : memref<32x64x2048xf32, #tpu.memory_space<vmem>>, vector<1x64x256xf32>,
    %slice3A_511 = vector.extract_strided_slice %roll3A_489 {offsets = [0, 28], sizes = [64, 256], strides = [1, 1]} : vector<64x512xf32> to vector<64x256xf32>
    %swap3A_512 = arith.constant 3 : index
    %swap3A_513 = arith.constant 0 : index
    %swap3A_514 = arith.constant 512 : index
    %swap3A_515 = vector.load %arg2[%swap3A_512, %swap3A_513, %swap3A_514] : memref<32x64x2048xf32, #tpu.memory_space<vmem>>, vector<1x64x256xf32>
    %swap3A_516 = vector.shape_cast %swap3A_515 : vector<1x64x256xf32> to vector<64x256xf32>
    %swap3A_517 = vector.shape_cast %slice3A_511 : vector<64x256xf32> to vector<1x64x256xf32>
    tpu.vector_store %arg2[%swap3A_512, %swap3A_513, %swap3A_514], %swap3A_517 {strides = array<i32>} : memref<32x64x2048xf32, #tpu.memory_space<vmem>>, vector<1x64x256xf32>,
    %slice3A_518 = vector.extract_strided_slice %roll3A_489 {offsets = [0, 27], sizes = [64, 256], strides = [1, 1]} : vector<64x512xf32> to vector<64x256xf32>
    %swap3A_519 = arith.constant 4 : index
    %swap3A_520 = arith.constant 0 : index
    %swap3A_521 = arith.constant 512 : index
    %swap3A_522 = vector.load %arg2[%swap3A_519, %swap3A_520, %swap3A_521] : memref<32x64x2048xf32, #tpu.memory_space<vmem>>, vector<1x64x256xf32>
    %swap3A_523 = vector.shape_cast %swap3A_522 : vector<1x64x256xf32> to vector<64x256xf32>
    %swap3A_524 = vector.shape_cast %slice3A_518 : vector<64x256xf32> to vector<1x64x256xf32>
    tpu.vector_store %arg2[%swap3A_519, %swap3A_520, %swap3A_521], %swap3A_524 {strides = array<i32>} : memref<32x64x2048xf32, #tpu.memory_space<vmem>>, vector<1x64x256xf32>,
    %slice3A_525 = vector.extract_strided_slice %roll3A_489 {offsets = [0, 26], sizes = [64, 256], strides = [1, 1]} : vector<64x512xf32> to vector<64x256xf32>
    %swap3A_526 = arith.constant 5 : index
    %swap3A_527 = arith.constant 0 : index
    %swap3A_528 = arith.constant 512 : index
    %swap3A_529 = vector.load %arg2[%swap3A_526, %swap3A_527, %swap3A_528] : memref<32x64x2048xf32, #tpu.memory_space<vmem>>, vector<1x64x256xf32>
    %swap3A_530 = vector.shape_cast %swap3A_529 : vector<1x64x256xf32> to vector<64x256xf32>
    %swap3A_531 = vector.shape_cast %slice3A_525 : vector<64x256xf32> to vector<1x64x256xf32>
    tpu.vector_store %arg2[%swap3A_526, %swap3A_527, %swap3A_528], %swap3A_531 {strides = array<i32>} : memref<32x64x2048xf32, #tpu.memory_space<vmem>>, vector<1x64x256xf32>,
    %slice3A_532 = vector.extract_strided_slice %roll3A_489 {offsets = [0, 25], sizes = [64, 256], strides = [1, 1]} : vector<64x512xf32> to vector<64x256xf32>
    %swap3A_533 = arith.constant 6 : index
    %swap3A_534 = arith.constant 0 : index
    %swap3A_535 = arith.constant 512 : index
    %swap3A_536 = vector.load %arg2[%swap3A_533, %swap3A_534, %swap3A_535] : memref<32x64x2048xf32, #tpu.memory_space<vmem>>, vector<1x64x256xf32>
    %swap3A_537 = vector.shape_cast %swap3A_536 : vector<1x64x256xf32> to vector<64x256xf32>
    %swap3A_538 = vector.shape_cast %slice3A_532 : vector<64x256xf32> to vector<1x64x256xf32>
    tpu.vector_store %arg2[%swap3A_533, %swap3A_534, %swap3A_535], %swap3A_538 {strides = array<i32>} : memref<32x64x2048xf32, #tpu.memory_space<vmem>>, vector<1x64x256xf32>,
    %slice3A_539 = vector.extract_strided_slice %roll3A_489 {offsets = [0, 24], sizes = [64, 256], strides = [1, 1]} : vector<64x512xf32> to vector<64x256xf32>
    %swap3A_540 = arith.constant 7 : index
    %swap3A_541 = arith.constant 0 : index
    %swap3A_542 = arith.constant 512 : index
    %swap3A_543 = vector.load %arg2[%swap3A_540, %swap3A_541, %swap3A_542] : memref<32x64x2048xf32, #tpu.memory_space<vmem>>, vector<1x64x256xf32>
    %swap3A_544 = vector.shape_cast %swap3A_543 : vector<1x64x256xf32> to vector<64x256xf32>
    %swap3A_545 = vector.shape_cast %slice3A_539 : vector<64x256xf32> to vector<1x64x256xf32>
    tpu.vector_store %arg2[%swap3A_540, %swap3A_541, %swap3A_542], %swap3A_545 {strides = array<i32>} : memref<32x64x2048xf32, #tpu.memory_space<vmem>>, vector<1x64x256xf32>,
    %slice3A_546 = vector.extract_strided_slice %roll3A_489 {offsets = [0, 23], sizes = [64, 256], strides = [1, 1]} : vector<64x512xf32> to vector<64x256xf32>
    %swap3A_547 = arith.constant 8 : index
    %swap3A_548 = arith.constant 0 : index
    %swap3A_549 = arith.constant 512 : index
    %swap3A_550 = vector.load %arg2[%swap3A_547, %swap3A_548, %swap3A_549] : memref<32x64x2048xf32, #tpu.memory_space<vmem>>, vector<1x64x256xf32>
    %swap3A_551 = vector.shape_cast %swap3A_550 : vector<1x64x256xf32> to vector<64x256xf32>
    %swap3A_552 = vector.shape_cast %slice3A_546 : vector<64x256xf32> to vector<1x64x256xf32>
    tpu.vector_store %arg2[%swap3A_547, %swap3A_548, %swap3A_549], %swap3A_552 {strides = array<i32>} : memref<32x64x2048xf32, #tpu.memory_space<vmem>>, vector<1x64x256xf32>,
    %slice3A_553 = vector.extract_strided_slice %roll3A_489 {offsets = [0, 22], sizes = [64, 256], strides = [1, 1]} : vector<64x512xf32> to vector<64x256xf32>
    %swap3A_554 = arith.constant 9 : index
    %swap3A_555 = arith.constant 0 : index
    %swap3A_556 = arith.constant 512 : index
    %swap3A_557 = vector.load %arg2[%swap3A_554, %swap3A_555, %swap3A_556] : memref<32x64x2048xf32, #tpu.memory_space<vmem>>, vector<1x64x256xf32>
    %swap3A_558 = vector.shape_cast %swap3A_557 : vector<1x64x256xf32> to vector<64x256xf32>
    %swap3A_559 = vector.shape_cast %slice3A_553 : vector<64x256xf32> to vector<1x64x256xf32>
    tpu.vector_store %arg2[%swap3A_554, %swap3A_555, %swap3A_556], %swap3A_559 {strides = array<i32>} : memref<32x64x2048xf32, #tpu.memory_space<vmem>>, vector<1x64x256xf32>,
    %slice3A_560 = vector.extract_strided_slice %roll3A_489 {offsets = [0, 21], sizes = [64, 256], strides = [1, 1]} : vector<64x512xf32> to vector<64x256xf32>
    %swap3A_561 = arith.constant 10 : index
    %swap3A_562 = arith.constant 0 : index
    %swap3A_563 = arith.constant 512 : index
    %swap3A_564 = vector.load %arg2[%swap3A_561, %swap3A_562, %swap3A_563] : memref<32x64x2048xf32, #tpu.memory_space<vmem>>, vector<1x64x256xf32>
    %swap3A_565 = vector.shape_cast %swap3A_564 : vector<1x64x256xf32> to vector<64x256xf32>
    %swap3A_566 = vector.shape_cast %slice3A_560 : vector<64x256xf32> to vector<1x64x256xf32>
    tpu.vector_store %arg2[%swap3A_561, %swap3A_562, %swap3A_563], %swap3A_566 {strides = array<i32>} : memref<32x64x2048xf32, #tpu.memory_space<vmem>>, vector<1x64x256xf32>,
    %slice3A_567 = vector.extract_strided_slice %roll3A_489 {offsets = [0, 20], sizes = [64, 256], strides = [1, 1]} : vector<64x512xf32> to vector<64x256xf32>
    %swap3A_568 = arith.constant 11 : index
    %swap3A_569 = arith.constant 0 : index
    %swap3A_570 = arith.constant 512 : index
    %swap3A_571 = vector.load %arg2[%swap3A_568, %swap3A_569, %swap3A_570] : memref<32x64x2048xf32, #tpu.memory_space<vmem>>, vector<1x64x256xf32>
    %swap3A_572 = vector.shape_cast %swap3A_571 : vector<1x64x256xf32> to vector<64x256xf32>
    %swap3A_573 = vector.shape_cast %slice3A_567 : vector<64x256xf32> to vector<1x64x256xf32>
    tpu.vector_store %arg2[%swap3A_568, %swap3A_569, %swap3A_570], %swap3A_573 {strides = array<i32>} : memref<32x64x2048xf32, #tpu.memory_space<vmem>>, vector<1x64x256xf32>,
    %slice3A_574 = vector.extract_strided_slice %roll3A_489 {offsets = [0, 19], sizes = [64, 256], strides = [1, 1]} : vector<64x512xf32> to vector<64x256xf32>
    %swap3A_575 = arith.constant 12 : index
    %swap3A_576 = arith.constant 0 : index
    %swap3A_577 = arith.constant 512 : index
    %swap3A_578 = vector.load %arg2[%swap3A_575, %swap3A_576, %swap3A_577] : memref<32x64x2048xf32, #tpu.memory_space<vmem>>, vector<1x64x256xf32>
    %swap3A_579 = vector.shape_cast %swap3A_578 : vector<1x64x256xf32> to vector<64x256xf32>
    %swap3A_580 = vector.shape_cast %slice3A_574 : vector<64x256xf32> to vector<1x64x256xf32>
    tpu.vector_store %arg2[%swap3A_575, %swap3A_576, %swap3A_577], %swap3A_580 {strides = array<i32>} : memref<32x64x2048xf32, #tpu.memory_space<vmem>>, vector<1x64x256xf32>,
    %slice3A_581 = vector.extract_strided_slice %roll3A_489 {offsets = [0, 18], sizes = [64, 256], strides = [1, 1]} : vector<64x512xf32> to vector<64x256xf32>
    %swap3A_582 = arith.constant 13 : index
    %swap3A_583 = arith.constant 0 : index
    %swap3A_584 = arith.constant 512 : index
    %swap3A_585 = vector.load %arg2[%swap3A_582, %swap3A_583, %swap3A_584] : memref<32x64x2048xf32, #tpu.memory_space<vmem>>, vector<1x64x256xf32>
    %swap3A_586 = vector.shape_cast %swap3A_585 : vector<1x64x256xf32> to vector<64x256xf32>
    %swap3A_587 = vector.shape_cast %slice3A_581 : vector<64x256xf32> to vector<1x64x256xf32>
    tpu.vector_store %arg2[%swap3A_582, %swap3A_583, %swap3A_584], %swap3A_587 {strides = array<i32>} : memref<32x64x2048xf32, #tpu.memory_space<vmem>>, vector<1x64x256xf32>,
    %slice3A_588 = vector.extract_strided_slice %roll3A_489 {offsets = [0, 17], sizes = [64, 256], strides = [1, 1]} : vector<64x512xf32> to vector<64x256xf32>
    %swap3A_589 = arith.constant 14 : index
    %swap3A_590 = arith.constant 0 : index
    %swap3A_591 = arith.constant 512 : index
    %swap3A_592 = vector.load %arg2[%swap3A_589, %swap3A_590, %swap3A_591] : memref<32x64x2048xf32, #tpu.memory_space<vmem>>, vector<1x64x256xf32>
    %swap3A_593 = vector.shape_cast %swap3A_592 : vector<1x64x256xf32> to vector<64x256xf32>
    %swap3A_594 = vector.shape_cast %slice3A_588 : vector<64x256xf32> to vector<1x64x256xf32>
    tpu.vector_store %arg2[%swap3A_589, %swap3A_590, %swap3A_591], %swap3A_594 {strides = array<i32>} : memref<32x64x2048xf32, #tpu.memory_space<vmem>>, vector<1x64x256xf32>,
    %slice3A_595 = vector.extract_strided_slice %roll3A_489 {offsets = [0, 16], sizes = [64, 256], strides = [1, 1]} : vector<64x512xf32> to vector<64x256xf32>
    %swap3A_596 = arith.constant 15 : index
    %swap3A_597 = arith.constant 0 : index
    %swap3A_598 = arith.constant 512 : index
    %swap3A_599 = vector.load %arg2[%swap3A_596, %swap3A_597, %swap3A_598] : memref<32x64x2048xf32, #tpu.memory_space<vmem>>, vector<1x64x256xf32>
    %swap3A_600 = vector.shape_cast %swap3A_599 : vector<1x64x256xf32> to vector<64x256xf32>
    %swap3A_601 = vector.shape_cast %slice3A_595 : vector<64x256xf32> to vector<1x64x256xf32>
    tpu.vector_store %arg2[%swap3A_596, %swap3A_597, %swap3A_598], %swap3A_601 {strides = array<i32>} : memref<32x64x2048xf32, #tpu.memory_space<vmem>>, vector<1x64x256xf32>,
    %slice3A_602 = vector.extract_strided_slice %roll3A_489 {offsets = [0, 15], sizes = [64, 256], strides = [1, 1]} : vector<64x512xf32> to vector<64x256xf32>
    %swap3A_603 = arith.constant 16 : index
    %swap3A_604 = arith.constant 0 : index
    %swap3A_605 = arith.constant 512 : index
    %swap3A_606 = vector.load %arg2[%swap3A_603, %swap3A_604, %swap3A_605] : memref<32x64x2048xf32, #tpu.memory_space<vmem>>, vector<1x64x256xf32>
    %swap3A_607 = vector.shape_cast %swap3A_606 : vector<1x64x256xf32> to vector<64x256xf32>
    %swap3A_608 = vector.shape_cast %slice3A_602 : vector<64x256xf32> to vector<1x64x256xf32>
    tpu.vector_store %arg2[%swap3A_603, %swap3A_604, %swap3A_605], %swap3A_608 {strides = array<i32>} : memref<32x64x2048xf32, #tpu.memory_space<vmem>>, vector<1x64x256xf32>,
    %slice3A_609 = vector.extract_strided_slice %roll3A_489 {offsets = [0, 14], sizes = [64, 256], strides = [1, 1]} : vector<64x512xf32> to vector<64x256xf32>
    %swap3A_610 = arith.constant 17 : index
    %swap3A_611 = arith.constant 0 : index
    %swap3A_612 = arith.constant 512 : index
    %swap3A_613 = vector.load %arg2[%swap3A_610, %swap3A_611, %swap3A_612] : memref<32x64x2048xf32, #tpu.memory_space<vmem>>, vector<1x64x256xf32>
    %swap3A_614 = vector.shape_cast %swap3A_613 : vector<1x64x256xf32> to vector<64x256xf32>
    %swap3A_615 = vector.shape_cast %slice3A_609 : vector<64x256xf32> to vector<1x64x256xf32>
    tpu.vector_store %arg2[%swap3A_610, %swap3A_611, %swap3A_612], %swap3A_615 {strides = array<i32>} : memref<32x64x2048xf32, #tpu.memory_space<vmem>>, vector<1x64x256xf32>,
    %slice3A_616 = vector.extract_strided_slice %roll3A_489 {offsets = [0, 13], sizes = [64, 256], strides = [1, 1]} : vector<64x512xf32> to vector<64x256xf32>
    %swap3A_617 = arith.constant 18 : index
    %swap3A_618 = arith.constant 0 : index
    %swap3A_619 = arith.constant 512 : index
    %swap3A_620 = vector.load %arg2[%swap3A_617, %swap3A_618, %swap3A_619] : memref<32x64x2048xf32, #tpu.memory_space<vmem>>, vector<1x64x256xf32>
    %swap3A_621 = vector.shape_cast %swap3A_620 : vector<1x64x256xf32> to vector<64x256xf32>
    %swap3A_622 = vector.shape_cast %slice3A_616 : vector<64x256xf32> to vector<1x64x256xf32>
    tpu.vector_store %arg2[%swap3A_617, %swap3A_618, %swap3A_619], %swap3A_622 {strides = array<i32>} : memref<32x64x2048xf32, #tpu.memory_space<vmem>>, vector<1x64x256xf32>,
    %slice3A_623 = vector.extract_strided_slice %roll3A_489 {offsets = [0, 12], sizes = [64, 256], strides = [1, 1]} : vector<64x512xf32> to vector<64x256xf32>
    %swap3A_624 = arith.constant 19 : index
    %swap3A_625 = arith.constant 0 : index
    %swap3A_626 = arith.constant 512 : index
    %swap3A_627 = vector.load %arg2[%swap3A_624, %swap3A_625, %swap3A_626] : memref<32x64x2048xf32, #tpu.memory_space<vmem>>, vector<1x64x256xf32>
    %swap3A_628 = vector.shape_cast %swap3A_627 : vector<1x64x256xf32> to vector<64x256xf32>
    %swap3A_629 = vector.shape_cast %slice3A_623 : vector<64x256xf32> to vector<1x64x256xf32>
    tpu.vector_store %arg2[%swap3A_624, %swap3A_625, %swap3A_626], %swap3A_629 {strides = array<i32>} : memref<32x64x2048xf32, #tpu.memory_space<vmem>>, vector<1x64x256xf32>,
    %slice3A_630 = vector.extract_strided_slice %roll3A_489 {offsets = [0, 11], sizes = [64, 256], strides = [1, 1]} : vector<64x512xf32> to vector<64x256xf32>
    %swap3A_631 = arith.constant 20 : index
    %swap3A_632 = arith.constant 0 : index
    %swap3A_633 = arith.constant 512 : index
    %swap3A_634 = vector.load %arg2[%swap3A_631, %swap3A_632, %swap3A_633] : memref<32x64x2048xf32, #tpu.memory_space<vmem>>, vector<1x64x256xf32>
    %swap3A_635 = vector.shape_cast %swap3A_634 : vector<1x64x256xf32> to vector<64x256xf32>
    %swap3A_636 = vector.shape_cast %slice3A_630 : vector<64x256xf32> to vector<1x64x256xf32>
    tpu.vector_store %arg2[%swap3A_631, %swap3A_632, %swap3A_633], %swap3A_636 {strides = array<i32>} : memref<32x64x2048xf32, #tpu.memory_space<vmem>>, vector<1x64x256xf32>,
    %slice3A_637 = vector.extract_strided_slice %roll3A_489 {offsets = [0, 10], sizes = [64, 256], strides = [1, 1]} : vector<64x512xf32> to vector<64x256xf32>
    %swap3A_638 = arith.constant 21 : index
    %swap3A_639 = arith.constant 0 : index
    %swap3A_640 = arith.constant 512 : index
    %swap3A_641 = vector.load %arg2[%swap3A_638, %swap3A_639, %swap3A_640] : memref<32x64x2048xf32, #tpu.memory_space<vmem>>, vector<1x64x256xf32>
    %swap3A_642 = vector.shape_cast %swap3A_641 : vector<1x64x256xf32> to vector<64x256xf32>
    %swap3A_643 = vector.shape_cast %slice3A_637 : vector<64x256xf32> to vector<1x64x256xf32>
    tpu.vector_store %arg2[%swap3A_638, %swap3A_639, %swap3A_640], %swap3A_643 {strides = array<i32>} : memref<32x64x2048xf32, #tpu.memory_space<vmem>>, vector<1x64x256xf32>,
    %slice3A_644 = vector.extract_strided_slice %roll3A_489 {offsets = [0, 9], sizes = [64, 256], strides = [1, 1]} : vector<64x512xf32> to vector<64x256xf32>
    %swap3A_645 = arith.constant 22 : index
    %swap3A_646 = arith.constant 0 : index
    %swap3A_647 = arith.constant 512 : index
    %swap3A_648 = vector.load %arg2[%swap3A_645, %swap3A_646, %swap3A_647] : memref<32x64x2048xf32, #tpu.memory_space<vmem>>, vector<1x64x256xf32>
    %swap3A_649 = vector.shape_cast %swap3A_648 : vector<1x64x256xf32> to vector<64x256xf32>
    %swap3A_650 = vector.shape_cast %slice3A_644 : vector<64x256xf32> to vector<1x64x256xf32>
    tpu.vector_store %arg2[%swap3A_645, %swap3A_646, %swap3A_647], %swap3A_650 {strides = array<i32>} : memref<32x64x2048xf32, #tpu.memory_space<vmem>>, vector<1x64x256xf32>,
    %slice3A_651 = vector.extract_strided_slice %roll3A_489 {offsets = [0, 8], sizes = [64, 256], strides = [1, 1]} : vector<64x512xf32> to vector<64x256xf32>
    %swap3A_652 = arith.constant 23 : index
    %swap3A_653 = arith.constant 0 : index
    %swap3A_654 = arith.constant 512 : index
    %swap3A_655 = vector.load %arg2[%swap3A_652, %swap3A_653, %swap3A_654] : memref<32x64x2048xf32, #tpu.memory_space<vmem>>, vector<1x64x256xf32>
    %swap3A_656 = vector.shape_cast %swap3A_655 : vector<1x64x256xf32> to vector<64x256xf32>
    %swap3A_657 = vector.shape_cast %slice3A_651 : vector<64x256xf32> to vector<1x64x256xf32>
    tpu.vector_store %arg2[%swap3A_652, %swap3A_653, %swap3A_654], %swap3A_657 {strides = array<i32>} : memref<32x64x2048xf32, #tpu.memory_space<vmem>>, vector<1x64x256xf32>,
    %slice3A_658 = vector.extract_strided_slice %roll3A_489 {offsets = [0, 7], sizes = [64, 256], strides = [1, 1]} : vector<64x512xf32> to vector<64x256xf32>
    %swap3A_659 = arith.constant 24 : index
    %swap3A_660 = arith.constant 0 : index
    %swap3A_661 = arith.constant 512 : index
    %swap3A_662 = vector.load %arg2[%swap3A_659, %swap3A_660, %swap3A_661] : memref<32x64x2048xf32, #tpu.memory_space<vmem>>, vector<1x64x256xf32>
    %swap3A_663 = vector.shape_cast %swap3A_662 : vector<1x64x256xf32> to vector<64x256xf32>
    %swap3A_664 = vector.shape_cast %slice3A_658 : vector<64x256xf32> to vector<1x64x256xf32>
    tpu.vector_store %arg2[%swap3A_659, %swap3A_660, %swap3A_661], %swap3A_664 {strides = array<i32>} : memref<32x64x2048xf32, #tpu.memory_space<vmem>>, vector<1x64x256xf32>,
    %slice3A_665 = vector.extract_strided_slice %roll3A_489 {offsets = [0, 6], sizes = [64, 256], strides = [1, 1]} : vector<64x512xf32> to vector<64x256xf32>
    %swap3A_666 = arith.constant 25 : index
    %swap3A_667 = arith.constant 0 : index
    %swap3A_668 = arith.constant 512 : index
    %swap3A_669 = vector.load %arg2[%swap3A_666, %swap3A_667, %swap3A_668] : memref<32x64x2048xf32, #tpu.memory_space<vmem>>, vector<1x64x256xf32>
    %swap3A_670 = vector.shape_cast %swap3A_669 : vector<1x64x256xf32> to vector<64x256xf32>
    %swap3A_671 = vector.shape_cast %slice3A_665 : vector<64x256xf32> to vector<1x64x256xf32>
    tpu.vector_store %arg2[%swap3A_666, %swap3A_667, %swap3A_668], %swap3A_671 {strides = array<i32>} : memref<32x64x2048xf32, #tpu.memory_space<vmem>>, vector<1x64x256xf32>,
    %slice3A_672 = vector.extract_strided_slice %roll3A_489 {offsets = [0, 5], sizes = [64, 256], strides = [1, 1]} : vector<64x512xf32> to vector<64x256xf32>
    %swap3A_673 = arith.constant 26 : index
    %swap3A_674 = arith.constant 0 : index
    %swap3A_675 = arith.constant 512 : index
    %swap3A_676 = vector.load %arg2[%swap3A_673, %swap3A_674, %swap3A_675] : memref<32x64x2048xf32, #tpu.memory_space<vmem>>, vector<1x64x256xf32>
    %swap3A_677 = vector.shape_cast %swap3A_676 : vector<1x64x256xf32> to vector<64x256xf32>
    %swap3A_678 = vector.shape_cast %slice3A_672 : vector<64x256xf32> to vector<1x64x256xf32>
    tpu.vector_store %arg2[%swap3A_673, %swap3A_674, %swap3A_675], %swap3A_678 {strides = array<i32>} : memref<32x64x2048xf32, #tpu.memory_space<vmem>>, vector<1x64x256xf32>,
    %slice3A_679 = vector.extract_strided_slice %roll3A_489 {offsets = [0, 4], sizes = [64, 256], strides = [1, 1]} : vector<64x512xf32> to vector<64x256xf32>
    %swap3A_680 = arith.constant 27 : index
    %swap3A_681 = arith.constant 0 : index
    %swap3A_682 = arith.constant 512 : index
    %swap3A_683 = vector.load %arg2[%swap3A_680, %swap3A_681, %swap3A_682] : memref<32x64x2048xf32, #tpu.memory_space<vmem>>, vector<1x64x256xf32>
    %swap3A_684 = vector.shape_cast %swap3A_683 : vector<1x64x256xf32> to vector<64x256xf32>
    %swap3A_685 = vector.shape_cast %slice3A_679 : vector<64x256xf32> to vector<1x64x256xf32>
    tpu.vector_store %arg2[%swap3A_680, %swap3A_681, %swap3A_682], %swap3A_685 {strides = array<i32>} : memref<32x64x2048xf32, #tpu.memory_space<vmem>>, vector<1x64x256xf32>,
    %slice3A_686 = vector.extract_strided_slice %roll3A_489 {offsets = [0, 3], sizes = [64, 256], strides = [1, 1]} : vector<64x512xf32> to vector<64x256xf32>
    %swap3A_687 = arith.constant 28 : index
    %swap3A_688 = arith.constant 0 : index
    %swap3A_689 = arith.constant 512 : index
    %swap3A_690 = vector.load %arg2[%swap3A_687, %swap3A_688, %swap3A_689] : memref<32x64x2048xf32, #tpu.memory_space<vmem>>, vector<1x64x256xf32>
    %swap3A_691 = vector.shape_cast %swap3A_690 : vector<1x64x256xf32> to vector<64x256xf32>
    %swap3A_692 = vector.shape_cast %slice3A_686 : vector<64x256xf32> to vector<1x64x256xf32>
    tpu.vector_store %arg2[%swap3A_687, %swap3A_688, %swap3A_689], %swap3A_692 {strides = array<i32>} : memref<32x64x2048xf32, #tpu.memory_space<vmem>>, vector<1x64x256xf32>,
    %slice3A_693 = vector.extract_strided_slice %roll3A_489 {offsets = [0, 2], sizes = [64, 256], strides = [1, 1]} : vector<64x512xf32> to vector<64x256xf32>
    %swap3A_694 = arith.constant 29 : index
    %swap3A_695 = arith.constant 0 : index
    %swap3A_696 = arith.constant 512 : index
    %swap3A_697 = vector.load %arg2[%swap3A_694, %swap3A_695, %swap3A_696] : memref<32x64x2048xf32, #tpu.memory_space<vmem>>, vector<1x64x256xf32>
    %swap3A_698 = vector.shape_cast %swap3A_697 : vector<1x64x256xf32> to vector<64x256xf32>
    %swap3A_699 = vector.shape_cast %slice3A_693 : vector<64x256xf32> to vector<1x64x256xf32>
    tpu.vector_store %arg2[%swap3A_694, %swap3A_695, %swap3A_696], %swap3A_699 {strides = array<i32>} : memref<32x64x2048xf32, #tpu.memory_space<vmem>>, vector<1x64x256xf32>,
    %slice3A_700 = vector.extract_strided_slice %roll3A_489 {offsets = [0, 1], sizes = [64, 256], strides = [1, 1]} : vector<64x512xf32> to vector<64x256xf32>
    %swap3A_701 = arith.constant 30 : index
    %swap3A_702 = arith.constant 0 : index
    %swap3A_703 = arith.constant 512 : index
    %swap3A_704 = vector.load %arg2[%swap3A_701, %swap3A_702, %swap3A_703] : memref<32x64x2048xf32, #tpu.memory_space<vmem>>, vector<1x64x256xf32>
    %swap3A_705 = vector.shape_cast %swap3A_704 : vector<1x64x256xf32> to vector<64x256xf32>
    %swap3A_706 = vector.shape_cast %slice3A_700 : vector<64x256xf32> to vector<1x64x256xf32>
    tpu.vector_store %arg2[%swap3A_701, %swap3A_702, %swap3A_703], %swap3A_706 {strides = array<i32>} : memref<32x64x2048xf32, #tpu.memory_space<vmem>>, vector<1x64x256xf32>,
    %slice3A_707 = vector.extract_strided_slice %roll3A_489 {offsets = [0, 0], sizes = [64, 256], strides = [1, 1]} : vector<64x512xf32> to vector<64x256xf32>
    %swap3A_708 = arith.constant 31 : index
    %swap3A_709 = arith.constant 0 : index
    %swap3A_710 = arith.constant 512 : index
    %swap3A_711 = vector.load %arg2[%swap3A_708, %swap3A_709, %swap3A_710] : memref<32x64x2048xf32, #tpu.memory_space<vmem>>, vector<1x64x256xf32>
    %swap3A_712 = vector.shape_cast %swap3A_711 : vector<1x64x256xf32> to vector<64x256xf32>
    %swap3A_713 = vector.shape_cast %slice3A_707 : vector<64x256xf32> to vector<1x64x256xf32>
    tpu.vector_store %arg2[%swap3A_708, %swap3A_709, %swap3A_710], %swap3A_713 {strides = array<i32>} : memref<32x64x2048xf32, #tpu.memory_space<vmem>>, vector<1x64x256xf32>,
    %add3A_714 = arith.constant 768 : i32
    %add3A_715 = arith.addi %multiple_of3A, %add3A_714 : i32
    %get3A_716 = arith.constant 0 : index
    %get3A_717 = arith.index_cast %add3A_715 : i32 to index
    %get3A_718 = vector.load %arg1[%get3A_716, %get3A_717] : memref<64x4352xf32, #tpu.memory_space<vmem>>, vector<64x512xf32>
    %neg3A_719 = arith.constant 0 : i32
    %neg3A_720 = arith.subi %neg3A_719, %sub3A_22 : i32
    %roll3A_721 = tpu.dynamic_rotate %get3A_718 by %neg3A_720 dim 1 : vector<64x512xf32>, i32 -> vector<64x512xf32>
    %slice3A_722 = vector.extract_strided_slice %roll3A_721 {offsets = [0, 31], sizes = [64, 256], strides = [1, 1]} : vector<64x512xf32> to vector<64x256xf32>
    %swap3A_723 = arith.constant 0 : index
    %swap3A_724 = arith.constant 0 : index
    %swap3A_725 = arith.constant 768 : index
    %swap3A_726 = vector.load %arg2[%swap3A_723, %swap3A_724, %swap3A_725] : memref<32x64x2048xf32, #tpu.memory_space<vmem>>, vector<1x64x256xf32>
    %swap3A_727 = vector.shape_cast %swap3A_726 : vector<1x64x256xf32> to vector<64x256xf32>
    %swap3A_728 = vector.shape_cast %slice3A_722 : vector<64x256xf32> to vector<1x64x256xf32>
    tpu.vector_store %arg2[%swap3A_723, %swap3A_724, %swap3A_725], %swap3A_728 {strides = array<i32>} : memref<32x64x2048xf32, #tpu.memory_space<vmem>>, vector<1x64x256xf32>,
    %slice3A_729 = vector.extract_strided_slice %roll3A_721 {offsets = [0, 30], sizes = [64, 256], strides = [1, 1]} : vector<64x512xf32> to vector<64x256xf32>
    %swap3A_730 = arith.constant 1 : index
    %swap3A_731 = arith.constant 0 : index
    %swap3A_732 = arith.constant 768 : index
    %swap3A_733 = vector.load %arg2[%swap3A_730, %swap3A_731, %swap3A_732] : memref<32x64x2048xf32, #tpu.memory_space<vmem>>, vector<1x64x256xf32>
    %swap3A_734 = vector.shape_cast %swap3A_733 : vector<1x64x256xf32> to vector<64x256xf32>
    %swap3A_735 = vector.shape_cast %slice3A_729 : vector<64x256xf32> to vector<1x64x256xf32>
    tpu.vector_store %arg2[%swap3A_730, %swap3A_731, %swap3A_732], %swap3A_735 {strides = array<i32>} : memref<32x64x2048xf32, #tpu.memory_space<vmem>>, vector<1x64x256xf32>,
    %slice3A_736 = vector.extract_strided_slice %roll3A_721 {offsets = [0, 29], sizes = [64, 256], strides = [1, 1]} : vector<64x512xf32> to vector<64x256xf32>
    %swap3A_737 = arith.constant 2 : index
    %swap3A_738 = arith.constant 0 : index
    %swap3A_739 = arith.constant 768 : index
    %swap3A_740 = vector.load %arg2[%swap3A_737, %swap3A_738, %swap3A_739] : memref<32x64x2048xf32, #tpu.memory_space<vmem>>, vector<1x64x256xf32>
    %swap3A_741 = vector.shape_cast %swap3A_740 : vector<1x64x256xf32> to vector<64x256xf32>
    %swap3A_742 = vector.shape_cast %slice3A_736 : vector<64x256xf32> to vector<1x64x256xf32>
    tpu.vector_store %arg2[%swap3A_737, %swap3A_738, %swap3A_739], %swap3A_742 {strides = array<i32>} : memref<32x64x2048xf32, #tpu.memory_space<vmem>>, vector<1x64x256xf32>,
    %slice3A_743 = vector.extract_strided_slice %roll3A_721 {offsets = [0, 28], sizes = [64, 256], strides = [1, 1]} : vector<64x512xf32> to vector<64x256xf32>
    %swap3A_744 = arith.constant 3 : index
    %swap3A_745 = arith.constant 0 : index
    %swap3A_746 = arith.constant 768 : index
    %swap3A_747 = vector.load %arg2[%swap3A_744, %swap3A_745, %swap3A_746] : memref<32x64x2048xf32, #tpu.memory_space<vmem>>, vector<1x64x256xf32>
    %swap3A_748 = vector.shape_cast %swap3A_747 : vector<1x64x256xf32> to vector<64x256xf32>
    %swap3A_749 = vector.shape_cast %slice3A_743 : vector<64x256xf32> to vector<1x64x256xf32>
    tpu.vector_store %arg2[%swap3A_744, %swap3A_745, %swap3A_746], %swap3A_749 {strides = array<i32>} : memref<32x64x2048xf32, #tpu.memory_space<vmem>>, vector<1x64x256xf32>,
    %slice3A_750 = vector.extract_strided_slice %roll3A_721 {offsets = [0, 27], sizes = [64, 256], strides = [1, 1]} : vector<64x512xf32> to vector<64x256xf32>
    %swap3A_751 = arith.constant 4 : index
    %swap3A_752 = arith.constant 0 : index
    %swap3A_753 = arith.constant 768 : index
    %swap3A_754 = vector.load %arg2[%swap3A_751, %swap3A_752, %swap3A_753] : memref<32x64x2048xf32, #tpu.memory_space<vmem>>, vector<1x64x256xf32>
    %swap3A_755 = vector.shape_cast %swap3A_754 : vector<1x64x256xf32> to vector<64x256xf32>
    %swap3A_756 = vector.shape_cast %slice3A_750 : vector<64x256xf32> to vector<1x64x256xf32>
    tpu.vector_store %arg2[%swap3A_751, %swap3A_752, %swap3A_753], %swap3A_756 {strides = array<i32>} : memref<32x64x2048xf32, #tpu.memory_space<vmem>>, vector<1x64x256xf32>,
    %slice3A_757 = vector.extract_strided_slice %roll3A_721 {offsets = [0, 26], sizes = [64, 256], strides = [1, 1]} : vector<64x512xf32> to vector<64x256xf32>
    %swap3A_758 = arith.constant 5 : index
    %swap3A_759 = arith.constant 0 : index
    %swap3A_760 = arith.constant 768 : index
    %swap3A_761 = vector.load %arg2[%swap3A_758, %swap3A_759, %swap3A_760] : memref<32x64x2048xf32, #tpu.memory_space<vmem>>, vector<1x64x256xf32>
    %swap3A_762 = vector.shape_cast %swap3A_761 : vector<1x64x256xf32> to vector<64x256xf32>
    %swap3A_763 = vector.shape_cast %slice3A_757 : vector<64x256xf32> to vector<1x64x256xf32>
    tpu.vector_store %arg2[%swap3A_758, %swap3A_759, %swap3A_760], %swap3A_763 {strides = array<i32>} : memref<32x64x2048xf32, #tpu.memory_space<vmem>>, vector<1x64x256xf32>,
    %slice3A_764 = vector.extract_strided_slice %roll3A_721 {offsets = [0, 25], sizes = [64, 256], strides = [1, 1]} : vector<64x512xf32> to vector<64x256xf32>
    %swap3A_765 = arith.constant 6 : index
    %swap3A_766 = arith.constant 0 : index
    %swap3A_767 = arith.constant 768 : index
    %swap3A_768 = vector.load %arg2[%swap3A_765, %swap3A_766, %swap3A_767] : memref<32x64x2048xf32, #tpu.memory_space<vmem>>, vector<1x64x256xf32>
    %swap3A_769 = vector.shape_cast %swap3A_768 : vector<1x64x256xf32> to vector<64x256xf32>
    %swap3A_770 = vector.shape_cast %slice3A_764 : vector<64x256xf32> to vector<1x64x256xf32>
    tpu.vector_store %arg2[%swap3A_765, %swap3A_766, %swap3A_767], %swap3A_770 {strides = array<i32>} : memref<32x64x2048xf32, #tpu.memory_space<vmem>>, vector<1x64x256xf32>,
    %slice3A_771 = vector.extract_strided_slice %roll3A_721 {offsets = [0, 24], sizes = [64, 256], strides = [1, 1]} : vector<64x512xf32> to vector<64x256xf32>
    %swap3A_772 = arith.constant 7 : index
    %swap3A_773 = arith.constant 0 : index
    %swap3A_774 = arith.constant 768 : index
    %swap3A_775 = vector.load %arg2[%swap3A_772, %swap3A_773, %swap3A_774] : memref<32x64x2048xf32, #tpu.memory_space<vmem>>, vector<1x64x256xf32>
    %swap3A_776 = vector.shape_cast %swap3A_775 : vector<1x64x256xf32> to vector<64x256xf32>
    %swap3A_777 = vector.shape_cast %slice3A_771 : vector<64x256xf32> to vector<1x64x256xf32>
    tpu.vector_store %arg2[%swap3A_772, %swap3A_773, %swap3A_774], %swap3A_777 {strides = array<i32>} : memref<32x64x2048xf32, #tpu.memory_space<vmem>>, vector<1x64x256xf32>,
    %slice3A_778 = vector.extract_strided_slice %roll3A_721 {offsets = [0, 23], sizes = [64, 256], strides = [1, 1]} : vector<64x512xf32> to vector<64x256xf32>
    %swap3A_779 = arith.constant 8 : index
    %swap3A_780 = arith.constant 0 : index
    %swap3A_781 = arith.constant 768 : index
    %swap3A_782 = vector.load %arg2[%swap3A_779, %swap3A_780, %swap3A_781] : memref<32x64x2048xf32, #tpu.memory_space<vmem>>, vector<1x64x256xf32>
    %swap3A_783 = vector.shape_cast %swap3A_782 : vector<1x64x256xf32> to vector<64x256xf32>
    %swap3A_784 = vector.shape_cast %slice3A_778 : vector<64x256xf32> to vector<1x64x256xf32>
    tpu.vector_store %arg2[%swap3A_779, %swap3A_780, %swap3A_781], %swap3A_784 {strides = array<i32>} : memref<32x64x2048xf32, #tpu.memory_space<vmem>>, vector<1x64x256xf32>,
    %slice3A_785 = vector.extract_strided_slice %roll3A_721 {offsets = [0, 22], sizes = [64, 256], strides = [1, 1]} : vector<64x512xf32> to vector<64x256xf32>
    %swap3A_786 = arith.constant 9 : index
    %swap3A_787 = arith.constant 0 : index
    %swap3A_788 = arith.constant 768 : index
    %swap3A_789 = vector.load %arg2[%swap3A_786, %swap3A_787, %swap3A_788] : memref<32x64x2048xf32, #tpu.memory_space<vmem>>, vector<1x64x256xf32>
    %swap3A_790 = vector.shape_cast %swap3A_789 : vector<1x64x256xf32> to vector<64x256xf32>
    %swap3A_791 = vector.shape_cast %slice3A_785 : vector<64x256xf32> to vector<1x64x256xf32>
    tpu.vector_store %arg2[%swap3A_786, %swap3A_787, %swap3A_788], %swap3A_791 {strides = array<i32>} : memref<32x64x2048xf32, #tpu.memory_space<vmem>>, vector<1x64x256xf32>,
    %slice3A_792 = vector.extract_strided_slice %roll3A_721 {offsets = [0, 21], sizes = [64, 256], strides = [1, 1]} : vector<64x512xf32> to vector<64x256xf32>
    %swap3A_793 = arith.constant 10 : index
    %swap3A_794 = arith.constant 0 : index
    %swap3A_795 = arith.constant 768 : index
    %swap3A_796 = vector.load %arg2[%swap3A_793, %swap3A_794, %swap3A_795] : memref<32x64x2048xf32, #tpu.memory_space<vmem>>, vector<1x64x256xf32>
    %swap3A_797 = vector.shape_cast %swap3A_796 : vector<1x64x256xf32> to vector<64x256xf32>
    %swap3A_798 = vector.shape_cast %slice3A_792 : vector<64x256xf32> to vector<1x64x256xf32>
    tpu.vector_store %arg2[%swap3A_793, %swap3A_794, %swap3A_795], %swap3A_798 {strides = array<i32>} : memref<32x64x2048xf32, #tpu.memory_space<vmem>>, vector<1x64x256xf32>,
    %slice3A_799 = vector.extract_strided_slice %roll3A_721 {offsets = [0, 20], sizes = [64, 256], strides = [1, 1]} : vector<64x512xf32> to vector<64x256xf32>
    %swap3A_800 = arith.constant 11 : index
    %swap3A_801 = arith.constant 0 : index
    %swap3A_802 = arith.constant 768 : index
    %swap3A_803 = vector.load %arg2[%swap3A_800, %swap3A_801, %swap3A_802] : memref<32x64x2048xf32, #tpu.memory_space<vmem>>, vector<1x64x256xf32>
    %swap3A_804 = vector.shape_cast %swap3A_803 : vector<1x64x256xf32> to vector<64x256xf32>
    %swap3A_805 = vector.shape_cast %slice3A_799 : vector<64x256xf32> to vector<1x64x256xf32>
    tpu.vector_store %arg2[%swap3A_800, %swap3A_801, %swap3A_802], %swap3A_805 {strides = array<i32>} : memref<32x64x2048xf32, #tpu.memory_space<vmem>>, vector<1x64x256xf32>,
    %slice3A_806 = vector.extract_strided_slice %roll3A_721 {offsets = [0, 19], sizes = [64, 256], strides = [1, 1]} : vector<64x512xf32> to vector<64x256xf32>
    %swap3A_807 = arith.constant 12 : index
    %swap3A_808 = arith.constant 0 : index
    %swap3A_809 = arith.constant 768 : index
    %swap3A_810 = vector.load %arg2[%swap3A_807, %swap3A_808, %swap3A_809] : memref<32x64x2048xf32, #tpu.memory_space<vmem>>, vector<1x64x256xf32>
    %swap3A_811 = vector.shape_cast %swap3A_810 : vector<1x64x256xf32> to vector<64x256xf32>
    %swap3A_812 = vector.shape_cast %slice3A_806 : vector<64x256xf32> to vector<1x64x256xf32>
    tpu.vector_store %arg2[%swap3A_807, %swap3A_808, %swap3A_809], %swap3A_812 {strides = array<i32>} : memref<32x64x2048xf32, #tpu.memory_space<vmem>>, vector<1x64x256xf32>,
    %slice3A_813 = vector.extract_strided_slice %roll3A_721 {offsets = [0, 18], sizes = [64, 256], strides = [1, 1]} : vector<64x512xf32> to vector<64x256xf32>
    %swap3A_814 = arith.constant 13 : index
    %swap3A_815 = arith.constant 0 : index
    %swap3A_816 = arith.constant 768 : index
    %swap3A_817 = vector.load %arg2[%swap3A_814, %swap3A_815, %swap3A_816] : memref<32x64x2048xf32, #tpu.memory_space<vmem>>, vector<1x64x256xf32>
    %swap3A_818 = vector.shape_cast %swap3A_817 : vector<1x64x256xf32> to vector<64x256xf32>
    %swap3A_819 = vector.shape_cast %slice3A_813 : vector<64x256xf32> to vector<1x64x256xf32>
    tpu.vector_store %arg2[%swap3A_814, %swap3A_815, %swap3A_816], %swap3A_819 {strides = array<i32>} : memref<32x64x2048xf32, #tpu.memory_space<vmem>>, vector<1x64x256xf32>,
    %slice3A_820 = vector.extract_strided_slice %roll3A_721 {offsets = [0, 17], sizes = [64, 256], strides = [1, 1]} : vector<64x512xf32> to vector<64x256xf32>
    %swap3A_821 = arith.constant 14 : index
    %swap3A_822 = arith.constant 0 : index
    %swap3A_823 = arith.constant 768 : index
    %swap3A_824 = vector.load %arg2[%swap3A_821, %swap3A_822, %swap3A_823] : memref<32x64x2048xf32, #tpu.memory_space<vmem>>, vector<1x64x256xf32>
    %swap3A_825 = vector.shape_cast %swap3A_824 : vector<1x64x256xf32> to vector<64x256xf32>
    %swap3A_826 = vector.shape_cast %slice3A_820 : vector<64x256xf32> to vector<1x64x256xf32>
    tpu.vector_store %arg2[%swap3A_821, %swap3A_822, %swap3A_823], %swap3A_826 {strides = array<i32>} : memref<32x64x2048xf32, #tpu.memory_space<vmem>>, vector<1x64x256xf32>,
    %slice3A_827 = vector.extract_strided_slice %roll3A_721 {offsets = [0, 16], sizes = [64, 256], strides = [1, 1]} : vector<64x512xf32> to vector<64x256xf32>
    %swap3A_828 = arith.constant 15 : index
    %swap3A_829 = arith.constant 0 : index
    %swap3A_830 = arith.constant 768 : index
    %swap3A_831 = vector.load %arg2[%swap3A_828, %swap3A_829, %swap3A_830] : memref<32x64x2048xf32, #tpu.memory_space<vmem>>, vector<1x64x256xf32>
    %swap3A_832 = vector.shape_cast %swap3A_831 : vector<1x64x256xf32> to vector<64x256xf32>
    %swap3A_833 = vector.shape_cast %slice3A_827 : vector<64x256xf32> to vector<1x64x256xf32>
    tpu.vector_store %arg2[%swap3A_828, %swap3A_829, %swap3A_830], %swap3A_833 {strides = array<i32>} : memref<32x64x2048xf32, #tpu.memory_space<vmem>>, vector<1x64x256xf32>,
    %slice3A_834 = vector.extract_strided_slice %roll3A_721 {offsets = [0, 15], sizes = [64, 256], strides = [1, 1]} : vector<64x512xf32> to vector<64x256xf32>
    %swap3A_835 = arith.constant 16 : index
    %swap3A_836 = arith.constant 0 : index
    %swap3A_837 = arith.constant 768 : index
    %swap3A_838 = vector.load %arg2[%swap3A_835, %swap3A_836, %swap3A_837] : memref<32x64x2048xf32, #tpu.memory_space<vmem>>, vector<1x64x256xf32>
    %swap3A_839 = vector.shape_cast %swap3A_838 : vector<1x64x256xf32> to vector<64x256xf32>
    %swap3A_840 = vector.shape_cast %slice3A_834 : vector<64x256xf32> to vector<1x64x256xf32>
    tpu.vector_store %arg2[%swap3A_835, %swap3A_836, %swap3A_837], %swap3A_840 {strides = array<i32>} : memref<32x64x2048xf32, #tpu.memory_space<vmem>>, vector<1x64x256xf32>,
    %slice3A_841 = vector.extract_strided_slice %roll3A_721 {offsets = [0, 14], sizes = [64, 256], strides = [1, 1]} : vector<64x512xf32> to vector<64x256xf32>
    %swap3A_842 = arith.constant 17 : index
    %swap3A_843 = arith.constant 0 : index
    %swap3A_844 = arith.constant 768 : index
    %swap3A_845 = vector.load %arg2[%swap3A_842, %swap3A_843, %swap3A_844] : memref<32x64x2048xf32, #tpu.memory_space<vmem>>, vector<1x64x256xf32>
    %swap3A_846 = vector.shape_cast %swap3A_845 : vector<1x64x256xf32> to vector<64x256xf32>
    %swap3A_847 = vector.shape_cast %slice3A_841 : vector<64x256xf32> to vector<1x64x256xf32>
    tpu.vector_store %arg2[%swap3A_842, %swap3A_843, %swap3A_844], %swap3A_847 {strides = array<i32>} : memref<32x64x2048xf32, #tpu.memory_space<vmem>>, vector<1x64x256xf32>,
    %slice3A_848 = vector.extract_strided_slice %roll3A_721 {offsets = [0, 13], sizes = [64, 256], strides = [1, 1]} : vector<64x512xf32> to vector<64x256xf32>
    %swap3A_849 = arith.constant 18 : index
    %swap3A_850 = arith.constant 0 : index
    %swap3A_851 = arith.constant 768 : index
    %swap3A_852 = vector.load %arg2[%swap3A_849, %swap3A_850, %swap3A_851] : memref<32x64x2048xf32, #tpu.memory_space<vmem>>, vector<1x64x256xf32>
    %swap3A_853 = vector.shape_cast %swap3A_852 : vector<1x64x256xf32> to vector<64x256xf32>
    %swap3A_854 = vector.shape_cast %slice3A_848 : vector<64x256xf32> to vector<1x64x256xf32>
    tpu.vector_store %arg2[%swap3A_849, %swap3A_850, %swap3A_851], %swap3A_854 {strides = array<i32>} : memref<32x64x2048xf32, #tpu.memory_space<vmem>>, vector<1x64x256xf32>,
    %slice3A_855 = vector.extract_strided_slice %roll3A_721 {offsets = [0, 12], sizes = [64, 256], strides = [1, 1]} : vector<64x512xf32> to vector<64x256xf32>
    %swap3A_856 = arith.constant 19 : index
    %swap3A_857 = arith.constant 0 : index
    %swap3A_858 = arith.constant 768 : index
    %swap3A_859 = vector.load %arg2[%swap3A_856, %swap3A_857, %swap3A_858] : memref<32x64x2048xf32, #tpu.memory_space<vmem>>, vector<1x64x256xf32>
    %swap3A_860 = vector.shape_cast %swap3A_859 : vector<1x64x256xf32> to vector<64x256xf32>
    %swap3A_861 = vector.shape_cast %slice3A_855 : vector<64x256xf32> to vector<1x64x256xf32>
    tpu.vector_store %arg2[%swap3A_856, %swap3A_857, %swap3A_858], %swap3A_861 {strides = array<i32>} : memref<32x64x2048xf32, #tpu.memory_space<vmem>>, vector<1x64x256xf32>,
    %slice3A_862 = vector.extract_strided_slice %roll3A_721 {offsets = [0, 11], sizes = [64, 256], strides = [1, 1]} : vector<64x512xf32> to vector<64x256xf32>
    %swap3A_863 = arith.constant 20 : index
    %swap3A_864 = arith.constant 0 : index
    %swap3A_865 = arith.constant 768 : index
    %swap3A_866 = vector.load %arg2[%swap3A_863, %swap3A_864, %swap3A_865] : memref<32x64x2048xf32, #tpu.memory_space<vmem>>, vector<1x64x256xf32>
    %swap3A_867 = vector.shape_cast %swap3A_866 : vector<1x64x256xf32> to vector<64x256xf32>
    %swap3A_868 = vector.shape_cast %slice3A_862 : vector<64x256xf32> to vector<1x64x256xf32>
    tpu.vector_store %arg2[%swap3A_863, %swap3A_864, %swap3A_865], %swap3A_868 {strides = array<i32>} : memref<32x64x2048xf32, #tpu.memory_space<vmem>>, vector<1x64x256xf32>,
    %slice3A_869 = vector.extract_strided_slice %roll3A_721 {offsets = [0, 10], sizes = [64, 256], strides = [1, 1]} : vector<64x512xf32> to vector<64x256xf32>
    %swap3A_870 = arith.constant 21 : index
    %swap3A_871 = arith.constant 0 : index
    %swap3A_872 = arith.constant 768 : index
    %swap3A_873 = vector.load %arg2[%swap3A_870, %swap3A_871, %swap3A_872] : memref<32x64x2048xf32, #tpu.memory_space<vmem>>, vector<1x64x256xf32>
    %swap3A_874 = vector.shape_cast %swap3A_873 : vector<1x64x256xf32> to vector<64x256xf32>
    %swap3A_875 = vector.shape_cast %slice3A_869 : vector<64x256xf32> to vector<1x64x256xf32>
    tpu.vector_store %arg2[%swap3A_870, %swap3A_871, %swap3A_872], %swap3A_875 {strides = array<i32>} : memref<32x64x2048xf32, #tpu.memory_space<vmem>>, vector<1x64x256xf32>,
    %slice3A_876 = vector.extract_strided_slice %roll3A_721 {offsets = [0, 9], sizes = [64, 256], strides = [1, 1]} : vector<64x512xf32> to vector<64x256xf32>
    %swap3A_877 = arith.constant 22 : index
    %swap3A_878 = arith.constant 0 : index
    %swap3A_879 = arith.constant 768 : index
    %swap3A_880 = vector.load %arg2[%swap3A_877, %swap3A_878, %swap3A_879] : memref<32x64x2048xf32, #tpu.memory_space<vmem>>, vector<1x64x256xf32>
    %swap3A_881 = vector.shape_cast %swap3A_880 : vector<1x64x256xf32> to vector<64x256xf32>
    %swap3A_882 = vector.shape_cast %slice3A_876 : vector<64x256xf32> to vector<1x64x256xf32>
    tpu.vector_store %arg2[%swap3A_877, %swap3A_878, %swap3A_879], %swap3A_882 {strides = array<i32>} : memref<32x64x2048xf32, #tpu.memory_space<vmem>>, vector<1x64x256xf32>,
    %slice3A_883 = vector.extract_strided_slice %roll3A_721 {offsets = [0, 8], sizes = [64, 256], strides = [1, 1]} : vector<64x512xf32> to vector<64x256xf32>
    %swap3A_884 = arith.constant 23 : index
    %swap3A_885 = arith.constant 0 : index
    %swap3A_886 = arith.constant 768 : index
    %swap3A_887 = vector.load %arg2[%swap3A_884, %swap3A_885, %swap3A_886] : memref<32x64x2048xf32, #tpu.memory_space<vmem>>, vector<1x64x256xf32>
    %swap3A_888 = vector.shape_cast %swap3A_887 : vector<1x64x256xf32> to vector<64x256xf32>
    %swap3A_889 = vector.shape_cast %slice3A_883 : vector<64x256xf32> to vector<1x64x256xf32>
    tpu.vector_store %arg2[%swap3A_884, %swap3A_885, %swap3A_886], %swap3A_889 {strides = array<i32>} : memref<32x64x2048xf32, #tpu.memory_space<vmem>>, vector<1x64x256xf32>,
    %slice3A_890 = vector.extract_strided_slice %roll3A_721 {offsets = [0, 7], sizes = [64, 256], strides = [1, 1]} : vector<64x512xf32> to vector<64x256xf32>
    %swap3A_891 = arith.constant 24 : index
    %swap3A_892 = arith.constant 0 : index
    %swap3A_893 = arith.constant 768 : index
    %swap3A_894 = vector.load %arg2[%swap3A_891, %swap3A_892, %swap3A_893] : memref<32x64x2048xf32, #tpu.memory_space<vmem>>, vector<1x64x256xf32>
    %swap3A_895 = vector.shape_cast %swap3A_894 : vector<1x64x256xf32> to vector<64x256xf32>
    %swap3A_896 = vector.shape_cast %slice3A_890 : vector<64x256xf32> to vector<1x64x256xf32>
    tpu.vector_store %arg2[%swap3A_891, %swap3A_892, %swap3A_893], %swap3A_896 {strides = array<i32>} : memref<32x64x2048xf32, #tpu.memory_space<vmem>>, vector<1x64x256xf32>,
    %slice3A_897 = vector.extract_strided_slice %roll3A_721 {offsets = [0, 6], sizes = [64, 256], strides = [1, 1]} : vector<64x512xf32> to vector<64x256xf32>
    %swap3A_898 = arith.constant 25 : index
    %swap3A_899 = arith.constant 0 : index
    %swap3A_900 = arith.constant 768 : index
    %swap3A_901 = vector.load %arg2[%swap3A_898, %swap3A_899, %swap3A_900] : memref<32x64x2048xf32, #tpu.memory_space<vmem>>, vector<1x64x256xf32>
    %swap3A_902 = vector.shape_cast %swap3A_901 : vector<1x64x256xf32> to vector<64x256xf32>
    %swap3A_903 = vector.shape_cast %slice3A_897 : vector<64x256xf32> to vector<1x64x256xf32>
    tpu.vector_store %arg2[%swap3A_898, %swap3A_899, %swap3A_900], %swap3A_903 {strides = array<i32>} : memref<32x64x2048xf32, #tpu.memory_space<vmem>>, vector<1x64x256xf32>,
    %slice3A_904 = vector.extract_strided_slice %roll3A_721 {offsets = [0, 5], sizes = [64, 256], strides = [1, 1]} : vector<64x512xf32> to vector<64x256xf32>
    %swap3A_905 = arith.constant 26 : index
    %swap3A_906 = arith.constant 0 : index
    %swap3A_907 = arith.constant 768 : index
    %swap3A_908 = vector.load %arg2[%swap3A_905, %swap3A_906, %swap3A_907] : memref<32x64x2048xf32, #tpu.memory_space<vmem>>, vector<1x64x256xf32>
    %swap3A_909 = vector.shape_cast %swap3A_908 : vector<1x64x256xf32> to vector<64x256xf32>
    %swap3A_910 = vector.shape_cast %slice3A_904 : vector<64x256xf32> to vector<1x64x256xf32>
    tpu.vector_store %arg2[%swap3A_905, %swap3A_906, %swap3A_907], %swap3A_910 {strides = array<i32>} : memref<32x64x2048xf32, #tpu.memory_space<vmem>>, vector<1x64x256xf32>,
    %slice3A_911 = vector.extract_strided_slice %roll3A_721 {offsets = [0, 4], sizes = [64, 256], strides = [1, 1]} : vector<64x512xf32> to vector<64x256xf32>
    %swap3A_912 = arith.constant 27 : index
    %swap3A_913 = arith.constant 0 : index
    %swap3A_914 = arith.constant 768 : index
    %swap3A_915 = vector.load %arg2[%swap3A_912, %swap3A_913, %swap3A_914] : memref<32x64x2048xf32, #tpu.memory_space<vmem>>, vector<1x64x256xf32>
    %swap3A_916 = vector.shape_cast %swap3A_915 : vector<1x64x256xf32> to vector<64x256xf32>
    %swap3A_917 = vector.shape_cast %slice3A_911 : vector<64x256xf32> to vector<1x64x256xf32>
    tpu.vector_store %arg2[%swap3A_912, %swap3A_913, %swap3A_914], %swap3A_917 {strides = array<i32>} : memref<32x64x2048xf32, #tpu.memory_space<vmem>>, vector<1x64x256xf32>,
    %slice3A_918 = vector.extract_strided_slice %roll3A_721 {offsets = [0, 3], sizes = [64, 256], strides = [1, 1]} : vector<64x512xf32> to vector<64x256xf32>
    %swap3A_919 = arith.constant 28 : index
    %swap3A_920 = arith.constant 0 : index
    %swap3A_921 = arith.constant 768 : index
    %swap3A_922 = vector.load %arg2[%swap3A_919, %swap3A_920, %swap3A_921] : memref<32x64x2048xf32, #tpu.memory_space<vmem>>, vector<1x64x256xf32>
    %swap3A_923 = vector.shape_cast %swap3A_922 : vector<1x64x256xf32> to vector<64x256xf32>
    %swap3A_924 = vector.shape_cast %slice3A_918 : vector<64x256xf32> to vector<1x64x256xf32>
    tpu.vector_store %arg2[%swap3A_919, %swap3A_920, %swap3A_921], %swap3A_924 {strides = array<i32>} : memref<32x64x2048xf32, #tpu.memory_space<vmem>>, vector<1x64x256xf32>,
    %slice3A_925 = vector.extract_strided_slice %roll3A_721 {offsets = [0, 2], sizes = [64, 256], strides = [1, 1]} : vector<64x512xf32> to vector<64x256xf32>
    %swap3A_926 = arith.constant 29 : index
    %swap3A_927 = arith.constant 0 : index
    %swap3A_928 = arith.constant 768 : index
    %swap3A_929 = vector.load %arg2[%swap3A_926, %swap3A_927, %swap3A_928] : memref<32x64x2048xf32, #tpu.memory_space<vmem>>, vector<1x64x256xf32>
    %swap3A_930 = vector.shape_cast %swap3A_929 : vector<1x64x256xf32> to vector<64x256xf32>
    %swap3A_931 = vector.shape_cast %slice3A_925 : vector<64x256xf32> to vector<1x64x256xf32>
    tpu.vector_store %arg2[%swap3A_926, %swap3A_927, %swap3A_928], %swap3A_931 {strides = array<i32>} : memref<32x64x2048xf32, #tpu.memory_space<vmem>>, vector<1x64x256xf32>,
    %slice3A_932 = vector.extract_strided_slice %roll3A_721 {offsets = [0, 1], sizes = [64, 256], strides = [1, 1]} : vector<64x512xf32> to vector<64x256xf32>
    %swap3A_933 = arith.constant 30 : index
    %swap3A_934 = arith.constant 0 : index
    %swap3A_935 = arith.constant 768 : index
    %swap3A_936 = vector.load %arg2[%swap3A_933, %swap3A_934, %swap3A_935] : memref<32x64x2048xf32, #tpu.memory_space<vmem>>, vector<1x64x256xf32>
    %swap3A_937 = vector.shape_cast %swap3A_936 : vector<1x64x256xf32> to vector<64x256xf32>
    %swap3A_938 = vector.shape_cast %slice3A_932 : vector<64x256xf32> to vector<1x64x256xf32>
    tpu.vector_store %arg2[%swap3A_933, %swap3A_934, %swap3A_935], %swap3A_938 {strides = array<i32>} : memref<32x64x2048xf32, #tpu.memory_space<vmem>>, vector<1x64x256xf32>,
    %slice3A_939 = vector.extract_strided_slice %roll3A_721 {offsets = [0, 0], sizes = [64, 256], strides = [1, 1]} : vector<64x512xf32> to vector<64x256xf32>
    %swap3A_940 = arith.constant 31 : index
    %swap3A_941 = arith.constant 0 : index
    %swap3A_942 = arith.constant 768 : index
    %swap3A_943 = vector.load %arg2[%swap3A_940, %swap3A_941, %swap3A_942] : memref<32x64x2048xf32, #tpu.memory_space<vmem>>, vector<1x64x256xf32>
    %swap3A_944 = vector.shape_cast %swap3A_943 : vector<1x64x256xf32> to vector<64x256xf32>
    %swap3A_945 = vector.shape_cast %slice3A_939 : vector<64x256xf32> to vector<1x64x256xf32>
    tpu.vector_store %arg2[%swap3A_940, %swap3A_941, %swap3A_942], %swap3A_945 {strides = array<i32>} : memref<32x64x2048xf32, #tpu.memory_space<vmem>>, vector<1x64x256xf32>,
    %add3A_946 = arith.constant 1024 : i32
    %add3A_947 = arith.addi %multiple_of3A, %add3A_946 : i32
    %get3A_948 = arith.constant 0 : index
    %get3A_949 = arith.index_cast %add3A_947 : i32 to index
    %get3A_950 = vector.load %arg1[%get3A_948, %get3A_949] : memref<64x4352xf32, #tpu.memory_space<vmem>>, vector<64x512xf32>
    %neg3A_951 = arith.constant 0 : i32
    %neg3A_952 = arith.subi %neg3A_951, %sub3A_22 : i32
    %roll3A_953 = tpu.dynamic_rotate %get3A_950 by %neg3A_952 dim 1 : vector<64x512xf32>, i32 -> vector<64x512xf32>
    %slice3A_954 = vector.extract_strided_slice %roll3A_953 {offsets = [0, 31], sizes = [64, 256], strides = [1, 1]} : vector<64x512xf32> to vector<64x256xf32>
    %swap3A_955 = arith.constant 0 : index
    %swap3A_956 = arith.constant 0 : index
    %swap3A_957 = arith.constant 1024 : index
    %swap3A_958 = vector.load %arg2[%swap3A_955, %swap3A_956, %swap3A_957] : memref<32x64x2048xf32, #tpu.memory_space<vmem>>, vector<1x64x256xf32>
    %swap3A_959 = vector.shape_cast %swap3A_958 : vector<1x64x256xf32> to vector<64x256xf32>
    %swap3A_960 = vector.shape_cast %slice3A_954 : vector<64x256xf32> to vector<1x64x256xf32>
    tpu.vector_store %arg2[%swap3A_955, %swap3A_956, %swap3A_957], %swap3A_960 {strides = array<i32>} : memref<32x64x2048xf32, #tpu.memory_space<vmem>>, vector<1x64x256xf32>,
    %slice3A_961 = vector.extract_strided_slice %roll3A_953 {offsets = [0, 30], sizes = [64, 256], strides = [1, 1]} : vector<64x512xf32> to vector<64x256xf32>
    %swap3A_962 = arith.constant 1 : index
    %swap3A_963 = arith.constant 0 : index
    %swap3A_964 = arith.constant 1024 : index
    %swap3A_965 = vector.load %arg2[%swap3A_962, %swap3A_963, %swap3A_964] : memref<32x64x2048xf32, #tpu.memory_space<vmem>>, vector<1x64x256xf32>
    %swap3A_966 = vector.shape_cast %swap3A_965 : vector<1x64x256xf32> to vector<64x256xf32>
    %swap3A_967 = vector.shape_cast %slice3A_961 : vector<64x256xf32> to vector<1x64x256xf32>
    tpu.vector_store %arg2[%swap3A_962, %swap3A_963, %swap3A_964], %swap3A_967 {strides = array<i32>} : memref<32x64x2048xf32, #tpu.memory_space<vmem>>, vector<1x64x256xf32>,
    %slice3A_968 = vector.extract_strided_slice %roll3A_953 {offsets = [0, 29], sizes = [64, 256], strides = [1, 1]} : vector<64x512xf32> to vector<64x256xf32>
    %swap3A_969 = arith.constant 2 : index
    %swap3A_970 = arith.constant 0 : index
    %swap3A_971 = arith.constant 1024 : index
    %swap3A_972 = vector.load %arg2[%swap3A_969, %swap3A_970, %swap3A_971] : memref<32x64x2048xf32, #tpu.memory_space<vmem>>, vector<1x64x256xf32>
    %swap3A_973 = vector.shape_cast %swap3A_972 : vector<1x64x256xf32> to vector<64x256xf32>
    %swap3A_974 = vector.shape_cast %slice3A_968 : vector<64x256xf32> to vector<1x64x256xf32>
    tpu.vector_store %arg2[%swap3A_969, %swap3A_970, %swap3A_971], %swap3A_974 {strides = array<i32>} : memref<32x64x2048xf32, #tpu.memory_space<vmem>>, vector<1x64x256xf32>,
    %slice3A_975 = vector.extract_strided_slice %roll3A_953 {offsets = [0, 28], sizes = [64, 256], strides = [1, 1]} : vector<64x512xf32> to vector<64x256xf32>
    %swap3A_976 = arith.constant 3 : index
    %swap3A_977 = arith.constant 0 : index
    %swap3A_978 = arith.constant 1024 : index
    %swap3A_979 = vector.load %arg2[%swap3A_976, %swap3A_977, %swap3A_978] : memref<32x64x2048xf32, #tpu.memory_space<vmem>>, vector<1x64x256xf32>
    %swap3A_980 = vector.shape_cast %swap3A_979 : vector<1x64x256xf32> to vector<64x256xf32>
    %swap3A_981 = vector.shape_cast %slice3A_975 : vector<64x256xf32> to vector<1x64x256xf32>
    tpu.vector_store %arg2[%swap3A_976, %swap3A_977, %swap3A_978], %swap3A_981 {strides = array<i32>} : memref<32x64x2048xf32, #tpu.memory_space<vmem>>, vector<1x64x256xf32>,
    %slice3A_982 = vector.extract_strided_slice %roll3A_953 {offsets = [0, 27], sizes = [64, 256], strides = [1, 1]} : vector<64x512xf32> to vector<64x256xf32>
    %swap3A_983 = arith.constant 4 : index
    %swap3A_984 = arith.constant 0 : index
    %swap3A_985 = arith.constant 1024 : index
    %swap3A_986 = vector.load %arg2[%swap3A_983, %swap3A_984, %swap3A_985] : memref<32x64x2048xf32, #tpu.memory_space<vmem>>, vector<1x64x256xf32>
    %swap3A_987 = vector.shape_cast %swap3A_986 : vector<1x64x256xf32> to vector<64x256xf32>
    %swap3A_988 = vector.shape_cast %slice3A_982 : vector<64x256xf32> to vector<1x64x256xf32>
    tpu.vector_store %arg2[%swap3A_983, %swap3A_984, %swap3A_985], %swap3A_988 {strides = array<i32>} : memref<32x64x2048xf32, #tpu.memory_space<vmem>>, vector<1x64x256xf32>,
    %slice3A_989 = vector.extract_strided_slice %roll3A_953 {offsets = [0, 26], sizes = [64, 256], strides = [1, 1]} : vector<64x512xf32> to vector<64x256xf32>
    %swap3A_990 = arith.constant 5 : index
    %swap3A_991 = arith.constant 0 : index
    %swap3A_992 = arith.constant 1024 : index
    %swap3A_993 = vector.load %arg2[%swap3A_990, %swap3A_991, %swap3A_992] : memref<32x64x2048xf32, #tpu.memory_space<vmem>>, vector<1x64x256xf32>
    %swap3A_994 = vector.shape_cast %swap3A_993 : vector<1x64x256xf32> to vector<64x256xf32>
    %swap3A_995 = vector.shape_cast %slice3A_989 : vector<64x256xf32> to vector<1x64x256xf32>
    tpu.vector_store %arg2[%swap3A_990, %swap3A_991, %swap3A_992], %swap3A_995 {strides = array<i32>} : memref<32x64x2048xf32, #tpu.memory_space<vmem>>, vector<1x64x256xf32>,
    %slice3A_996 = vector.extract_strided_slice %roll3A_953 {offsets = [0, 25], sizes = [64, 256], strides = [1, 1]} : vector<64x512xf32> to vector<64x256xf32>
    %swap3A_997 = arith.constant 6 : index
    %swap3A_998 = arith.constant 0 : index
    %swap3A_999 = arith.constant 1024 : index
    %swap3A_1000 = vector.load %arg2[%swap3A_997, %swap3A_998, %swap3A_999] : memref<32x64x2048xf32, #tpu.memory_space<vmem>>, vector<1x64x256xf32>
    %swap3A_1001 = vector.shape_cast %swap3A_1000 : vector<1x64x256xf32> to vector<64x256xf32>
    %swap3A_1002 = vector.shape_cast %slice3A_996 : vector<64x256xf32> to vector<1x64x256xf32>
    tpu.vector_store %arg2[%swap3A_997, %swap3A_998, %swap3A_999], %swap3A_1002 {strides = array<i32>} : memref<32x64x2048xf32, #tpu.memory_space<vmem>>, vector<1x64x256xf32>,
    %slice3A_1003 = vector.extract_strided_slice %roll3A_953 {offsets = [0, 24], sizes = [64, 256], strides = [1, 1]} : vector<64x512xf32> to vector<64x256xf32>
    %swap3A_1004 = arith.constant 7 : index
    %swap3A_1005 = arith.constant 0 : index
    %swap3A_1006 = arith.constant 1024 : index
    %swap3A_1007 = vector.load %arg2[%swap3A_1004, %swap3A_1005, %swap3A_1006] : memref<32x64x2048xf32, #tpu.memory_space<vmem>>, vector<1x64x256xf32>
    %swap3A_1008 = vector.shape_cast %swap3A_1007 : vector<1x64x256xf32> to vector<64x256xf32>
    %swap3A_1009 = vector.shape_cast %slice3A_1003 : vector<64x256xf32> to vector<1x64x256xf32>
    tpu.vector_store %arg2[%swap3A_1004, %swap3A_1005, %swap3A_1006], %swap3A_1009 {strides = array<i32>} : memref<32x64x2048xf32, #tpu.memory_space<vmem>>, vector<1x64x256xf32>,
    %slice3A_1010 = vector.extract_strided_slice %roll3A_953 {offsets = [0, 23], sizes = [64, 256], strides = [1, 1]} : vector<64x512xf32> to vector<64x256xf32>
    %swap3A_1011 = arith.constant 8 : index
    %swap3A_1012 = arith.constant 0 : index
    %swap3A_1013 = arith.constant 1024 : index
    %swap3A_1014 = vector.load %arg2[%swap3A_1011, %swap3A_1012, %swap3A_1013] : memref<32x64x2048xf32, #tpu.memory_space<vmem>>, vector<1x64x256xf32>
    %swap3A_1015 = vector.shape_cast %swap3A_1014 : vector<1x64x256xf32> to vector<64x256xf32>
    %swap3A_1016 = vector.shape_cast %slice3A_1010 : vector<64x256xf32> to vector<1x64x256xf32>
    tpu.vector_store %arg2[%swap3A_1011, %swap3A_1012, %swap3A_1013], %swap3A_1016 {strides = array<i32>} : memref<32x64x2048xf32, #tpu.memory_space<vmem>>, vector<1x64x256xf32>,
    %slice3A_1017 = vector.extract_strided_slice %roll3A_953 {offsets = [0, 22], sizes = [64, 256], strides = [1, 1]} : vector<64x512xf32> to vector<64x256xf32>
    %swap3A_1018 = arith.constant 9 : index
    %swap3A_1019 = arith.constant 0 : index
    %swap3A_1020 = arith.constant 1024 : index
    %swap3A_1021 = vector.load %arg2[%swap3A_1018, %swap3A_1019, %swap3A_1020] : memref<32x64x2048xf32, #tpu.memory_space<vmem>>, vector<1x64x256xf32>
    %swap3A_1022 = vector.shape_cast %swap3A_1021 : vector<1x64x256xf32> to vector<64x256xf32>
    %swap3A_1023 = vector.shape_cast %slice3A_1017 : vector<64x256xf32> to vector<1x64x256xf32>
    tpu.vector_store %arg2[%swap3A_1018, %swap3A_1019, %swap3A_1020], %swap3A_1023 {strides = array<i32>} : memref<32x64x2048xf32, #tpu.memory_space<vmem>>, vector<1x64x256xf32>,
    %slice3A_1024 = vector.extract_strided_slice %roll3A_953 {offsets = [0, 21], sizes = [64, 256], strides = [1, 1]} : vector<64x512xf32> to vector<64x256xf32>
    %swap3A_1025 = arith.constant 10 : index
    %swap3A_1026 = arith.constant 0 : index
    %swap3A_1027 = arith.constant 1024 : index
    %swap3A_1028 = vector.load %arg2[%swap3A_1025, %swap3A_1026, %swap3A_1027] : memref<32x64x2048xf32, #tpu.memory_space<vmem>>, vector<1x64x256xf32>
    %swap3A_1029 = vector.shape_cast %swap3A_1028 : vector<1x64x256xf32> to vector<64x256xf32>
    %swap3A_1030 = vector.shape_cast %slice3A_1024 : vector<64x256xf32> to vector<1x64x256xf32>
    tpu.vector_store %arg2[%swap3A_1025, %swap3A_1026, %swap3A_1027], %swap3A_1030 {strides = array<i32>} : memref<32x64x2048xf32, #tpu.memory_space<vmem>>, vector<1x64x256xf32>,
    %slice3A_1031 = vector.extract_strided_slice %roll3A_953 {offsets = [0, 20], sizes = [64, 256], strides = [1, 1]} : vector<64x512xf32> to vector<64x256xf32>
    %swap3A_1032 = arith.constant 11 : index
    %swap3A_1033 = arith.constant 0 : index
    %swap3A_1034 = arith.constant 1024 : index
    %swap3A_1035 = vector.load %arg2[%swap3A_1032, %swap3A_1033, %swap3A_1034] : memref<32x64x2048xf32, #tpu.memory_space<vmem>>, vector<1x64x256xf32>
    %swap3A_1036 = vector.shape_cast %swap3A_1035 : vector<1x64x256xf32> to vector<64x256xf32>
    %swap3A_1037 = vector.shape_cast %slice3A_1031 : vector<64x256xf32> to vector<1x64x256xf32>
    tpu.vector_store %arg2[%swap3A_1032, %swap3A_1033, %swap3A_1034], %swap3A_1037 {strides = array<i32>} : memref<32x64x2048xf32, #tpu.memory_space<vmem>>, vector<1x64x256xf32>,
    %slice3A_1038 = vector.extract_strided_slice %roll3A_953 {offsets = [0, 19], sizes = [64, 256], strides = [1, 1]} : vector<64x512xf32> to vector<64x256xf32>
    %swap3A_1039 = arith.constant 12 : index
    %swap3A_1040 = arith.constant 0 : index
    %swap3A_1041 = arith.constant 1024 : index
    %swap3A_1042 = vector.load %arg2[%swap3A_1039, %swap3A_1040, %swap3A_1041] : memref<32x64x2048xf32, #tpu.memory_space<vmem>>, vector<1x64x256xf32>
    %swap3A_1043 = vector.shape_cast %swap3A_1042 : vector<1x64x256xf32> to vector<64x256xf32>
    %swap3A_1044 = vector.shape_cast %slice3A_1038 : vector<64x256xf32> to vector<1x64x256xf32>
    tpu.vector_store %arg2[%swap3A_1039, %swap3A_1040, %swap3A_1041], %swap3A_1044 {strides = array<i32>} : memref<32x64x2048xf32, #tpu.memory_space<vmem>>, vector<1x64x256xf32>,
    %slice3A_1045 = vector.extract_strided_slice %roll3A_953 {offsets = [0, 18], sizes = [64, 256], strides = [1, 1]} : vector<64x512xf32> to vector<64x256xf32>
    %swap3A_1046 = arith.constant 13 : index
    %swap3A_1047 = arith.constant 0 : index
    %swap3A_1048 = arith.constant 1024 : index
    %swap3A_1049 = vector.load %arg2[%swap3A_1046, %swap3A_1047, %swap3A_1048] : memref<32x64x2048xf32, #tpu.memory_space<vmem>>, vector<1x64x256xf32>
    %swap3A_1050 = vector.shape_cast %swap3A_1049 : vector<1x64x256xf32> to vector<64x256xf32>
    %swap3A_1051 = vector.shape_cast %slice3A_1045 : vector<64x256xf32> to vector<1x64x256xf32>
    tpu.vector_store %arg2[%swap3A_1046, %swap3A_1047, %swap3A_1048], %swap3A_1051 {strides = array<i32>} : memref<32x64x2048xf32, #tpu.memory_space<vmem>>, vector<1x64x256xf32>,
    %slice3A_1052 = vector.extract_strided_slice %roll3A_953 {offsets = [0, 17], sizes = [64, 256], strides = [1, 1]} : vector<64x512xf32> to vector<64x256xf32>
    %swap3A_1053 = arith.constant 14 : index
    %swap3A_1054 = arith.constant 0 : index
    %swap3A_1055 = arith.constant 1024 : index
    %swap3A_1056 = vector.load %arg2[%swap3A_1053, %swap3A_1054, %swap3A_1055] : memref<32x64x2048xf32, #tpu.memory_space<vmem>>, vector<1x64x256xf32>
    %swap3A_1057 = vector.shape_cast %swap3A_1056 : vector<1x64x256xf32> to vector<64x256xf32>
    %swap3A_1058 = vector.shape_cast %slice3A_1052 : vector<64x256xf32> to vector<1x64x256xf32>
    tpu.vector_store %arg2[%swap3A_1053, %swap3A_1054, %swap3A_1055], %swap3A_1058 {strides = array<i32>} : memref<32x64x2048xf32, #tpu.memory_space<vmem>>, vector<1x64x256xf32>,
    %slice3A_1059 = vector.extract_strided_slice %roll3A_953 {offsets = [0, 16], sizes = [64, 256], strides = [1, 1]} : vector<64x512xf32> to vector<64x256xf32>
    %swap3A_1060 = arith.constant 15 : index
    %swap3A_1061 = arith.constant 0 : index
    %swap3A_1062 = arith.constant 1024 : index
    %swap3A_1063 = vector.load %arg2[%swap3A_1060, %swap3A_1061, %swap3A_1062] : memref<32x64x2048xf32, #tpu.memory_space<vmem>>, vector<1x64x256xf32>
    %swap3A_1064 = vector.shape_cast %swap3A_1063 : vector<1x64x256xf32> to vector<64x256xf32>
    %swap3A_1065 = vector.shape_cast %slice3A_1059 : vector<64x256xf32> to vector<1x64x256xf32>
    tpu.vector_store %arg2[%swap3A_1060, %swap3A_1061, %swap3A_1062], %swap3A_1065 {strides = array<i32>} : memref<32x64x2048xf32, #tpu.memory_space<vmem>>, vector<1x64x256xf32>,
    %slice3A_1066 = vector.extract_strided_slice %roll3A_953 {offsets = [0, 15], sizes = [64, 256], strides = [1, 1]} : vector<64x512xf32> to vector<64x256xf32>
    %swap3A_1067 = arith.constant 16 : index
    %swap3A_1068 = arith.constant 0 : index
    %swap3A_1069 = arith.constant 1024 : index
    %swap3A_1070 = vector.load %arg2[%swap3A_1067, %swap3A_1068, %swap3A_1069] : memref<32x64x2048xf32, #tpu.memory_space<vmem>>, vector<1x64x256xf32>
    %swap3A_1071 = vector.shape_cast %swap3A_1070 : vector<1x64x256xf32> to vector<64x256xf32>
    %swap3A_1072 = vector.shape_cast %slice3A_1066 : vector<64x256xf32> to vector<1x64x256xf32>
    tpu.vector_store %arg2[%swap3A_1067, %swap3A_1068, %swap3A_1069], %swap3A_1072 {strides = array<i32>} : memref<32x64x2048xf32, #tpu.memory_space<vmem>>, vector<1x64x256xf32>,
    %slice3A_1073 = vector.extract_strided_slice %roll3A_953 {offsets = [0, 14], sizes = [64, 256], strides = [1, 1]} : vector<64x512xf32> to vector<64x256xf32>
    %swap3A_1074 = arith.constant 17 : index
    %swap3A_1075 = arith.constant 0 : index
    %swap3A_1076 = arith.constant 1024 : index
    %swap3A_1077 = vector.load %arg2[%swap3A_1074, %swap3A_1075, %swap3A_1076] : memref<32x64x2048xf32, #tpu.memory_space<vmem>>, vector<1x64x256xf32>
    %swap3A_1078 = vector.shape_cast %swap3A_1077 : vector<1x64x256xf32> to vector<64x256xf32>
    %swap3A_1079 = vector.shape_cast %slice3A_1073 : vector<64x256xf32> to vector<1x64x256xf32>
    tpu.vector_store %arg2[%swap3A_1074, %swap3A_1075, %swap3A_1076], %swap3A_1079 {strides = array<i32>} : memref<32x64x2048xf32, #tpu.memory_space<vmem>>, vector<1x64x256xf32>,
    %slice3A_1080 = vector.extract_strided_slice %roll3A_953 {offsets = [0, 13], sizes = [64, 256], strides = [1, 1]} : vector<64x512xf32> to vector<64x256xf32>
    %swap3A_1081 = arith.constant 18 : index
    %swap3A_1082 = arith.constant 0 : index
    %swap3A_1083 = arith.constant 1024 : index
    %swap3A_1084 = vector.load %arg2[%swap3A_1081, %swap3A_1082, %swap3A_1083] : memref<32x64x2048xf32, #tpu.memory_space<vmem>>, vector<1x64x256xf32>
    %swap3A_1085 = vector.shape_cast %swap3A_1084 : vector<1x64x256xf32> to vector<64x256xf32>
    %swap3A_1086 = vector.shape_cast %slice3A_1080 : vector<64x256xf32> to vector<1x64x256xf32>
    tpu.vector_store %arg2[%swap3A_1081, %swap3A_1082, %swap3A_1083], %swap3A_1086 {strides = array<i32>} : memref<32x64x2048xf32, #tpu.memory_space<vmem>>, vector<1x64x256xf32>,
    %slice3A_1087 = vector.extract_strided_slice %roll3A_953 {offsets = [0, 12], sizes = [64, 256], strides = [1, 1]} : vector<64x512xf32> to vector<64x256xf32>
    %swap3A_1088 = arith.constant 19 : index
    %swap3A_1089 = arith.constant 0 : index
    %swap3A_1090 = arith.constant 1024 : index
    %swap3A_1091 = vector.load %arg2[%swap3A_1088, %swap3A_1089, %swap3A_1090] : memref<32x64x2048xf32, #tpu.memory_space<vmem>>, vector<1x64x256xf32>
    %swap3A_1092 = vector.shape_cast %swap3A_1091 : vector<1x64x256xf32> to vector<64x256xf32>
    %swap3A_1093 = vector.shape_cast %slice3A_1087 : vector<64x256xf32> to vector<1x64x256xf32>
    tpu.vector_store %arg2[%swap3A_1088, %swap3A_1089, %swap3A_1090], %swap3A_1093 {strides = array<i32>} : memref<32x64x2048xf32, #tpu.memory_space<vmem>>, vector<1x64x256xf32>,
    %slice3A_1094 = vector.extract_strided_slice %roll3A_953 {offsets = [0, 11], sizes = [64, 256], strides = [1, 1]} : vector<64x512xf32> to vector<64x256xf32>
    %swap3A_1095 = arith.constant 20 : index
    %swap3A_1096 = arith.constant 0 : index
    %swap3A_1097 = arith.constant 1024 : index
    %swap3A_1098 = vector.load %arg2[%swap3A_1095, %swap3A_1096, %swap3A_1097] : memref<32x64x2048xf32, #tpu.memory_space<vmem>>, vector<1x64x256xf32>
    %swap3A_1099 = vector.shape_cast %swap3A_1098 : vector<1x64x256xf32> to vector<64x256xf32>
    %swap3A_1100 = vector.shape_cast %slice3A_1094 : vector<64x256xf32> to vector<1x64x256xf32>
    tpu.vector_store %arg2[%swap3A_1095, %swap3A_1096, %swap3A_1097], %swap3A_1100 {strides = array<i32>} : memref<32x64x2048xf32, #tpu.memory_space<vmem>>, vector<1x64x256xf32>,
    %slice3A_1101 = vector.extract_strided_slice %roll3A_953 {offsets = [0, 10], sizes = [64, 256], strides = [1, 1]} : vector<64x512xf32> to vector<64x256xf32>
    %swap3A_1102 = arith.constant 21 : index
    %swap3A_1103 = arith.constant 0 : index
    %swap3A_1104 = arith.constant 1024 : index
    %swap3A_1105 = vector.load %arg2[%swap3A_1102, %swap3A_1103, %swap3A_1104] : memref<32x64x2048xf32, #tpu.memory_space<vmem>>, vector<1x64x256xf32>
    %swap3A_1106 = vector.shape_cast %swap3A_1105 : vector<1x64x256xf32> to vector<64x256xf32>
    %swap3A_1107 = vector.shape_cast %slice3A_1101 : vector<64x256xf32> to vector<1x64x256xf32>
    tpu.vector_store %arg2[%swap3A_1102, %swap3A_1103, %swap3A_1104], %swap3A_1107 {strides = array<i32>} : memref<32x64x2048xf32, #tpu.memory_space<vmem>>, vector<1x64x256xf32>,
    %slice3A_1108 = vector.extract_strided_slice %roll3A_953 {offsets = [0, 9], sizes = [64, 256], strides = [1, 1]} : vector<64x512xf32> to vector<64x256xf32>
    %swap3A_1109 = arith.constant 22 : index
    %swap3A_1110 = arith.constant 0 : index
    %swap3A_1111 = arith.constant 1024 : index
    %swap3A_1112 = vector.load %arg2[%swap3A_1109, %swap3A_1110, %swap3A_1111] : memref<32x64x2048xf32, #tpu.memory_space<vmem>>, vector<1x64x256xf32>
    %swap3A_1113 = vector.shape_cast %swap3A_1112 : vector<1x64x256xf32> to vector<64x256xf32>
    %swap3A_1114 = vector.shape_cast %slice3A_1108 : vector<64x256xf32> to vector<1x64x256xf32>
    tpu.vector_store %arg2[%swap3A_1109, %swap3A_1110, %swap3A_1111], %swap3A_1114 {strides = array<i32>} : memref<32x64x2048xf32, #tpu.memory_space<vmem>>, vector<1x64x256xf32>,
    %slice3A_1115 = vector.extract_strided_slice %roll3A_953 {offsets = [0, 8], sizes = [64, 256], strides = [1, 1]} : vector<64x512xf32> to vector<64x256xf32>
    %swap3A_1116 = arith.constant 23 : index
    %swap3A_1117 = arith.constant 0 : index
    %swap3A_1118 = arith.constant 1024 : index
    %swap3A_1119 = vector.load %arg2[%swap3A_1116, %swap3A_1117, %swap3A_1118] : memref<32x64x2048xf32, #tpu.memory_space<vmem>>, vector<1x64x256xf32>
    %swap3A_1120 = vector.shape_cast %swap3A_1119 : vector<1x64x256xf32> to vector<64x256xf32>
    %swap3A_1121 = vector.shape_cast %slice3A_1115 : vector<64x256xf32> to vector<1x64x256xf32>
    tpu.vector_store %arg2[%swap3A_1116, %swap3A_1117, %swap3A_1118], %swap3A_1121 {strides = array<i32>} : memref<32x64x2048xf32, #tpu.memory_space<vmem>>, vector<1x64x256xf32>,
    %slice3A_1122 = vector.extract_strided_slice %roll3A_953 {offsets = [0, 7], sizes = [64, 256], strides = [1, 1]} : vector<64x512xf32> to vector<64x256xf32>
    %swap3A_1123 = arith.constant 24 : index
    %swap3A_1124 = arith.constant 0 : index
    %swap3A_1125 = arith.constant 1024 : index
    %swap3A_1126 = vector.load %arg2[%swap3A_1123, %swap3A_1124, %swap3A_1125] : memref<32x64x2048xf32, #tpu.memory_space<vmem>>, vector<1x64x256xf32>
    %swap3A_1127 = vector.shape_cast %swap3A_1126 : vector<1x64x256xf32> to vector<64x256xf32>
    %swap3A_1128 = vector.shape_cast %slice3A_1122 : vector<64x256xf32> to vector<1x64x256xf32>
    tpu.vector_store %arg2[%swap3A_1123, %swap3A_1124, %swap3A_1125], %swap3A_1128 {strides = array<i32>} : memref<32x64x2048xf32, #tpu.memory_space<vmem>>, vector<1x64x256xf32>,
    %slice3A_1129 = vector.extract_strided_slice %roll3A_953 {offsets = [0, 6], sizes = [64, 256], strides = [1, 1]} : vector<64x512xf32> to vector<64x256xf32>
    %swap3A_1130 = arith.constant 25 : index
    %swap3A_1131 = arith.constant 0 : index
    %swap3A_1132 = arith.constant 1024 : index
    %swap3A_1133 = vector.load %arg2[%swap3A_1130, %swap3A_1131, %swap3A_1132] : memref<32x64x2048xf32, #tpu.memory_space<vmem>>, vector<1x64x256xf32>
    %swap3A_1134 = vector.shape_cast %swap3A_1133 : vector<1x64x256xf32> to vector<64x256xf32>
    %swap3A_1135 = vector.shape_cast %slice3A_1129 : vector<64x256xf32> to vector<1x64x256xf32>
    tpu.vector_store %arg2[%swap3A_1130, %swap3A_1131, %swap3A_1132], %swap3A_1135 {strides = array<i32>} : memref<32x64x2048xf32, #tpu.memory_space<vmem>>, vector<1x64x256xf32>,
    %slice3A_1136 = vector.extract_strided_slice %roll3A_953 {offsets = [0, 5], sizes = [64, 256], strides = [1, 1]} : vector<64x512xf32> to vector<64x256xf32>
    %swap3A_1137 = arith.constant 26 : index
    %swap3A_1138 = arith.constant 0 : index
    %swap3A_1139 = arith.constant 1024 : index
    %swap3A_1140 = vector.load %arg2[%swap3A_1137, %swap3A_1138, %swap3A_1139] : memref<32x64x2048xf32, #tpu.memory_space<vmem>>, vector<1x64x256xf32>
    %swap3A_1141 = vector.shape_cast %swap3A_1140 : vector<1x64x256xf32> to vector<64x256xf32>
    %swap3A_1142 = vector.shape_cast %slice3A_1136 : vector<64x256xf32> to vector<1x64x256xf32>
    tpu.vector_store %arg2[%swap3A_1137, %swap3A_1138, %swap3A_1139], %swap3A_1142 {strides = array<i32>} : memref<32x64x2048xf32, #tpu.memory_space<vmem>>, vector<1x64x256xf32>,
    %slice3A_1143 = vector.extract_strided_slice %roll3A_953 {offsets = [0, 4], sizes = [64, 256], strides = [1, 1]} : vector<64x512xf32> to vector<64x256xf32>
    %swap3A_1144 = arith.constant 27 : index
    %swap3A_1145 = arith.constant 0 : index
    %swap3A_1146 = arith.constant 1024 : index
    %swap3A_1147 = vector.load %arg2[%swap3A_1144, %swap3A_1145, %swap3A_1146] : memref<32x64x2048xf32, #tpu.memory_space<vmem>>, vector<1x64x256xf32>
    %swap3A_1148 = vector.shape_cast %swap3A_1147 : vector<1x64x256xf32> to vector<64x256xf32>
    %swap3A_1149 = vector.shape_cast %slice3A_1143 : vector<64x256xf32> to vector<1x64x256xf32>
    tpu.vector_store %arg2[%swap3A_1144, %swap3A_1145, %swap3A_1146], %swap3A_1149 {strides = array<i32>} : memref<32x64x2048xf32, #tpu.memory_space<vmem>>, vector<1x64x256xf32>,
    %slice3A_1150 = vector.extract_strided_slice %roll3A_953 {offsets = [0, 3], sizes = [64, 256], strides = [1, 1]} : vector<64x512xf32> to vector<64x256xf32>
    %swap3A_1151 = arith.constant 28 : index
    %swap3A_1152 = arith.constant 0 : index
    %swap3A_1153 = arith.constant 1024 : index
    %swap3A_1154 = vector.load %arg2[%swap3A_1151, %swap3A_1152, %swap3A_1153] : memref<32x64x2048xf32, #tpu.memory_space<vmem>>, vector<1x64x256xf32>
    %swap3A_1155 = vector.shape_cast %swap3A_1154 : vector<1x64x256xf32> to vector<64x256xf32>
    %swap3A_1156 = vector.shape_cast %slice3A_1150 : vector<64x256xf32> to vector<1x64x256xf32>
    tpu.vector_store %arg2[%swap3A_1151, %swap3A_1152, %swap3A_1153], %swap3A_1156 {strides = array<i32>} : memref<32x64x2048xf32, #tpu.memory_space<vmem>>, vector<1x64x256xf32>,
    %slice3A_1157 = vector.extract_strided_slice %roll3A_953 {offsets = [0, 2], sizes = [64, 256], strides = [1, 1]} : vector<64x512xf32> to vector<64x256xf32>
    %swap3A_1158 = arith.constant 29 : index
    %swap3A_1159 = arith.constant 0 : index
    %swap3A_1160 = arith.constant 1024 : index
    %swap3A_1161 = vector.load %arg2[%swap3A_1158, %swap3A_1159, %swap3A_1160] : memref<32x64x2048xf32, #tpu.memory_space<vmem>>, vector<1x64x256xf32>
    %swap3A_1162 = vector.shape_cast %swap3A_1161 : vector<1x64x256xf32> to vector<64x256xf32>
    %swap3A_1163 = vector.shape_cast %slice3A_1157 : vector<64x256xf32> to vector<1x64x256xf32>
    tpu.vector_store %arg2[%swap3A_1158, %swap3A_1159, %swap3A_1160], %swap3A_1163 {strides = array<i32>} : memref<32x64x2048xf32, #tpu.memory_space<vmem>>, vector<1x64x256xf32>,
    %slice3A_1164 = vector.extract_strided_slice %roll3A_953 {offsets = [0, 1], sizes = [64, 256], strides = [1, 1]} : vector<64x512xf32> to vector<64x256xf32>
    %swap3A_1165 = arith.constant 30 : index
    %swap3A_1166 = arith.constant 0 : index
    %swap3A_1167 = arith.constant 1024 : index
    %swap3A_1168 = vector.load %arg2[%swap3A_1165, %swap3A_1166, %swap3A_1167] : memref<32x64x2048xf32, #tpu.memory_space<vmem>>, vector<1x64x256xf32>
    %swap3A_1169 = vector.shape_cast %swap3A_1168 : vector<1x64x256xf32> to vector<64x256xf32>
    %swap3A_1170 = vector.shape_cast %slice3A_1164 : vector<64x256xf32> to vector<1x64x256xf32>
    tpu.vector_store %arg2[%swap3A_1165, %swap3A_1166, %swap3A_1167], %swap3A_1170 {strides = array<i32>} : memref<32x64x2048xf32, #tpu.memory_space<vmem>>, vector<1x64x256xf32>,
    %slice3A_1171 = vector.extract_strided_slice %roll3A_953 {offsets = [0, 0], sizes = [64, 256], strides = [1, 1]} : vector<64x512xf32> to vector<64x256xf32>
    %swap3A_1172 = arith.constant 31 : index
    %swap3A_1173 = arith.constant 0 : index
    %swap3A_1174 = arith.constant 1024 : index
    %swap3A_1175 = vector.load %arg2[%swap3A_1172, %swap3A_1173, %swap3A_1174] : memref<32x64x2048xf32, #tpu.memory_space<vmem>>, vector<1x64x256xf32>
    %swap3A_1176 = vector.shape_cast %swap3A_1175 : vector<1x64x256xf32> to vector<64x256xf32>
    %swap3A_1177 = vector.shape_cast %slice3A_1171 : vector<64x256xf32> to vector<1x64x256xf32>
    tpu.vector_store %arg2[%swap3A_1172, %swap3A_1173, %swap3A_1174], %swap3A_1177 {strides = array<i32>} : memref<32x64x2048xf32, #tpu.memory_space<vmem>>, vector<1x64x256xf32>,
    %add3A_1178 = arith.constant 1280 : i32
    %add3A_1179 = arith.addi %multiple_of3A, %add3A_1178 : i32
    %get3A_1180 = arith.constant 0 : index
    %get3A_1181 = arith.index_cast %add3A_1179 : i32 to index
    %get3A_1182 = vector.load %arg1[%get3A_1180, %get3A_1181] : memref<64x4352xf32, #tpu.memory_space<vmem>>, vector<64x512xf32>
    %neg3A_1183 = arith.constant 0 : i32
    %neg3A_1184 = arith.subi %neg3A_1183, %sub3A_22 : i32
    %roll3A_1185 = tpu.dynamic_rotate %get3A_1182 by %neg3A_1184 dim 1 : vector<64x512xf32>, i32 -> vector<64x512xf32>
    %slice3A_1186 = vector.extract_strided_slice %roll3A_1185 {offsets = [0, 31], sizes = [64, 256], strides = [1, 1]} : vector<64x512xf32> to vector<64x256xf32>
    %swap3A_1187 = arith.constant 0 : index
    %swap3A_1188 = arith.constant 0 : index
    %swap3A_1189 = arith.constant 1280 : index
    %swap3A_1190 = vector.load %arg2[%swap3A_1187, %swap3A_1188, %swap3A_1189] : memref<32x64x2048xf32, #tpu.memory_space<vmem>>, vector<1x64x256xf32>
    %swap3A_1191 = vector.shape_cast %swap3A_1190 : vector<1x64x256xf32> to vector<64x256xf32>
    %swap3A_1192 = vector.shape_cast %slice3A_1186 : vector<64x256xf32> to vector<1x64x256xf32>
    tpu.vector_store %arg2[%swap3A_1187, %swap3A_1188, %swap3A_1189], %swap3A_1192 {strides = array<i32>} : memref<32x64x2048xf32, #tpu.memory_space<vmem>>, vector<1x64x256xf32>,
    %slice3A_1193 = vector.extract_strided_slice %roll3A_1185 {offsets = [0, 30], sizes = [64, 256], strides = [1, 1]} : vector<64x512xf32> to vector<64x256xf32>
    %swap3A_1194 = arith.constant 1 : index
    %swap3A_1195 = arith.constant 0 : index
    %swap3A_1196 = arith.constant 1280 : index
    %swap3A_1197 = vector.load %arg2[%swap3A_1194, %swap3A_1195, %swap3A_1196] : memref<32x64x2048xf32, #tpu.memory_space<vmem>>, vector<1x64x256xf32>
    %swap3A_1198 = vector.shape_cast %swap3A_1197 : vector<1x64x256xf32> to vector<64x256xf32>
    %swap3A_1199 = vector.shape_cast %slice3A_1193 : vector<64x256xf32> to vector<1x64x256xf32>
    tpu.vector_store %arg2[%swap3A_1194, %swap3A_1195, %swap3A_1196], %swap3A_1199 {strides = array<i32>} : memref<32x64x2048xf32, #tpu.memory_space<vmem>>, vector<1x64x256xf32>,
    %slice3A_1200 = vector.extract_strided_slice %roll3A_1185 {offsets = [0, 29], sizes = [64, 256], strides = [1, 1]} : vector<64x512xf32> to vector<64x256xf32>
    %swap3A_1201 = arith.constant 2 : index
    %swap3A_1202 = arith.constant 0 : index
    %swap3A_1203 = arith.constant 1280 : index
    %swap3A_1204 = vector.load %arg2[%swap3A_1201, %swap3A_1202, %swap3A_1203] : memref<32x64x2048xf32, #tpu.memory_space<vmem>>, vector<1x64x256xf32>
    %swap3A_1205 = vector.shape_cast %swap3A_1204 : vector<1x64x256xf32> to vector<64x256xf32>
    %swap3A_1206 = vector.shape_cast %slice3A_1200 : vector<64x256xf32> to vector<1x64x256xf32>
    tpu.vector_store %arg2[%swap3A_1201, %swap3A_1202, %swap3A_1203], %swap3A_1206 {strides = array<i32>} : memref<32x64x2048xf32, #tpu.memory_space<vmem>>, vector<1x64x256xf32>,
    %slice3A_1207 = vector.extract_strided_slice %roll3A_1185 {offsets = [0, 28], sizes = [64, 256], strides = [1, 1]} : vector<64x512xf32> to vector<64x256xf32>
    %swap3A_1208 = arith.constant 3 : index
    %swap3A_1209 = arith.constant 0 : index
    %swap3A_1210 = arith.constant 1280 : index
    %swap3A_1211 = vector.load %arg2[%swap3A_1208, %swap3A_1209, %swap3A_1210] : memref<32x64x2048xf32, #tpu.memory_space<vmem>>, vector<1x64x256xf32>
    %swap3A_1212 = vector.shape_cast %swap3A_1211 : vector<1x64x256xf32> to vector<64x256xf32>
    %swap3A_1213 = vector.shape_cast %slice3A_1207 : vector<64x256xf32> to vector<1x64x256xf32>
    tpu.vector_store %arg2[%swap3A_1208, %swap3A_1209, %swap3A_1210], %swap3A_1213 {strides = array<i32>} : memref<32x64x2048xf32, #tpu.memory_space<vmem>>, vector<1x64x256xf32>,
    %slice3A_1214 = vector.extract_strided_slice %roll3A_1185 {offsets = [0, 27], sizes = [64, 256], strides = [1, 1]} : vector<64x512xf32> to vector<64x256xf32>
    %swap3A_1215 = arith.constant 4 : index
    %swap3A_1216 = arith.constant 0 : index
    %swap3A_1217 = arith.constant 1280 : index
    %swap3A_1218 = vector.load %arg2[%swap3A_1215, %swap3A_1216, %swap3A_1217] : memref<32x64x2048xf32, #tpu.memory_space<vmem>>, vector<1x64x256xf32>
    %swap3A_1219 = vector.shape_cast %swap3A_1218 : vector<1x64x256xf32> to vector<64x256xf32>
    %swap3A_1220 = vector.shape_cast %slice3A_1214 : vector<64x256xf32> to vector<1x64x256xf32>
    tpu.vector_store %arg2[%swap3A_1215, %swap3A_1216, %swap3A_1217], %swap3A_1220 {strides = array<i32>} : memref<32x64x2048xf32, #tpu.memory_space<vmem>>, vector<1x64x256xf32>,
    %slice3A_1221 = vector.extract_strided_slice %roll3A_1185 {offsets = [0, 26], sizes = [64, 256], strides = [1, 1]} : vector<64x512xf32> to vector<64x256xf32>
    %swap3A_1222 = arith.constant 5 : index
    %swap3A_1223 = arith.constant 0 : index
    %swap3A_1224 = arith.constant 1280 : index
    %swap3A_1225 = vector.load %arg2[%swap3A_1222, %swap3A_1223, %swap3A_1224] : memref<32x64x2048xf32, #tpu.memory_space<vmem>>, vector<1x64x256xf32>
    %swap3A_1226 = vector.shape_cast %swap3A_1225 : vector<1x64x256xf32> to vector<64x256xf32>
    %swap3A_1227 = vector.shape_cast %slice3A_1221 : vector<64x256xf32> to vector<1x64x256xf32>
    tpu.vector_store %arg2[%swap3A_1222, %swap3A_1223, %swap3A_1224], %swap3A_1227 {strides = array<i32>} : memref<32x64x2048xf32, #tpu.memory_space<vmem>>, vector<1x64x256xf32>,
    %slice3A_1228 = vector.extract_strided_slice %roll3A_1185 {offsets = [0, 25], sizes = [64, 256], strides = [1, 1]} : vector<64x512xf32> to vector<64x256xf32>
    %swap3A_1229 = arith.constant 6 : index
    %swap3A_1230 = arith.constant 0 : index
    %swap3A_1231 = arith.constant 1280 : index
    %swap3A_1232 = vector.load %arg2[%swap3A_1229, %swap3A_1230, %swap3A_1231] : memref<32x64x2048xf32, #tpu.memory_space<vmem>>, vector<1x64x256xf32>
    %swap3A_1233 = vector.shape_cast %swap3A_1232 : vector<1x64x256xf32> to vector<64x256xf32>
    %swap3A_1234 = vector.shape_cast %slice3A_1228 : vector<64x256xf32> to vector<1x64x256xf32>
    tpu.vector_store %arg2[%swap3A_1229, %swap3A_1230, %swap3A_1231], %swap3A_1234 {strides = array<i32>} : memref<32x64x2048xf32, #tpu.memory_space<vmem>>, vector<1x64x256xf32>,
    %slice3A_1235 = vector.extract_strided_slice %roll3A_1185 {offsets = [0, 24], sizes = [64, 256], strides = [1, 1]} : vector<64x512xf32> to vector<64x256xf32>
    %swap3A_1236 = arith.constant 7 : index
    %swap3A_1237 = arith.constant 0 : index
    %swap3A_1238 = arith.constant 1280 : index
    %swap3A_1239 = vector.load %arg2[%swap3A_1236, %swap3A_1237, %swap3A_1238] : memref<32x64x2048xf32, #tpu.memory_space<vmem>>, vector<1x64x256xf32>
    %swap3A_1240 = vector.shape_cast %swap3A_1239 : vector<1x64x256xf32> to vector<64x256xf32>
    %swap3A_1241 = vector.shape_cast %slice3A_1235 : vector<64x256xf32> to vector<1x64x256xf32>
    tpu.vector_store %arg2[%swap3A_1236, %swap3A_1237, %swap3A_1238], %swap3A_1241 {strides = array<i32>} : memref<32x64x2048xf32, #tpu.memory_space<vmem>>, vector<1x64x256xf32>,
    %slice3A_1242 = vector.extract_strided_slice %roll3A_1185 {offsets = [0, 23], sizes = [64, 256], strides = [1, 1]} : vector<64x512xf32> to vector<64x256xf32>
    %swap3A_1243 = arith.constant 8 : index
    %swap3A_1244 = arith.constant 0 : index
    %swap3A_1245 = arith.constant 1280 : index
    %swap3A_1246 = vector.load %arg2[%swap3A_1243, %swap3A_1244, %swap3A_1245] : memref<32x64x2048xf32, #tpu.memory_space<vmem>>, vector<1x64x256xf32>
    %swap3A_1247 = vector.shape_cast %swap3A_1246 : vector<1x64x256xf32> to vector<64x256xf32>
    %swap3A_1248 = vector.shape_cast %slice3A_1242 : vector<64x256xf32> to vector<1x64x256xf32>
    tpu.vector_store %arg2[%swap3A_1243, %swap3A_1244, %swap3A_1245], %swap3A_1248 {strides = array<i32>} : memref<32x64x2048xf32, #tpu.memory_space<vmem>>, vector<1x64x256xf32>,
    %slice3A_1249 = vector.extract_strided_slice %roll3A_1185 {offsets = [0, 22], sizes = [64, 256], strides = [1, 1]} : vector<64x512xf32> to vector<64x256xf32>
    %swap3A_1250 = arith.constant 9 : index
    %swap3A_1251 = arith.constant 0 : index
    %swap3A_1252 = arith.constant 1280 : index
    %swap3A_1253 = vector.load %arg2[%swap3A_1250, %swap3A_1251, %swap3A_1252] : memref<32x64x2048xf32, #tpu.memory_space<vmem>>, vector<1x64x256xf32>
    %swap3A_1254 = vector.shape_cast %swap3A_1253 : vector<1x64x256xf32> to vector<64x256xf32>
    %swap3A_1255 = vector.shape_cast %slice3A_1249 : vector<64x256xf32> to vector<1x64x256xf32>
    tpu.vector_store %arg2[%swap3A_1250, %swap3A_1251, %swap3A_1252], %swap3A_1255 {strides = array<i32>} : memref<32x64x2048xf32, #tpu.memory_space<vmem>>, vector<1x64x256xf32>,
    %slice3A_1256 = vector.extract_strided_slice %roll3A_1185 {offsets = [0, 21], sizes = [64, 256], strides = [1, 1]} : vector<64x512xf32> to vector<64x256xf32>
    %swap3A_1257 = arith.constant 10 : index
    %swap3A_1258 = arith.constant 0 : index
    %swap3A_1259 = arith.constant 1280 : index
    %swap3A_1260 = vector.load %arg2[%swap3A_1257, %swap3A_1258, %swap3A_1259] : memref<32x64x2048xf32, #tpu.memory_space<vmem>>, vector<1x64x256xf32>
    %swap3A_1261 = vector.shape_cast %swap3A_1260 : vector<1x64x256xf32> to vector<64x256xf32>
    %swap3A_1262 = vector.shape_cast %slice3A_1256 : vector<64x256xf32> to vector<1x64x256xf32>
    tpu.vector_store %arg2[%swap3A_1257, %swap3A_1258, %swap3A_1259], %swap3A_1262 {strides = array<i32>} : memref<32x64x2048xf32, #tpu.memory_space<vmem>>, vector<1x64x256xf32>,
    %slice3A_1263 = vector.extract_strided_slice %roll3A_1185 {offsets = [0, 20], sizes = [64, 256], strides = [1, 1]} : vector<64x512xf32> to vector<64x256xf32>
    %swap3A_1264 = arith.constant 11 : index
    %swap3A_1265 = arith.constant 0 : index
    %swap3A_1266 = arith.constant 1280 : index
    %swap3A_1267 = vector.load %arg2[%swap3A_1264, %swap3A_1265, %swap3A_1266] : memref<32x64x2048xf32, #tpu.memory_space<vmem>>, vector<1x64x256xf32>
    %swap3A_1268 = vector.shape_cast %swap3A_1267 : vector<1x64x256xf32> to vector<64x256xf32>
    %swap3A_1269 = vector.shape_cast %slice3A_1263 : vector<64x256xf32> to vector<1x64x256xf32>
    tpu.vector_store %arg2[%swap3A_1264, %swap3A_1265, %swap3A_1266], %swap3A_1269 {strides = array<i32>} : memref<32x64x2048xf32, #tpu.memory_space<vmem>>, vector<1x64x256xf32>,
    %slice3A_1270 = vector.extract_strided_slice %roll3A_1185 {offsets = [0, 19], sizes = [64, 256], strides = [1, 1]} : vector<64x512xf32> to vector<64x256xf32>
    %swap3A_1271 = arith.constant 12 : index
    %swap3A_1272 = arith.constant 0 : index
    %swap3A_1273 = arith.constant 1280 : index
    %swap3A_1274 = vector.load %arg2[%swap3A_1271, %swap3A_1272, %swap3A_1273] : memref<32x64x2048xf32, #tpu.memory_space<vmem>>, vector<1x64x256xf32>
    %swap3A_1275 = vector.shape_cast %swap3A_1274 : vector<1x64x256xf32> to vector<64x256xf32>
    %swap3A_1276 = vector.shape_cast %slice3A_1270 : vector<64x256xf32> to vector<1x64x256xf32>
    tpu.vector_store %arg2[%swap3A_1271, %swap3A_1272, %swap3A_1273], %swap3A_1276 {strides = array<i32>} : memref<32x64x2048xf32, #tpu.memory_space<vmem>>, vector<1x64x256xf32>,
    %slice3A_1277 = vector.extract_strided_slice %roll3A_1185 {offsets = [0, 18], sizes = [64, 256], strides = [1, 1]} : vector<64x512xf32> to vector<64x256xf32>
    %swap3A_1278 = arith.constant 13 : index
    %swap3A_1279 = arith.constant 0 : index
    %swap3A_1280 = arith.constant 1280 : index
    %swap3A_1281 = vector.load %arg2[%swap3A_1278, %swap3A_1279, %swap3A_1280] : memref<32x64x2048xf32, #tpu.memory_space<vmem>>, vector<1x64x256xf32>
    %swap3A_1282 = vector.shape_cast %swap3A_1281 : vector<1x64x256xf32> to vector<64x256xf32>
    %swap3A_1283 = vector.shape_cast %slice3A_1277 : vector<64x256xf32> to vector<1x64x256xf32>
    tpu.vector_store %arg2[%swap3A_1278, %swap3A_1279, %swap3A_1280], %swap3A_1283 {strides = array<i32>} : memref<32x64x2048xf32, #tpu.memory_space<vmem>>, vector<1x64x256xf32>,
    %slice3A_1284 = vector.extract_strided_slice %roll3A_1185 {offsets = [0, 17], sizes = [64, 256], strides = [1, 1]} : vector<64x512xf32> to vector<64x256xf32>
    %swap3A_1285 = arith.constant 14 : index
    %swap3A_1286 = arith.constant 0 : index
    %swap3A_1287 = arith.constant 1280 : index
    %swap3A_1288 = vector.load %arg2[%swap3A_1285, %swap3A_1286, %swap3A_1287] : memref<32x64x2048xf32, #tpu.memory_space<vmem>>, vector<1x64x256xf32>
    %swap3A_1289 = vector.shape_cast %swap3A_1288 : vector<1x64x256xf32> to vector<64x256xf32>
    %swap3A_1290 = vector.shape_cast %slice3A_1284 : vector<64x256xf32> to vector<1x64x256xf32>
    tpu.vector_store %arg2[%swap3A_1285, %swap3A_1286, %swap3A_1287], %swap3A_1290 {strides = array<i32>} : memref<32x64x2048xf32, #tpu.memory_space<vmem>>, vector<1x64x256xf32>,
    %slice3A_1291 = vector.extract_strided_slice %roll3A_1185 {offsets = [0, 16], sizes = [64, 256], strides = [1, 1]} : vector<64x512xf32> to vector<64x256xf32>
    %swap3A_1292 = arith.constant 15 : index
    %swap3A_1293 = arith.constant 0 : index
    %swap3A_1294 = arith.constant 1280 : index
    %swap3A_1295 = vector.load %arg2[%swap3A_1292, %swap3A_1293, %swap3A_1294] : memref<32x64x2048xf32, #tpu.memory_space<vmem>>, vector<1x64x256xf32>
    %swap3A_1296 = vector.shape_cast %swap3A_1295 : vector<1x64x256xf32> to vector<64x256xf32>
    %swap3A_1297 = vector.shape_cast %slice3A_1291 : vector<64x256xf32> to vector<1x64x256xf32>
    tpu.vector_store %arg2[%swap3A_1292, %swap3A_1293, %swap3A_1294], %swap3A_1297 {strides = array<i32>} : memref<32x64x2048xf32, #tpu.memory_space<vmem>>, vector<1x64x256xf32>,
    %slice3A_1298 = vector.extract_strided_slice %roll3A_1185 {offsets = [0, 15], sizes = [64, 256], strides = [1, 1]} : vector<64x512xf32> to vector<64x256xf32>
    %swap3A_1299 = arith.constant 16 : index
    %swap3A_1300 = arith.constant 0 : index
    %swap3A_1301 = arith.constant 1280 : index
    %swap3A_1302 = vector.load %arg2[%swap3A_1299, %swap3A_1300, %swap3A_1301] : memref<32x64x2048xf32, #tpu.memory_space<vmem>>, vector<1x64x256xf32>
    %swap3A_1303 = vector.shape_cast %swap3A_1302 : vector<1x64x256xf32> to vector<64x256xf32>
    %swap3A_1304 = vector.shape_cast %slice3A_1298 : vector<64x256xf32> to vector<1x64x256xf32>
    tpu.vector_store %arg2[%swap3A_1299, %swap3A_1300, %swap3A_1301], %swap3A_1304 {strides = array<i32>} : memref<32x64x2048xf32, #tpu.memory_space<vmem>>, vector<1x64x256xf32>,
    %slice3A_1305 = vector.extract_strided_slice %roll3A_1185 {offsets = [0, 14], sizes = [64, 256], strides = [1, 1]} : vector<64x512xf32> to vector<64x256xf32>
    %swap3A_1306 = arith.constant 17 : index
    %swap3A_1307 = arith.constant 0 : index
    %swap3A_1308 = arith.constant 1280 : index
    %swap3A_1309 = vector.load %arg2[%swap3A_1306, %swap3A_1307, %swap3A_1308] : memref<32x64x2048xf32, #tpu.memory_space<vmem>>, vector<1x64x256xf32>
    %swap3A_1310 = vector.shape_cast %swap3A_1309 : vector<1x64x256xf32> to vector<64x256xf32>
    %swap3A_1311 = vector.shape_cast %slice3A_1305 : vector<64x256xf32> to vector<1x64x256xf32>
    tpu.vector_store %arg2[%swap3A_1306, %swap3A_1307, %swap3A_1308], %swap3A_1311 {strides = array<i32>} : memref<32x64x2048xf32, #tpu.memory_space<vmem>>, vector<1x64x256xf32>,
    %slice3A_1312 = vector.extract_strided_slice %roll3A_1185 {offsets = [0, 13], sizes = [64, 256], strides = [1, 1]} : vector<64x512xf32> to vector<64x256xf32>
    %swap3A_1313 = arith.constant 18 : index
    %swap3A_1314 = arith.constant 0 : index
    %swap3A_1315 = arith.constant 1280 : index
    %swap3A_1316 = vector.load %arg2[%swap3A_1313, %swap3A_1314, %swap3A_1315] : memref<32x64x2048xf32, #tpu.memory_space<vmem>>, vector<1x64x256xf32>
    %swap3A_1317 = vector.shape_cast %swap3A_1316 : vector<1x64x256xf32> to vector<64x256xf32>
    %swap3A_1318 = vector.shape_cast %slice3A_1312 : vector<64x256xf32> to vector<1x64x256xf32>
    tpu.vector_store %arg2[%swap3A_1313, %swap3A_1314, %swap3A_1315], %swap3A_1318 {strides = array<i32>} : memref<32x64x2048xf32, #tpu.memory_space<vmem>>, vector<1x64x256xf32>,
    %slice3A_1319 = vector.extract_strided_slice %roll3A_1185 {offsets = [0, 12], sizes = [64, 256], strides = [1, 1]} : vector<64x512xf32> to vector<64x256xf32>
    %swap3A_1320 = arith.constant 19 : index
    %swap3A_1321 = arith.constant 0 : index
    %swap3A_1322 = arith.constant 1280 : index
    %swap3A_1323 = vector.load %arg2[%swap3A_1320, %swap3A_1321, %swap3A_1322] : memref<32x64x2048xf32, #tpu.memory_space<vmem>>, vector<1x64x256xf32>
    %swap3A_1324 = vector.shape_cast %swap3A_1323 : vector<1x64x256xf32> to vector<64x256xf32>
    %swap3A_1325 = vector.shape_cast %slice3A_1319 : vector<64x256xf32> to vector<1x64x256xf32>
    tpu.vector_store %arg2[%swap3A_1320, %swap3A_1321, %swap3A_1322], %swap3A_1325 {strides = array<i32>} : memref<32x64x2048xf32, #tpu.memory_space<vmem>>, vector<1x64x256xf32>,
    %slice3A_1326 = vector.extract_strided_slice %roll3A_1185 {offsets = [0, 11], sizes = [64, 256], strides = [1, 1]} : vector<64x512xf32> to vector<64x256xf32>
    %swap3A_1327 = arith.constant 20 : index
    %swap3A_1328 = arith.constant 0 : index
    %swap3A_1329 = arith.constant 1280 : index
    %swap3A_1330 = vector.load %arg2[%swap3A_1327, %swap3A_1328, %swap3A_1329] : memref<32x64x2048xf32, #tpu.memory_space<vmem>>, vector<1x64x256xf32>
    %swap3A_1331 = vector.shape_cast %swap3A_1330 : vector<1x64x256xf32> to vector<64x256xf32>
    %swap3A_1332 = vector.shape_cast %slice3A_1326 : vector<64x256xf32> to vector<1x64x256xf32>
    tpu.vector_store %arg2[%swap3A_1327, %swap3A_1328, %swap3A_1329], %swap3A_1332 {strides = array<i32>} : memref<32x64x2048xf32, #tpu.memory_space<vmem>>, vector<1x64x256xf32>,
    %slice3A_1333 = vector.extract_strided_slice %roll3A_1185 {offsets = [0, 10], sizes = [64, 256], strides = [1, 1]} : vector<64x512xf32> to vector<64x256xf32>
    %swap3A_1334 = arith.constant 21 : index
    %swap3A_1335 = arith.constant 0 : index
    %swap3A_1336 = arith.constant 1280 : index
    %swap3A_1337 = vector.load %arg2[%swap3A_1334, %swap3A_1335, %swap3A_1336] : memref<32x64x2048xf32, #tpu.memory_space<vmem>>, vector<1x64x256xf32>
    %swap3A_1338 = vector.shape_cast %swap3A_1337 : vector<1x64x256xf32> to vector<64x256xf32>
    %swap3A_1339 = vector.shape_cast %slice3A_1333 : vector<64x256xf32> to vector<1x64x256xf32>
    tpu.vector_store %arg2[%swap3A_1334, %swap3A_1335, %swap3A_1336], %swap3A_1339 {strides = array<i32>} : memref<32x64x2048xf32, #tpu.memory_space<vmem>>, vector<1x64x256xf32>,
    %slice3A_1340 = vector.extract_strided_slice %roll3A_1185 {offsets = [0, 9], sizes = [64, 256], strides = [1, 1]} : vector<64x512xf32> to vector<64x256xf32>
    %swap3A_1341 = arith.constant 22 : index
    %swap3A_1342 = arith.constant 0 : index
    %swap3A_1343 = arith.constant 1280 : index
    %swap3A_1344 = vector.load %arg2[%swap3A_1341, %swap3A_1342, %swap3A_1343] : memref<32x64x2048xf32, #tpu.memory_space<vmem>>, vector<1x64x256xf32>
    %swap3A_1345 = vector.shape_cast %swap3A_1344 : vector<1x64x256xf32> to vector<64x256xf32>
    %swap3A_1346 = vector.shape_cast %slice3A_1340 : vector<64x256xf32> to vector<1x64x256xf32>
    tpu.vector_store %arg2[%swap3A_1341, %swap3A_1342, %swap3A_1343], %swap3A_1346 {strides = array<i32>} : memref<32x64x2048xf32, #tpu.memory_space<vmem>>, vector<1x64x256xf32>,
    %slice3A_1347 = vector.extract_strided_slice %roll3A_1185 {offsets = [0, 8], sizes = [64, 256], strides = [1, 1]} : vector<64x512xf32> to vector<64x256xf32>
    %swap3A_1348 = arith.constant 23 : index
    %swap3A_1349 = arith.constant 0 : index
    %swap3A_1350 = arith.constant 1280 : index
    %swap3A_1351 = vector.load %arg2[%swap3A_1348, %swap3A_1349, %swap3A_1350] : memref<32x64x2048xf32, #tpu.memory_space<vmem>>, vector<1x64x256xf32>
    %swap3A_1352 = vector.shape_cast %swap3A_1351 : vector<1x64x256xf32> to vector<64x256xf32>
    %swap3A_1353 = vector.shape_cast %slice3A_1347 : vector<64x256xf32> to vector<1x64x256xf32>
    tpu.vector_store %arg2[%swap3A_1348, %swap3A_1349, %swap3A_1350], %swap3A_1353 {strides = array<i32>} : memref<32x64x2048xf32, #tpu.memory_space<vmem>>, vector<1x64x256xf32>,
    %slice3A_1354 = vector.extract_strided_slice %roll3A_1185 {offsets = [0, 7], sizes = [64, 256], strides = [1, 1]} : vector<64x512xf32> to vector<64x256xf32>
    %swap3A_1355 = arith.constant 24 : index
    %swap3A_1356 = arith.constant 0 : index
    %swap3A_1357 = arith.constant 1280 : index
    %swap3A_1358 = vector.load %arg2[%swap3A_1355, %swap3A_1356, %swap3A_1357] : memref<32x64x2048xf32, #tpu.memory_space<vmem>>, vector<1x64x256xf32>
    %swap3A_1359 = vector.shape_cast %swap3A_1358 : vector<1x64x256xf32> to vector<64x256xf32>
    %swap3A_1360 = vector.shape_cast %slice3A_1354 : vector<64x256xf32> to vector<1x64x256xf32>
    tpu.vector_store %arg2[%swap3A_1355, %swap3A_1356, %swap3A_1357], %swap3A_1360 {strides = array<i32>} : memref<32x64x2048xf32, #tpu.memory_space<vmem>>, vector<1x64x256xf32>,
    %slice3A_1361 = vector.extract_strided_slice %roll3A_1185 {offsets = [0, 6], sizes = [64, 256], strides = [1, 1]} : vector<64x512xf32> to vector<64x256xf32>
    %swap3A_1362 = arith.constant 25 : index
    %swap3A_1363 = arith.constant 0 : index
    %swap3A_1364 = arith.constant 1280 : index
    %swap3A_1365 = vector.load %arg2[%swap3A_1362, %swap3A_1363, %swap3A_1364] : memref<32x64x2048xf32, #tpu.memory_space<vmem>>, vector<1x64x256xf32>
    %swap3A_1366 = vector.shape_cast %swap3A_1365 : vector<1x64x256xf32> to vector<64x256xf32>
    %swap3A_1367 = vector.shape_cast %slice3A_1361 : vector<64x256xf32> to vector<1x64x256xf32>
    tpu.vector_store %arg2[%swap3A_1362, %swap3A_1363, %swap3A_1364], %swap3A_1367 {strides = array<i32>} : memref<32x64x2048xf32, #tpu.memory_space<vmem>>, vector<1x64x256xf32>,
    %slice3A_1368 = vector.extract_strided_slice %roll3A_1185 {offsets = [0, 5], sizes = [64, 256], strides = [1, 1]} : vector<64x512xf32> to vector<64x256xf32>
    %swap3A_1369 = arith.constant 26 : index
    %swap3A_1370 = arith.constant 0 : index
    %swap3A_1371 = arith.constant 1280 : index
    %swap3A_1372 = vector.load %arg2[%swap3A_1369, %swap3A_1370, %swap3A_1371] : memref<32x64x2048xf32, #tpu.memory_space<vmem>>, vector<1x64x256xf32>
    %swap3A_1373 = vector.shape_cast %swap3A_1372 : vector<1x64x256xf32> to vector<64x256xf32>
    %swap3A_1374 = vector.shape_cast %slice3A_1368 : vector<64x256xf32> to vector<1x64x256xf32>
    tpu.vector_store %arg2[%swap3A_1369, %swap3A_1370, %swap3A_1371], %swap3A_1374 {strides = array<i32>} : memref<32x64x2048xf32, #tpu.memory_space<vmem>>, vector<1x64x256xf32>,
    %slice3A_1375 = vector.extract_strided_slice %roll3A_1185 {offsets = [0, 4], sizes = [64, 256], strides = [1, 1]} : vector<64x512xf32> to vector<64x256xf32>
    %swap3A_1376 = arith.constant 27 : index
    %swap3A_1377 = arith.constant 0 : index
    %swap3A_1378 = arith.constant 1280 : index
    %swap3A_1379 = vector.load %arg2[%swap3A_1376, %swap3A_1377, %swap3A_1378] : memref<32x64x2048xf32, #tpu.memory_space<vmem>>, vector<1x64x256xf32>
    %swap3A_1380 = vector.shape_cast %swap3A_1379 : vector<1x64x256xf32> to vector<64x256xf32>
    %swap3A_1381 = vector.shape_cast %slice3A_1375 : vector<64x256xf32> to vector<1x64x256xf32>
    tpu.vector_store %arg2[%swap3A_1376, %swap3A_1377, %swap3A_1378], %swap3A_1381 {strides = array<i32>} : memref<32x64x2048xf32, #tpu.memory_space<vmem>>, vector<1x64x256xf32>,
    %slice3A_1382 = vector.extract_strided_slice %roll3A_1185 {offsets = [0, 3], sizes = [64, 256], strides = [1, 1]} : vector<64x512xf32> to vector<64x256xf32>
    %swap3A_1383 = arith.constant 28 : index
    %swap3A_1384 = arith.constant 0 : index
    %swap3A_1385 = arith.constant 1280 : index
    %swap3A_1386 = vector.load %arg2[%swap3A_1383, %swap3A_1384, %swap3A_1385] : memref<32x64x2048xf32, #tpu.memory_space<vmem>>, vector<1x64x256xf32>
    %swap3A_1387 = vector.shape_cast %swap3A_1386 : vector<1x64x256xf32> to vector<64x256xf32>
    %swap3A_1388 = vector.shape_cast %slice3A_1382 : vector<64x256xf32> to vector<1x64x256xf32>
    tpu.vector_store %arg2[%swap3A_1383, %swap3A_1384, %swap3A_1385], %swap3A_1388 {strides = array<i32>} : memref<32x64x2048xf32, #tpu.memory_space<vmem>>, vector<1x64x256xf32>,
    %slice3A_1389 = vector.extract_strided_slice %roll3A_1185 {offsets = [0, 2], sizes = [64, 256], strides = [1, 1]} : vector<64x512xf32> to vector<64x256xf32>
    %swap3A_1390 = arith.constant 29 : index
    %swap3A_1391 = arith.constant 0 : index
    %swap3A_1392 = arith.constant 1280 : index
    %swap3A_1393 = vector.load %arg2[%swap3A_1390, %swap3A_1391, %swap3A_1392] : memref<32x64x2048xf32, #tpu.memory_space<vmem>>, vector<1x64x256xf32>
    %swap3A_1394 = vector.shape_cast %swap3A_1393 : vector<1x64x256xf32> to vector<64x256xf32>
    %swap3A_1395 = vector.shape_cast %slice3A_1389 : vector<64x256xf32> to vector<1x64x256xf32>
    tpu.vector_store %arg2[%swap3A_1390, %swap3A_1391, %swap3A_1392], %swap3A_1395 {strides = array<i32>} : memref<32x64x2048xf32, #tpu.memory_space<vmem>>, vector<1x64x256xf32>,
    %slice3A_1396 = vector.extract_strided_slice %roll3A_1185 {offsets = [0, 1], sizes = [64, 256], strides = [1, 1]} : vector<64x512xf32> to vector<64x256xf32>
    %swap3A_1397 = arith.constant 30 : index
    %swap3A_1398 = arith.constant 0 : index
    %swap3A_1399 = arith.constant 1280 : index
    %swap3A_1400 = vector.load %arg2[%swap3A_1397, %swap3A_1398, %swap3A_1399] : memref<32x64x2048xf32, #tpu.memory_space<vmem>>, vector<1x64x256xf32>
    %swap3A_1401 = vector.shape_cast %swap3A_1400 : vector<1x64x256xf32> to vector<64x256xf32>
    %swap3A_1402 = vector.shape_cast %slice3A_1396 : vector<64x256xf32> to vector<1x64x256xf32>
    tpu.vector_store %arg2[%swap3A_1397, %swap3A_1398, %swap3A_1399], %swap3A_1402 {strides = array<i32>} : memref<32x64x2048xf32, #tpu.memory_space<vmem>>, vector<1x64x256xf32>,
    %slice3A_1403 = vector.extract_strided_slice %roll3A_1185 {offsets = [0, 0], sizes = [64, 256], strides = [1, 1]} : vector<64x512xf32> to vector<64x256xf32>
    %swap3A_1404 = arith.constant 31 : index
    %swap3A_1405 = arith.constant 0 : index
    %swap3A_1406 = arith.constant 1280 : index
    %swap3A_1407 = vector.load %arg2[%swap3A_1404, %swap3A_1405, %swap3A_1406] : memref<32x64x2048xf32, #tpu.memory_space<vmem>>, vector<1x64x256xf32>
    %swap3A_1408 = vector.shape_cast %swap3A_1407 : vector<1x64x256xf32> to vector<64x256xf32>
    %swap3A_1409 = vector.shape_cast %slice3A_1403 : vector<64x256xf32> to vector<1x64x256xf32>
    tpu.vector_store %arg2[%swap3A_1404, %swap3A_1405, %swap3A_1406], %swap3A_1409 {strides = array<i32>} : memref<32x64x2048xf32, #tpu.memory_space<vmem>>, vector<1x64x256xf32>,
    %add3A_1410 = arith.constant 1536 : i32
    %add3A_1411 = arith.addi %multiple_of3A, %add3A_1410 : i32
    %get3A_1412 = arith.constant 0 : index
    %get3A_1413 = arith.index_cast %add3A_1411 : i32 to index
    %get3A_1414 = vector.load %arg1[%get3A_1412, %get3A_1413] : memref<64x4352xf32, #tpu.memory_space<vmem>>, vector<64x512xf32>
    %neg3A_1415 = arith.constant 0 : i32
    %neg3A_1416 = arith.subi %neg3A_1415, %sub3A_22 : i32
    %roll3A_1417 = tpu.dynamic_rotate %get3A_1414 by %neg3A_1416 dim 1 : vector<64x512xf32>, i32 -> vector<64x512xf32>
    %slice3A_1418 = vector.extract_strided_slice %roll3A_1417 {offsets = [0, 31], sizes = [64, 256], strides = [1, 1]} : vector<64x512xf32> to vector<64x256xf32>
    %swap3A_1419 = arith.constant 0 : index
    %swap3A_1420 = arith.constant 0 : index
    %swap3A_1421 = arith.constant 1536 : index
    %swap3A_1422 = vector.load %arg2[%swap3A_1419, %swap3A_1420, %swap3A_1421] : memref<32x64x2048xf32, #tpu.memory_space<vmem>>, vector<1x64x256xf32>
    %swap3A_1423 = vector.shape_cast %swap3A_1422 : vector<1x64x256xf32> to vector<64x256xf32>
    %swap3A_1424 = vector.shape_cast %slice3A_1418 : vector<64x256xf32> to vector<1x64x256xf32>
    tpu.vector_store %arg2[%swap3A_1419, %swap3A_1420, %swap3A_1421], %swap3A_1424 {strides = array<i32>} : memref<32x64x2048xf32, #tpu.memory_space<vmem>>, vector<1x64x256xf32>,
    %slice3A_1425 = vector.extract_strided_slice %roll3A_1417 {offsets = [0, 30], sizes = [64, 256], strides = [1, 1]} : vector<64x512xf32> to vector<64x256xf32>
    %swap3A_1426 = arith.constant 1 : index
    %swap3A_1427 = arith.constant 0 : index
    %swap3A_1428 = arith.constant 1536 : index
    %swap3A_1429 = vector.load %arg2[%swap3A_1426, %swap3A_1427, %swap3A_1428] : memref<32x64x2048xf32, #tpu.memory_space<vmem>>, vector<1x64x256xf32>
    %swap3A_1430 = vector.shape_cast %swap3A_1429 : vector<1x64x256xf32> to vector<64x256xf32>
    %swap3A_1431 = vector.shape_cast %slice3A_1425 : vector<64x256xf32> to vector<1x64x256xf32>
    tpu.vector_store %arg2[%swap3A_1426, %swap3A_1427, %swap3A_1428], %swap3A_1431 {strides = array<i32>} : memref<32x64x2048xf32, #tpu.memory_space<vmem>>, vector<1x64x256xf32>,
    %slice3A_1432 = vector.extract_strided_slice %roll3A_1417 {offsets = [0, 29], sizes = [64, 256], strides = [1, 1]} : vector<64x512xf32> to vector<64x256xf32>
    %swap3A_1433 = arith.constant 2 : index
    %swap3A_1434 = arith.constant 0 : index
    %swap3A_1435 = arith.constant 1536 : index
    %swap3A_1436 = vector.load %arg2[%swap3A_1433, %swap3A_1434, %swap3A_1435] : memref<32x64x2048xf32, #tpu.memory_space<vmem>>, vector<1x64x256xf32>
    %swap3A_1437 = vector.shape_cast %swap3A_1436 : vector<1x64x256xf32> to vector<64x256xf32>
    %swap3A_1438 = vector.shape_cast %slice3A_1432 : vector<64x256xf32> to vector<1x64x256xf32>
    tpu.vector_store %arg2[%swap3A_1433, %swap3A_1434, %swap3A_1435], %swap3A_1438 {strides = array<i32>} : memref<32x64x2048xf32, #tpu.memory_space<vmem>>, vector<1x64x256xf32>,
    %slice3A_1439 = vector.extract_strided_slice %roll3A_1417 {offsets = [0, 28], sizes = [64, 256], strides = [1, 1]} : vector<64x512xf32> to vector<64x256xf32>
    %swap3A_1440 = arith.constant 3 : index
    %swap3A_1441 = arith.constant 0 : index
    %swap3A_1442 = arith.constant 1536 : index
    %swap3A_1443 = vector.load %arg2[%swap3A_1440, %swap3A_1441, %swap3A_1442] : memref<32x64x2048xf32, #tpu.memory_space<vmem>>, vector<1x64x256xf32>
    %swap3A_1444 = vector.shape_cast %swap3A_1443 : vector<1x64x256xf32> to vector<64x256xf32>
    %swap3A_1445 = vector.shape_cast %slice3A_1439 : vector<64x256xf32> to vector<1x64x256xf32>
    tpu.vector_store %arg2[%swap3A_1440, %swap3A_1441, %swap3A_1442], %swap3A_1445 {strides = array<i32>} : memref<32x64x2048xf32, #tpu.memory_space<vmem>>, vector<1x64x256xf32>,
    %slice3A_1446 = vector.extract_strided_slice %roll3A_1417 {offsets = [0, 27], sizes = [64, 256], strides = [1, 1]} : vector<64x512xf32> to vector<64x256xf32>
    %swap3A_1447 = arith.constant 4 : index
    %swap3A_1448 = arith.constant 0 : index
    %swap3A_1449 = arith.constant 1536 : index
    %swap3A_1450 = vector.load %arg2[%swap3A_1447, %swap3A_1448, %swap3A_1449] : memref<32x64x2048xf32, #tpu.memory_space<vmem>>, vector<1x64x256xf32>
    %swap3A_1451 = vector.shape_cast %swap3A_1450 : vector<1x64x256xf32> to vector<64x256xf32>
    %swap3A_1452 = vector.shape_cast %slice3A_1446 : vector<64x256xf32> to vector<1x64x256xf32>
    tpu.vector_store %arg2[%swap3A_1447, %swap3A_1448, %swap3A_1449], %swap3A_1452 {strides = array<i32>} : memref<32x64x2048xf32, #tpu.memory_space<vmem>>, vector<1x64x256xf32>,
    %slice3A_1453 = vector.extract_strided_slice %roll3A_1417 {offsets = [0, 26], sizes = [64, 256], strides = [1, 1]} : vector<64x512xf32> to vector<64x256xf32>
    %swap3A_1454 = arith.constant 5 : index
    %swap3A_1455 = arith.constant 0 : index
    %swap3A_1456 = arith.constant 1536 : index
    %swap3A_1457 = vector.load %arg2[%swap3A_1454, %swap3A_1455, %swap3A_1456] : memref<32x64x2048xf32, #tpu.memory_space<vmem>>, vector<1x64x256xf32>
    %swap3A_1458 = vector.shape_cast %swap3A_1457 : vector<1x64x256xf32> to vector<64x256xf32>
    %swap3A_1459 = vector.shape_cast %slice3A_1453 : vector<64x256xf32> to vector<1x64x256xf32>
    tpu.vector_store %arg2[%swap3A_1454, %swap3A_1455, %swap3A_1456], %swap3A_1459 {strides = array<i32>} : memref<32x64x2048xf32, #tpu.memory_space<vmem>>, vector<1x64x256xf32>,
    %slice3A_1460 = vector.extract_strided_slice %roll3A_1417 {offsets = [0, 25], sizes = [64, 256], strides = [1, 1]} : vector<64x512xf32> to vector<64x256xf32>
    %swap3A_1461 = arith.constant 6 : index
    %swap3A_1462 = arith.constant 0 : index
    %swap3A_1463 = arith.constant 1536 : index
    %swap3A_1464 = vector.load %arg2[%swap3A_1461, %swap3A_1462, %swap3A_1463] : memref<32x64x2048xf32, #tpu.memory_space<vmem>>, vector<1x64x256xf32>
    %swap3A_1465 = vector.shape_cast %swap3A_1464 : vector<1x64x256xf32> to vector<64x256xf32>
    %swap3A_1466 = vector.shape_cast %slice3A_1460 : vector<64x256xf32> to vector<1x64x256xf32>
    tpu.vector_store %arg2[%swap3A_1461, %swap3A_1462, %swap3A_1463], %swap3A_1466 {strides = array<i32>} : memref<32x64x2048xf32, #tpu.memory_space<vmem>>, vector<1x64x256xf32>,
    %slice3A_1467 = vector.extract_strided_slice %roll3A_1417 {offsets = [0, 24], sizes = [64, 256], strides = [1, 1]} : vector<64x512xf32> to vector<64x256xf32>
    %swap3A_1468 = arith.constant 7 : index
    %swap3A_1469 = arith.constant 0 : index
    %swap3A_1470 = arith.constant 1536 : index
    %swap3A_1471 = vector.load %arg2[%swap3A_1468, %swap3A_1469, %swap3A_1470] : memref<32x64x2048xf32, #tpu.memory_space<vmem>>, vector<1x64x256xf32>
    %swap3A_1472 = vector.shape_cast %swap3A_1471 : vector<1x64x256xf32> to vector<64x256xf32>
    %swap3A_1473 = vector.shape_cast %slice3A_1467 : vector<64x256xf32> to vector<1x64x256xf32>
    tpu.vector_store %arg2[%swap3A_1468, %swap3A_1469, %swap3A_1470], %swap3A_1473 {strides = array<i32>} : memref<32x64x2048xf32, #tpu.memory_space<vmem>>, vector<1x64x256xf32>,
    %slice3A_1474 = vector.extract_strided_slice %roll3A_1417 {offsets = [0, 23], sizes = [64, 256], strides = [1, 1]} : vector<64x512xf32> to vector<64x256xf32>
    %swap3A_1475 = arith.constant 8 : index
    %swap3A_1476 = arith.constant 0 : index
    %swap3A_1477 = arith.constant 1536 : index
    %swap3A_1478 = vector.load %arg2[%swap3A_1475, %swap3A_1476, %swap3A_1477] : memref<32x64x2048xf32, #tpu.memory_space<vmem>>, vector<1x64x256xf32>
    %swap3A_1479 = vector.shape_cast %swap3A_1478 : vector<1x64x256xf32> to vector<64x256xf32>
    %swap3A_1480 = vector.shape_cast %slice3A_1474 : vector<64x256xf32> to vector<1x64x256xf32>
    tpu.vector_store %arg2[%swap3A_1475, %swap3A_1476, %swap3A_1477], %swap3A_1480 {strides = array<i32>} : memref<32x64x2048xf32, #tpu.memory_space<vmem>>, vector<1x64x256xf32>,
    %slice3A_1481 = vector.extract_strided_slice %roll3A_1417 {offsets = [0, 22], sizes = [64, 256], strides = [1, 1]} : vector<64x512xf32> to vector<64x256xf32>
    %swap3A_1482 = arith.constant 9 : index
    %swap3A_1483 = arith.constant 0 : index
    %swap3A_1484 = arith.constant 1536 : index
    %swap3A_1485 = vector.load %arg2[%swap3A_1482, %swap3A_1483, %swap3A_1484] : memref<32x64x2048xf32, #tpu.memory_space<vmem>>, vector<1x64x256xf32>
    %swap3A_1486 = vector.shape_cast %swap3A_1485 : vector<1x64x256xf32> to vector<64x256xf32>
    %swap3A_1487 = vector.shape_cast %slice3A_1481 : vector<64x256xf32> to vector<1x64x256xf32>
    tpu.vector_store %arg2[%swap3A_1482, %swap3A_1483, %swap3A_1484], %swap3A_1487 {strides = array<i32>} : memref<32x64x2048xf32, #tpu.memory_space<vmem>>, vector<1x64x256xf32>,
    %slice3A_1488 = vector.extract_strided_slice %roll3A_1417 {offsets = [0, 21], sizes = [64, 256], strides = [1, 1]} : vector<64x512xf32> to vector<64x256xf32>
    %swap3A_1489 = arith.constant 10 : index
    %swap3A_1490 = arith.constant 0 : index
    %swap3A_1491 = arith.constant 1536 : index
    %swap3A_1492 = vector.load %arg2[%swap3A_1489, %swap3A_1490, %swap3A_1491] : memref<32x64x2048xf32, #tpu.memory_space<vmem>>, vector<1x64x256xf32>
    %swap3A_1493 = vector.shape_cast %swap3A_1492 : vector<1x64x256xf32> to vector<64x256xf32>
    %swap3A_1494 = vector.shape_cast %slice3A_1488 : vector<64x256xf32> to vector<1x64x256xf32>
    tpu.vector_store %arg2[%swap3A_1489, %swap3A_1490, %swap3A_1491], %swap3A_1494 {strides = array<i32>} : memref<32x64x2048xf32, #tpu.memory_space<vmem>>, vector<1x64x256xf32>,
    %slice3A_1495 = vector.extract_strided_slice %roll3A_1417 {offsets = [0, 20], sizes = [64, 256], strides = [1, 1]} : vector<64x512xf32> to vector<64x256xf32>
    %swap3A_1496 = arith.constant 11 : index
    %swap3A_1497 = arith.constant 0 : index
    %swap3A_1498 = arith.constant 1536 : index
    %swap3A_1499 = vector.load %arg2[%swap3A_1496, %swap3A_1497, %swap3A_1498] : memref<32x64x2048xf32, #tpu.memory_space<vmem>>, vector<1x64x256xf32>
    %swap3A_1500 = vector.shape_cast %swap3A_1499 : vector<1x64x256xf32> to vector<64x256xf32>
    %swap3A_1501 = vector.shape_cast %slice3A_1495 : vector<64x256xf32> to vector<1x64x256xf32>
    tpu.vector_store %arg2[%swap3A_1496, %swap3A_1497, %swap3A_1498], %swap3A_1501 {strides = array<i32>} : memref<32x64x2048xf32, #tpu.memory_space<vmem>>, vector<1x64x256xf32>,
    %slice3A_1502 = vector.extract_strided_slice %roll3A_1417 {offsets = [0, 19], sizes = [64, 256], strides = [1, 1]} : vector<64x512xf32> to vector<64x256xf32>
    %swap3A_1503 = arith.constant 12 : index
    %swap3A_1504 = arith.constant 0 : index
    %swap3A_1505 = arith.constant 1536 : index
    %swap3A_1506 = vector.load %arg2[%swap3A_1503, %swap3A_1504, %swap3A_1505] : memref<32x64x2048xf32, #tpu.memory_space<vmem>>, vector<1x64x256xf32>
    %swap3A_1507 = vector.shape_cast %swap3A_1506 : vector<1x64x256xf32> to vector<64x256xf32>
    %swap3A_1508 = vector.shape_cast %slice3A_1502 : vector<64x256xf32> to vector<1x64x256xf32>
    tpu.vector_store %arg2[%swap3A_1503, %swap3A_1504, %swap3A_1505], %swap3A_1508 {strides = array<i32>} : memref<32x64x2048xf32, #tpu.memory_space<vmem>>, vector<1x64x256xf32>,
    %slice3A_1509 = vector.extract_strided_slice %roll3A_1417 {offsets = [0, 18], sizes = [64, 256], strides = [1, 1]} : vector<64x512xf32> to vector<64x256xf32>
    %swap3A_1510 = arith.constant 13 : index
    %swap3A_1511 = arith.constant 0 : index
    %swap3A_1512 = arith.constant 1536 : index
    %swap3A_1513 = vector.load %arg2[%swap3A_1510, %swap3A_1511, %swap3A_1512] : memref<32x64x2048xf32, #tpu.memory_space<vmem>>, vector<1x64x256xf32>
    %swap3A_1514 = vector.shape_cast %swap3A_1513 : vector<1x64x256xf32> to vector<64x256xf32>
    %swap3A_1515 = vector.shape_cast %slice3A_1509 : vector<64x256xf32> to vector<1x64x256xf32>
    tpu.vector_store %arg2[%swap3A_1510, %swap3A_1511, %swap3A_1512], %swap3A_1515 {strides = array<i32>} : memref<32x64x2048xf32, #tpu.memory_space<vmem>>, vector<1x64x256xf32>,
    %slice3A_1516 = vector.extract_strided_slice %roll3A_1417 {offsets = [0, 17], sizes = [64, 256], strides = [1, 1]} : vector<64x512xf32> to vector<64x256xf32>
    %swap3A_1517 = arith.constant 14 : index
    %swap3A_1518 = arith.constant 0 : index
    %swap3A_1519 = arith.constant 1536 : index
    %swap3A_1520 = vector.load %arg2[%swap3A_1517, %swap3A_1518, %swap3A_1519] : memref<32x64x2048xf32, #tpu.memory_space<vmem>>, vector<1x64x256xf32>
    %swap3A_1521 = vector.shape_cast %swap3A_1520 : vector<1x64x256xf32> to vector<64x256xf32>
    %swap3A_1522 = vector.shape_cast %slice3A_1516 : vector<64x256xf32> to vector<1x64x256xf32>
    tpu.vector_store %arg2[%swap3A_1517, %swap3A_1518, %swap3A_1519], %swap3A_1522 {strides = array<i32>} : memref<32x64x2048xf32, #tpu.memory_space<vmem>>, vector<1x64x256xf32>,
    %slice3A_1523 = vector.extract_strided_slice %roll3A_1417 {offsets = [0, 16], sizes = [64, 256], strides = [1, 1]} : vector<64x512xf32> to vector<64x256xf32>
    %swap3A_1524 = arith.constant 15 : index
    %swap3A_1525 = arith.constant 0 : index
    %swap3A_1526 = arith.constant 1536 : index
    %swap3A_1527 = vector.load %arg2[%swap3A_1524, %swap3A_1525, %swap3A_1526] : memref<32x64x2048xf32, #tpu.memory_space<vmem>>, vector<1x64x256xf32>
    %swap3A_1528 = vector.shape_cast %swap3A_1527 : vector<1x64x256xf32> to vector<64x256xf32>
    %swap3A_1529 = vector.shape_cast %slice3A_1523 : vector<64x256xf32> to vector<1x64x256xf32>
    tpu.vector_store %arg2[%swap3A_1524, %swap3A_1525, %swap3A_1526], %swap3A_1529 {strides = array<i32>} : memref<32x64x2048xf32, #tpu.memory_space<vmem>>, vector<1x64x256xf32>,
    %slice3A_1530 = vector.extract_strided_slice %roll3A_1417 {offsets = [0, 15], sizes = [64, 256], strides = [1, 1]} : vector<64x512xf32> to vector<64x256xf32>
    %swap3A_1531 = arith.constant 16 : index
    %swap3A_1532 = arith.constant 0 : index
    %swap3A_1533 = arith.constant 1536 : index
    %swap3A_1534 = vector.load %arg2[%swap3A_1531, %swap3A_1532, %swap3A_1533] : memref<32x64x2048xf32, #tpu.memory_space<vmem>>, vector<1x64x256xf32>
    %swap3A_1535 = vector.shape_cast %swap3A_1534 : vector<1x64x256xf32> to vector<64x256xf32>
    %swap3A_1536 = vector.shape_cast %slice3A_1530 : vector<64x256xf32> to vector<1x64x256xf32>
    tpu.vector_store %arg2[%swap3A_1531, %swap3A_1532, %swap3A_1533], %swap3A_1536 {strides = array<i32>} : memref<32x64x2048xf32, #tpu.memory_space<vmem>>, vector<1x64x256xf32>,
    %slice3A_1537 = vector.extract_strided_slice %roll3A_1417 {offsets = [0, 14], sizes = [64, 256], strides = [1, 1]} : vector<64x512xf32> to vector<64x256xf32>
    %swap3A_1538 = arith.constant 17 : index
    %swap3A_1539 = arith.constant 0 : index
    %swap3A_1540 = arith.constant 1536 : index
    %swap3A_1541 = vector.load %arg2[%swap3A_1538, %swap3A_1539, %swap3A_1540] : memref<32x64x2048xf32, #tpu.memory_space<vmem>>, vector<1x64x256xf32>
    %swap3A_1542 = vector.shape_cast %swap3A_1541 : vector<1x64x256xf32> to vector<64x256xf32>
    %swap3A_1543 = vector.shape_cast %slice3A_1537 : vector<64x256xf32> to vector<1x64x256xf32>
    tpu.vector_store %arg2[%swap3A_1538, %swap3A_1539, %swap3A_1540], %swap3A_1543 {strides = array<i32>} : memref<32x64x2048xf32, #tpu.memory_space<vmem>>, vector<1x64x256xf32>,
    %slice3A_1544 = vector.extract_strided_slice %roll3A_1417 {offsets = [0, 13], sizes = [64, 256], strides = [1, 1]} : vector<64x512xf32> to vector<64x256xf32>
    %swap3A_1545 = arith.constant 18 : index
    %swap3A_1546 = arith.constant 0 : index
    %swap3A_1547 = arith.constant 1536 : index
    %swap3A_1548 = vector.load %arg2[%swap3A_1545, %swap3A_1546, %swap3A_1547] : memref<32x64x2048xf32, #tpu.memory_space<vmem>>, vector<1x64x256xf32>
    %swap3A_1549 = vector.shape_cast %swap3A_1548 : vector<1x64x256xf32> to vector<64x256xf32>
    %swap3A_1550 = vector.shape_cast %slice3A_1544 : vector<64x256xf32> to vector<1x64x256xf32>
    tpu.vector_store %arg2[%swap3A_1545, %swap3A_1546, %swap3A_1547], %swap3A_1550 {strides = array<i32>} : memref<32x64x2048xf32, #tpu.memory_space<vmem>>, vector<1x64x256xf32>,
    %slice3A_1551 = vector.extract_strided_slice %roll3A_1417 {offsets = [0, 12], sizes = [64, 256], strides = [1, 1]} : vector<64x512xf32> to vector<64x256xf32>
    %swap3A_1552 = arith.constant 19 : index
    %swap3A_1553 = arith.constant 0 : index
    %swap3A_1554 = arith.constant 1536 : index
    %swap3A_1555 = vector.load %arg2[%swap3A_1552, %swap3A_1553, %swap3A_1554] : memref<32x64x2048xf32, #tpu.memory_space<vmem>>, vector<1x64x256xf32>
    %swap3A_1556 = vector.shape_cast %swap3A_1555 : vector<1x64x256xf32> to vector<64x256xf32>
    %swap3A_1557 = vector.shape_cast %slice3A_1551 : vector<64x256xf32> to vector<1x64x256xf32>
    tpu.vector_store %arg2[%swap3A_1552, %swap3A_1553, %swap3A_1554], %swap3A_1557 {strides = array<i32>} : memref<32x64x2048xf32, #tpu.memory_space<vmem>>, vector<1x64x256xf32>,
    %slice3A_1558 = vector.extract_strided_slice %roll3A_1417 {offsets = [0, 11], sizes = [64, 256], strides = [1, 1]} : vector<64x512xf32> to vector<64x256xf32>
    %swap3A_1559 = arith.constant 20 : index
    %swap3A_1560 = arith.constant 0 : index
    %swap3A_1561 = arith.constant 1536 : index
    %swap3A_1562 = vector.load %arg2[%swap3A_1559, %swap3A_1560, %swap3A_1561] : memref<32x64x2048xf32, #tpu.memory_space<vmem>>, vector<1x64x256xf32>
    %swap3A_1563 = vector.shape_cast %swap3A_1562 : vector<1x64x256xf32> to vector<64x256xf32>
    %swap3A_1564 = vector.shape_cast %slice3A_1558 : vector<64x256xf32> to vector<1x64x256xf32>
    tpu.vector_store %arg2[%swap3A_1559, %swap3A_1560, %swap3A_1561], %swap3A_1564 {strides = array<i32>} : memref<32x64x2048xf32, #tpu.memory_space<vmem>>, vector<1x64x256xf32>,
    %slice3A_1565 = vector.extract_strided_slice %roll3A_1417 {offsets = [0, 10], sizes = [64, 256], strides = [1, 1]} : vector<64x512xf32> to vector<64x256xf32>
    %swap3A_1566 = arith.constant 21 : index
    %swap3A_1567 = arith.constant 0 : index
    %swap3A_1568 = arith.constant 1536 : index
    %swap3A_1569 = vector.load %arg2[%swap3A_1566, %swap3A_1567, %swap3A_1568] : memref<32x64x2048xf32, #tpu.memory_space<vmem>>, vector<1x64x256xf32>
    %swap3A_1570 = vector.shape_cast %swap3A_1569 : vector<1x64x256xf32> to vector<64x256xf32>
    %swap3A_1571 = vector.shape_cast %slice3A_1565 : vector<64x256xf32> to vector<1x64x256xf32>
    tpu.vector_store %arg2[%swap3A_1566, %swap3A_1567, %swap3A_1568], %swap3A_1571 {strides = array<i32>} : memref<32x64x2048xf32, #tpu.memory_space<vmem>>, vector<1x64x256xf32>,
    %slice3A_1572 = vector.extract_strided_slice %roll3A_1417 {offsets = [0, 9], sizes = [64, 256], strides = [1, 1]} : vector<64x512xf32> to vector<64x256xf32>
    %swap3A_1573 = arith.constant 22 : index
    %swap3A_1574 = arith.constant 0 : index
    %swap3A_1575 = arith.constant 1536 : index
    %swap3A_1576 = vector.load %arg2[%swap3A_1573, %swap3A_1574, %swap3A_1575] : memref<32x64x2048xf32, #tpu.memory_space<vmem>>, vector<1x64x256xf32>
    %swap3A_1577 = vector.shape_cast %swap3A_1576 : vector<1x64x256xf32> to vector<64x256xf32>
    %swap3A_1578 = vector.shape_cast %slice3A_1572 : vector<64x256xf32> to vector<1x64x256xf32>
    tpu.vector_store %arg2[%swap3A_1573, %swap3A_1574, %swap3A_1575], %swap3A_1578 {strides = array<i32>} : memref<32x64x2048xf32, #tpu.memory_space<vmem>>, vector<1x64x256xf32>,
    %slice3A_1579 = vector.extract_strided_slice %roll3A_1417 {offsets = [0, 8], sizes = [64, 256], strides = [1, 1]} : vector<64x512xf32> to vector<64x256xf32>
    %swap3A_1580 = arith.constant 23 : index
    %swap3A_1581 = arith.constant 0 : index
    %swap3A_1582 = arith.constant 1536 : index
    %swap3A_1583 = vector.load %arg2[%swap3A_1580, %swap3A_1581, %swap3A_1582] : memref<32x64x2048xf32, #tpu.memory_space<vmem>>, vector<1x64x256xf32>
    %swap3A_1584 = vector.shape_cast %swap3A_1583 : vector<1x64x256xf32> to vector<64x256xf32>
    %swap3A_1585 = vector.shape_cast %slice3A_1579 : vector<64x256xf32> to vector<1x64x256xf32>
    tpu.vector_store %arg2[%swap3A_1580, %swap3A_1581, %swap3A_1582], %swap3A_1585 {strides = array<i32>} : memref<32x64x2048xf32, #tpu.memory_space<vmem>>, vector<1x64x256xf32>,
    %slice3A_1586 = vector.extract_strided_slice %roll3A_1417 {offsets = [0, 7], sizes = [64, 256], strides = [1, 1]} : vector<64x512xf32> to vector<64x256xf32>
    %swap3A_1587 = arith.constant 24 : index
    %swap3A_1588 = arith.constant 0 : index
    %swap3A_1589 = arith.constant 1536 : index
    %swap3A_1590 = vector.load %arg2[%swap3A_1587, %swap3A_1588, %swap3A_1589] : memref<32x64x2048xf32, #tpu.memory_space<vmem>>, vector<1x64x256xf32>
    %swap3A_1591 = vector.shape_cast %swap3A_1590 : vector<1x64x256xf32> to vector<64x256xf32>
    %swap3A_1592 = vector.shape_cast %slice3A_1586 : vector<64x256xf32> to vector<1x64x256xf32>
    tpu.vector_store %arg2[%swap3A_1587, %swap3A_1588, %swap3A_1589], %swap3A_1592 {strides = array<i32>} : memref<32x64x2048xf32, #tpu.memory_space<vmem>>, vector<1x64x256xf32>,
    %slice3A_1593 = vector.extract_strided_slice %roll3A_1417 {offsets = [0, 6], sizes = [64, 256], strides = [1, 1]} : vector<64x512xf32> to vector<64x256xf32>
    %swap3A_1594 = arith.constant 25 : index
    %swap3A_1595 = arith.constant 0 : index
    %swap3A_1596 = arith.constant 1536 : index
    %swap3A_1597 = vector.load %arg2[%swap3A_1594, %swap3A_1595, %swap3A_1596] : memref<32x64x2048xf32, #tpu.memory_space<vmem>>, vector<1x64x256xf32>
    %swap3A_1598 = vector.shape_cast %swap3A_1597 : vector<1x64x256xf32> to vector<64x256xf32>
    %swap3A_1599 = vector.shape_cast %slice3A_1593 : vector<64x256xf32> to vector<1x64x256xf32>
    tpu.vector_store %arg2[%swap3A_1594, %swap3A_1595, %swap3A_1596], %swap3A_1599 {strides = array<i32>} : memref<32x64x2048xf32, #tpu.memory_space<vmem>>, vector<1x64x256xf32>,
    %slice3A_1600 = vector.extract_strided_slice %roll3A_1417 {offsets = [0, 5], sizes = [64, 256], strides = [1, 1]} : vector<64x512xf32> to vector<64x256xf32>
    %swap3A_1601 = arith.constant 26 : index
    %swap3A_1602 = arith.constant 0 : index
    %swap3A_1603 = arith.constant 1536 : index
    %swap3A_1604 = vector.load %arg2[%swap3A_1601, %swap3A_1602, %swap3A_1603] : memref<32x64x2048xf32, #tpu.memory_space<vmem>>, vector<1x64x256xf32>
    %swap3A_1605 = vector.shape_cast %swap3A_1604 : vector<1x64x256xf32> to vector<64x256xf32>
    %swap3A_1606 = vector.shape_cast %slice3A_1600 : vector<64x256xf32> to vector<1x64x256xf32>
    tpu.vector_store %arg2[%swap3A_1601, %swap3A_1602, %swap3A_1603], %swap3A_1606 {strides = array<i32>} : memref<32x64x2048xf32, #tpu.memory_space<vmem>>, vector<1x64x256xf32>,
    %slice3A_1607 = vector.extract_strided_slice %roll3A_1417 {offsets = [0, 4], sizes = [64, 256], strides = [1, 1]} : vector<64x512xf32> to vector<64x256xf32>
    %swap3A_1608 = arith.constant 27 : index
    %swap3A_1609 = arith.constant 0 : index
    %swap3A_1610 = arith.constant 1536 : index
    %swap3A_1611 = vector.load %arg2[%swap3A_1608, %swap3A_1609, %swap3A_1610] : memref<32x64x2048xf32, #tpu.memory_space<vmem>>, vector<1x64x256xf32>
    %swap3A_1612 = vector.shape_cast %swap3A_1611 : vector<1x64x256xf32> to vector<64x256xf32>
    %swap3A_1613 = vector.shape_cast %slice3A_1607 : vector<64x256xf32> to vector<1x64x256xf32>
    tpu.vector_store %arg2[%swap3A_1608, %swap3A_1609, %swap3A_1610], %swap3A_1613 {strides = array<i32>} : memref<32x64x2048xf32, #tpu.memory_space<vmem>>, vector<1x64x256xf32>,
    %slice3A_1614 = vector.extract_strided_slice %roll3A_1417 {offsets = [0, 3], sizes = [64, 256], strides = [1, 1]} : vector<64x512xf32> to vector<64x256xf32>
    %swap3A_1615 = arith.constant 28 : index
    %swap3A_1616 = arith.constant 0 : index
    %swap3A_1617 = arith.constant 1536 : index
    %swap3A_1618 = vector.load %arg2[%swap3A_1615, %swap3A_1616, %swap3A_1617] : memref<32x64x2048xf32, #tpu.memory_space<vmem>>, vector<1x64x256xf32>
    %swap3A_1619 = vector.shape_cast %swap3A_1618 : vector<1x64x256xf32> to vector<64x256xf32>
    %swap3A_1620 = vector.shape_cast %slice3A_1614 : vector<64x256xf32> to vector<1x64x256xf32>
    tpu.vector_store %arg2[%swap3A_1615, %swap3A_1616, %swap3A_1617], %swap3A_1620 {strides = array<i32>} : memref<32x64x2048xf32, #tpu.memory_space<vmem>>, vector<1x64x256xf32>,
    %slice3A_1621 = vector.extract_strided_slice %roll3A_1417 {offsets = [0, 2], sizes = [64, 256], strides = [1, 1]} : vector<64x512xf32> to vector<64x256xf32>
    %swap3A_1622 = arith.constant 29 : index
    %swap3A_1623 = arith.constant 0 : index
    %swap3A_1624 = arith.constant 1536 : index
    %swap3A_1625 = vector.load %arg2[%swap3A_1622, %swap3A_1623, %swap3A_1624] : memref<32x64x2048xf32, #tpu.memory_space<vmem>>, vector<1x64x256xf32>
    %swap3A_1626 = vector.shape_cast %swap3A_1625 : vector<1x64x256xf32> to vector<64x256xf32>
    %swap3A_1627 = vector.shape_cast %slice3A_1621 : vector<64x256xf32> to vector<1x64x256xf32>
    tpu.vector_store %arg2[%swap3A_1622, %swap3A_1623, %swap3A_1624], %swap3A_1627 {strides = array<i32>} : memref<32x64x2048xf32, #tpu.memory_space<vmem>>, vector<1x64x256xf32>,
    %slice3A_1628 = vector.extract_strided_slice %roll3A_1417 {offsets = [0, 1], sizes = [64, 256], strides = [1, 1]} : vector<64x512xf32> to vector<64x256xf32>
    %swap3A_1629 = arith.constant 30 : index
    %swap3A_1630 = arith.constant 0 : index
    %swap3A_1631 = arith.constant 1536 : index
    %swap3A_1632 = vector.load %arg2[%swap3A_1629, %swap3A_1630, %swap3A_1631] : memref<32x64x2048xf32, #tpu.memory_space<vmem>>, vector<1x64x256xf32>
    %swap3A_1633 = vector.shape_cast %swap3A_1632 : vector<1x64x256xf32> to vector<64x256xf32>
    %swap3A_1634 = vector.shape_cast %slice3A_1628 : vector<64x256xf32> to vector<1x64x256xf32>
    tpu.vector_store %arg2[%swap3A_1629, %swap3A_1630, %swap3A_1631], %swap3A_1634 {strides = array<i32>} : memref<32x64x2048xf32, #tpu.memory_space<vmem>>, vector<1x64x256xf32>,
    %slice3A_1635 = vector.extract_strided_slice %roll3A_1417 {offsets = [0, 0], sizes = [64, 256], strides = [1, 1]} : vector<64x512xf32> to vector<64x256xf32>
    %swap3A_1636 = arith.constant 31 : index
    %swap3A_1637 = arith.constant 0 : index
    %swap3A_1638 = arith.constant 1536 : index
    %swap3A_1639 = vector.load %arg2[%swap3A_1636, %swap3A_1637, %swap3A_1638] : memref<32x64x2048xf32, #tpu.memory_space<vmem>>, vector<1x64x256xf32>
    %swap3A_1640 = vector.shape_cast %swap3A_1639 : vector<1x64x256xf32> to vector<64x256xf32>
    %swap3A_1641 = vector.shape_cast %slice3A_1635 : vector<64x256xf32> to vector<1x64x256xf32>
    tpu.vector_store %arg2[%swap3A_1636, %swap3A_1637, %swap3A_1638], %swap3A_1641 {strides = array<i32>} : memref<32x64x2048xf32, #tpu.memory_space<vmem>>, vector<1x64x256xf32>,
    %add3A_1642 = arith.constant 1792 : i32
    %add3A_1643 = arith.addi %multiple_of3A, %add3A_1642 : i32
    %get3A_1644 = arith.constant 0 : index
    %get3A_1645 = arith.index_cast %add3A_1643 : i32 to index
    %get3A_1646 = vector.load %arg1[%get3A_1644, %get3A_1645] : memref<64x4352xf32, #tpu.memory_space<vmem>>, vector<64x512xf32>
    %neg3A_1647 = arith.constant 0 : i32
    %neg3A_1648 = arith.subi %neg3A_1647, %sub3A_22 : i32
    %roll3A_1649 = tpu.dynamic_rotate %get3A_1646 by %neg3A_1648 dim 1 : vector<64x512xf32>, i32 -> vector<64x512xf32>
    %slice3A_1650 = vector.extract_strided_slice %roll3A_1649 {offsets = [0, 31], sizes = [64, 256], strides = [1, 1]} : vector<64x512xf32> to vector<64x256xf32>
    %swap3A_1651 = arith.constant 0 : index
    %swap3A_1652 = arith.constant 0 : index
    %swap3A_1653 = arith.constant 1792 : index
    %swap3A_1654 = vector.load %arg2[%swap3A_1651, %swap3A_1652, %swap3A_1653] : memref<32x64x2048xf32, #tpu.memory_space<vmem>>, vector<1x64x256xf32>
    %swap3A_1655 = vector.shape_cast %swap3A_1654 : vector<1x64x256xf32> to vector<64x256xf32>
    %swap3A_1656 = vector.shape_cast %slice3A_1650 : vector<64x256xf32> to vector<1x64x256xf32>
    tpu.vector_store %arg2[%swap3A_1651, %swap3A_1652, %swap3A_1653], %swap3A_1656 {strides = array<i32>} : memref<32x64x2048xf32, #tpu.memory_space<vmem>>, vector<1x64x256xf32>,
    %slice3A_1657 = vector.extract_strided_slice %roll3A_1649 {offsets = [0, 30], sizes = [64, 256], strides = [1, 1]} : vector<64x512xf32> to vector<64x256xf32>
    %swap3A_1658 = arith.constant 1 : index
    %swap3A_1659 = arith.constant 0 : index
    %swap3A_1660 = arith.constant 1792 : index
    %swap3A_1661 = vector.load %arg2[%swap3A_1658, %swap3A_1659, %swap3A_1660] : memref<32x64x2048xf32, #tpu.memory_space<vmem>>, vector<1x64x256xf32>
    %swap3A_1662 = vector.shape_cast %swap3A_1661 : vector<1x64x256xf32> to vector<64x256xf32>
    %swap3A_1663 = vector.shape_cast %slice3A_1657 : vector<64x256xf32> to vector<1x64x256xf32>
    tpu.vector_store %arg2[%swap3A_1658, %swap3A_1659, %swap3A_1660], %swap3A_1663 {strides = array<i32>} : memref<32x64x2048xf32, #tpu.memory_space<vmem>>, vector<1x64x256xf32>,
    %slice3A_1664 = vector.extract_strided_slice %roll3A_1649 {offsets = [0, 29], sizes = [64, 256], strides = [1, 1]} : vector<64x512xf32> to vector<64x256xf32>
    %swap3A_1665 = arith.constant 2 : index
    %swap3A_1666 = arith.constant 0 : index
    %swap3A_1667 = arith.constant 1792 : index
    %swap3A_1668 = vector.load %arg2[%swap3A_1665, %swap3A_1666, %swap3A_1667] : memref<32x64x2048xf32, #tpu.memory_space<vmem>>, vector<1x64x256xf32>
    %swap3A_1669 = vector.shape_cast %swap3A_1668 : vector<1x64x256xf32> to vector<64x256xf32>
    %swap3A_1670 = vector.shape_cast %slice3A_1664 : vector<64x256xf32> to vector<1x64x256xf32>
    tpu.vector_store %arg2[%swap3A_1665, %swap3A_1666, %swap3A_1667], %swap3A_1670 {strides = array<i32>} : memref<32x64x2048xf32, #tpu.memory_space<vmem>>, vector<1x64x256xf32>,
    %slice3A_1671 = vector.extract_strided_slice %roll3A_1649 {offsets = [0, 28], sizes = [64, 256], strides = [1, 1]} : vector<64x512xf32> to vector<64x256xf32>
    %swap3A_1672 = arith.constant 3 : index
    %swap3A_1673 = arith.constant 0 : index
    %swap3A_1674 = arith.constant 1792 : index
    %swap3A_1675 = vector.load %arg2[%swap3A_1672, %swap3A_1673, %swap3A_1674] : memref<32x64x2048xf32, #tpu.memory_space<vmem>>, vector<1x64x256xf32>
    %swap3A_1676 = vector.shape_cast %swap3A_1675 : vector<1x64x256xf32> to vector<64x256xf32>
    %swap3A_1677 = vector.shape_cast %slice3A_1671 : vector<64x256xf32> to vector<1x64x256xf32>
    tpu.vector_store %arg2[%swap3A_1672, %swap3A_1673, %swap3A_1674], %swap3A_1677 {strides = array<i32>} : memref<32x64x2048xf32, #tpu.memory_space<vmem>>, vector<1x64x256xf32>,
    %slice3A_1678 = vector.extract_strided_slice %roll3A_1649 {offsets = [0, 27], sizes = [64, 256], strides = [1, 1]} : vector<64x512xf32> to vector<64x256xf32>
    %swap3A_1679 = arith.constant 4 : index
    %swap3A_1680 = arith.constant 0 : index
    %swap3A_1681 = arith.constant 1792 : index
    %swap3A_1682 = vector.load %arg2[%swap3A_1679, %swap3A_1680, %swap3A_1681] : memref<32x64x2048xf32, #tpu.memory_space<vmem>>, vector<1x64x256xf32>
    %swap3A_1683 = vector.shape_cast %swap3A_1682 : vector<1x64x256xf32> to vector<64x256xf32>
    %swap3A_1684 = vector.shape_cast %slice3A_1678 : vector<64x256xf32> to vector<1x64x256xf32>
    tpu.vector_store %arg2[%swap3A_1679, %swap3A_1680, %swap3A_1681], %swap3A_1684 {strides = array<i32>} : memref<32x64x2048xf32, #tpu.memory_space<vmem>>, vector<1x64x256xf32>,
    %slice3A_1685 = vector.extract_strided_slice %roll3A_1649 {offsets = [0, 26], sizes = [64, 256], strides = [1, 1]} : vector<64x512xf32> to vector<64x256xf32>
    %swap3A_1686 = arith.constant 5 : index
    %swap3A_1687 = arith.constant 0 : index
    %swap3A_1688 = arith.constant 1792 : index
    %swap3A_1689 = vector.load %arg2[%swap3A_1686, %swap3A_1687, %swap3A_1688] : memref<32x64x2048xf32, #tpu.memory_space<vmem>>, vector<1x64x256xf32>
    %swap3A_1690 = vector.shape_cast %swap3A_1689 : vector<1x64x256xf32> to vector<64x256xf32>
    %swap3A_1691 = vector.shape_cast %slice3A_1685 : vector<64x256xf32> to vector<1x64x256xf32>
    tpu.vector_store %arg2[%swap3A_1686, %swap3A_1687, %swap3A_1688], %swap3A_1691 {strides = array<i32>} : memref<32x64x2048xf32, #tpu.memory_space<vmem>>, vector<1x64x256xf32>,
    %slice3A_1692 = vector.extract_strided_slice %roll3A_1649 {offsets = [0, 25], sizes = [64, 256], strides = [1, 1]} : vector<64x512xf32> to vector<64x256xf32>
    %swap3A_1693 = arith.constant 6 : index
    %swap3A_1694 = arith.constant 0 : index
    %swap3A_1695 = arith.constant 1792 : index
    %swap3A_1696 = vector.load %arg2[%swap3A_1693, %swap3A_1694, %swap3A_1695] : memref<32x64x2048xf32, #tpu.memory_space<vmem>>, vector<1x64x256xf32>
    %swap3A_1697 = vector.shape_cast %swap3A_1696 : vector<1x64x256xf32> to vector<64x256xf32>
    %swap3A_1698 = vector.shape_cast %slice3A_1692 : vector<64x256xf32> to vector<1x64x256xf32>
    tpu.vector_store %arg2[%swap3A_1693, %swap3A_1694, %swap3A_1695], %swap3A_1698 {strides = array<i32>} : memref<32x64x2048xf32, #tpu.memory_space<vmem>>, vector<1x64x256xf32>,
    %slice3A_1699 = vector.extract_strided_slice %roll3A_1649 {offsets = [0, 24], sizes = [64, 256], strides = [1, 1]} : vector<64x512xf32> to vector<64x256xf32>
    %swap3A_1700 = arith.constant 7 : index
    %swap3A_1701 = arith.constant 0 : index
    %swap3A_1702 = arith.constant 1792 : index
    %swap3A_1703 = vector.load %arg2[%swap3A_1700, %swap3A_1701, %swap3A_1702] : memref<32x64x2048xf32, #tpu.memory_space<vmem>>, vector<1x64x256xf32>
    %swap3A_1704 = vector.shape_cast %swap3A_1703 : vector<1x64x256xf32> to vector<64x256xf32>
    %swap3A_1705 = vector.shape_cast %slice3A_1699 : vector<64x256xf32> to vector<1x64x256xf32>
    tpu.vector_store %arg2[%swap3A_1700, %swap3A_1701, %swap3A_1702], %swap3A_1705 {strides = array<i32>} : memref<32x64x2048xf32, #tpu.memory_space<vmem>>, vector<1x64x256xf32>,
    %slice3A_1706 = vector.extract_strided_slice %roll3A_1649 {offsets = [0, 23], sizes = [64, 256], strides = [1, 1]} : vector<64x512xf32> to vector<64x256xf32>
    %swap3A_1707 = arith.constant 8 : index
    %swap3A_1708 = arith.constant 0 : index
    %swap3A_1709 = arith.constant 1792 : index
    %swap3A_1710 = vector.load %arg2[%swap3A_1707, %swap3A_1708, %swap3A_1709] : memref<32x64x2048xf32, #tpu.memory_space<vmem>>, vector<1x64x256xf32>
    %swap3A_1711 = vector.shape_cast %swap3A_1710 : vector<1x64x256xf32> to vector<64x256xf32>
    %swap3A_1712 = vector.shape_cast %slice3A_1706 : vector<64x256xf32> to vector<1x64x256xf32>
    tpu.vector_store %arg2[%swap3A_1707, %swap3A_1708, %swap3A_1709], %swap3A_1712 {strides = array<i32>} : memref<32x64x2048xf32, #tpu.memory_space<vmem>>, vector<1x64x256xf32>,
    %slice3A_1713 = vector.extract_strided_slice %roll3A_1649 {offsets = [0, 22], sizes = [64, 256], strides = [1, 1]} : vector<64x512xf32> to vector<64x256xf32>
    %swap3A_1714 = arith.constant 9 : index
    %swap3A_1715 = arith.constant 0 : index
    %swap3A_1716 = arith.constant 1792 : index
    %swap3A_1717 = vector.load %arg2[%swap3A_1714, %swap3A_1715, %swap3A_1716] : memref<32x64x2048xf32, #tpu.memory_space<vmem>>, vector<1x64x256xf32>
    %swap3A_1718 = vector.shape_cast %swap3A_1717 : vector<1x64x256xf32> to vector<64x256xf32>
    %swap3A_1719 = vector.shape_cast %slice3A_1713 : vector<64x256xf32> to vector<1x64x256xf32>
    tpu.vector_store %arg2[%swap3A_1714, %swap3A_1715, %swap3A_1716], %swap3A_1719 {strides = array<i32>} : memref<32x64x2048xf32, #tpu.memory_space<vmem>>, vector<1x64x256xf32>,
    %slice3A_1720 = vector.extract_strided_slice %roll3A_1649 {offsets = [0, 21], sizes = [64, 256], strides = [1, 1]} : vector<64x512xf32> to vector<64x256xf32>
    %swap3A_1721 = arith.constant 10 : index
    %swap3A_1722 = arith.constant 0 : index
    %swap3A_1723 = arith.constant 1792 : index
    %swap3A_1724 = vector.load %arg2[%swap3A_1721, %swap3A_1722, %swap3A_1723] : memref<32x64x2048xf32, #tpu.memory_space<vmem>>, vector<1x64x256xf32>
    %swap3A_1725 = vector.shape_cast %swap3A_1724 : vector<1x64x256xf32> to vector<64x256xf32>
    %swap3A_1726 = vector.shape_cast %slice3A_1720 : vector<64x256xf32> to vector<1x64x256xf32>
    tpu.vector_store %arg2[%swap3A_1721, %swap3A_1722, %swap3A_1723], %swap3A_1726 {strides = array<i32>} : memref<32x64x2048xf32, #tpu.memory_space<vmem>>, vector<1x64x256xf32>,
    %slice3A_1727 = vector.extract_strided_slice %roll3A_1649 {offsets = [0, 20], sizes = [64, 256], strides = [1, 1]} : vector<64x512xf32> to vector<64x256xf32>
    %swap3A_1728 = arith.constant 11 : index
    %swap3A_1729 = arith.constant 0 : index
    %swap3A_1730 = arith.constant 1792 : index
    %swap3A_1731 = vector.load %arg2[%swap3A_1728, %swap3A_1729, %swap3A_1730] : memref<32x64x2048xf32, #tpu.memory_space<vmem>>, vector<1x64x256xf32>
    %swap3A_1732 = vector.shape_cast %swap3A_1731 : vector<1x64x256xf32> to vector<64x256xf32>
    %swap3A_1733 = vector.shape_cast %slice3A_1727 : vector<64x256xf32> to vector<1x64x256xf32>
    tpu.vector_store %arg2[%swap3A_1728, %swap3A_1729, %swap3A_1730], %swap3A_1733 {strides = array<i32>} : memref<32x64x2048xf32, #tpu.memory_space<vmem>>, vector<1x64x256xf32>,
    %slice3A_1734 = vector.extract_strided_slice %roll3A_1649 {offsets = [0, 19], sizes = [64, 256], strides = [1, 1]} : vector<64x512xf32> to vector<64x256xf32>
    %swap3A_1735 = arith.constant 12 : index
    %swap3A_1736 = arith.constant 0 : index
    %swap3A_1737 = arith.constant 1792 : index
    %swap3A_1738 = vector.load %arg2[%swap3A_1735, %swap3A_1736, %swap3A_1737] : memref<32x64x2048xf32, #tpu.memory_space<vmem>>, vector<1x64x256xf32>
    %swap3A_1739 = vector.shape_cast %swap3A_1738 : vector<1x64x256xf32> to vector<64x256xf32>
    %swap3A_1740 = vector.shape_cast %slice3A_1734 : vector<64x256xf32> to vector<1x64x256xf32>
    tpu.vector_store %arg2[%swap3A_1735, %swap3A_1736, %swap3A_1737], %swap3A_1740 {strides = array<i32>} : memref<32x64x2048xf32, #tpu.memory_space<vmem>>, vector<1x64x256xf32>,
    %slice3A_1741 = vector.extract_strided_slice %roll3A_1649 {offsets = [0, 18], sizes = [64, 256], strides = [1, 1]} : vector<64x512xf32> to vector<64x256xf32>
    %swap3A_1742 = arith.constant 13 : index
    %swap3A_1743 = arith.constant 0 : index
    %swap3A_1744 = arith.constant 1792 : index
    %swap3A_1745 = vector.load %arg2[%swap3A_1742, %swap3A_1743, %swap3A_1744] : memref<32x64x2048xf32, #tpu.memory_space<vmem>>, vector<1x64x256xf32>
    %swap3A_1746 = vector.shape_cast %swap3A_1745 : vector<1x64x256xf32> to vector<64x256xf32>
    %swap3A_1747 = vector.shape_cast %slice3A_1741 : vector<64x256xf32> to vector<1x64x256xf32>
    tpu.vector_store %arg2[%swap3A_1742, %swap3A_1743, %swap3A_1744], %swap3A_1747 {strides = array<i32>} : memref<32x64x2048xf32, #tpu.memory_space<vmem>>, vector<1x64x256xf32>,
    %slice3A_1748 = vector.extract_strided_slice %roll3A_1649 {offsets = [0, 17], sizes = [64, 256], strides = [1, 1]} : vector<64x512xf32> to vector<64x256xf32>
    %swap3A_1749 = arith.constant 14 : index
    %swap3A_1750 = arith.constant 0 : index
    %swap3A_1751 = arith.constant 1792 : index
    %swap3A_1752 = vector.load %arg2[%swap3A_1749, %swap3A_1750, %swap3A_1751] : memref<32x64x2048xf32, #tpu.memory_space<vmem>>, vector<1x64x256xf32>
    %swap3A_1753 = vector.shape_cast %swap3A_1752 : vector<1x64x256xf32> to vector<64x256xf32>
    %swap3A_1754 = vector.shape_cast %slice3A_1748 : vector<64x256xf32> to vector<1x64x256xf32>
    tpu.vector_store %arg2[%swap3A_1749, %swap3A_1750, %swap3A_1751], %swap3A_1754 {strides = array<i32>} : memref<32x64x2048xf32, #tpu.memory_space<vmem>>, vector<1x64x256xf32>,
    %slice3A_1755 = vector.extract_strided_slice %roll3A_1649 {offsets = [0, 16], sizes = [64, 256], strides = [1, 1]} : vector<64x512xf32> to vector<64x256xf32>
    %swap3A_1756 = arith.constant 15 : index
    %swap3A_1757 = arith.constant 0 : index
    %swap3A_1758 = arith.constant 1792 : index
    %swap3A_1759 = vector.load %arg2[%swap3A_1756, %swap3A_1757, %swap3A_1758] : memref<32x64x2048xf32, #tpu.memory_space<vmem>>, vector<1x64x256xf32>
    %swap3A_1760 = vector.shape_cast %swap3A_1759 : vector<1x64x256xf32> to vector<64x256xf32>
    %swap3A_1761 = vector.shape_cast %slice3A_1755 : vector<64x256xf32> to vector<1x64x256xf32>
    tpu.vector_store %arg2[%swap3A_1756, %swap3A_1757, %swap3A_1758], %swap3A_1761 {strides = array<i32>} : memref<32x64x2048xf32, #tpu.memory_space<vmem>>, vector<1x64x256xf32>,
    %slice3A_1762 = vector.extract_strided_slice %roll3A_1649 {offsets = [0, 15], sizes = [64, 256], strides = [1, 1]} : vector<64x512xf32> to vector<64x256xf32>
    %swap3A_1763 = arith.constant 16 : index
    %swap3A_1764 = arith.constant 0 : index
    %swap3A_1765 = arith.constant 1792 : index
    %swap3A_1766 = vector.load %arg2[%swap3A_1763, %swap3A_1764, %swap3A_1765] : memref<32x64x2048xf32, #tpu.memory_space<vmem>>, vector<1x64x256xf32>
    %swap3A_1767 = vector.shape_cast %swap3A_1766 : vector<1x64x256xf32> to vector<64x256xf32>
    %swap3A_1768 = vector.shape_cast %slice3A_1762 : vector<64x256xf32> to vector<1x64x256xf32>
    tpu.vector_store %arg2[%swap3A_1763, %swap3A_1764, %swap3A_1765], %swap3A_1768 {strides = array<i32>} : memref<32x64x2048xf32, #tpu.memory_space<vmem>>, vector<1x64x256xf32>,
    %slice3A_1769 = vector.extract_strided_slice %roll3A_1649 {offsets = [0, 14], sizes = [64, 256], strides = [1, 1]} : vector<64x512xf32> to vector<64x256xf32>
    %swap3A_1770 = arith.constant 17 : index
    %swap3A_1771 = arith.constant 0 : index
    %swap3A_1772 = arith.constant 1792 : index
    %swap3A_1773 = vector.load %arg2[%swap3A_1770, %swap3A_1771, %swap3A_1772] : memref<32x64x2048xf32, #tpu.memory_space<vmem>>, vector<1x64x256xf32>
    %swap3A_1774 = vector.shape_cast %swap3A_1773 : vector<1x64x256xf32> to vector<64x256xf32>
    %swap3A_1775 = vector.shape_cast %slice3A_1769 : vector<64x256xf32> to vector<1x64x256xf32>
    tpu.vector_store %arg2[%swap3A_1770, %swap3A_1771, %swap3A_1772], %swap3A_1775 {strides = array<i32>} : memref<32x64x2048xf32, #tpu.memory_space<vmem>>, vector<1x64x256xf32>,
    %slice3A_1776 = vector.extract_strided_slice %roll3A_1649 {offsets = [0, 13], sizes = [64, 256], strides = [1, 1]} : vector<64x512xf32> to vector<64x256xf32>
    %swap3A_1777 = arith.constant 18 : index
    %swap3A_1778 = arith.constant 0 : index
    %swap3A_1779 = arith.constant 1792 : index
    %swap3A_1780 = vector.load %arg2[%swap3A_1777, %swap3A_1778, %swap3A_1779] : memref<32x64x2048xf32, #tpu.memory_space<vmem>>, vector<1x64x256xf32>
    %swap3A_1781 = vector.shape_cast %swap3A_1780 : vector<1x64x256xf32> to vector<64x256xf32>
    %swap3A_1782 = vector.shape_cast %slice3A_1776 : vector<64x256xf32> to vector<1x64x256xf32>
    tpu.vector_store %arg2[%swap3A_1777, %swap3A_1778, %swap3A_1779], %swap3A_1782 {strides = array<i32>} : memref<32x64x2048xf32, #tpu.memory_space<vmem>>, vector<1x64x256xf32>,
    %slice3A_1783 = vector.extract_strided_slice %roll3A_1649 {offsets = [0, 12], sizes = [64, 256], strides = [1, 1]} : vector<64x512xf32> to vector<64x256xf32>
    %swap3A_1784 = arith.constant 19 : index
    %swap3A_1785 = arith.constant 0 : index
    %swap3A_1786 = arith.constant 1792 : index
    %swap3A_1787 = vector.load %arg2[%swap3A_1784, %swap3A_1785, %swap3A_1786] : memref<32x64x2048xf32, #tpu.memory_space<vmem>>, vector<1x64x256xf32>
    %swap3A_1788 = vector.shape_cast %swap3A_1787 : vector<1x64x256xf32> to vector<64x256xf32>
    %swap3A_1789 = vector.shape_cast %slice3A_1783 : vector<64x256xf32> to vector<1x64x256xf32>
    tpu.vector_store %arg2[%swap3A_1784, %swap3A_1785, %swap3A_1786], %swap3A_1789 {strides = array<i32>} : memref<32x64x2048xf32, #tpu.memory_space<vmem>>, vector<1x64x256xf32>,
    %slice3A_1790 = vector.extract_strided_slice %roll3A_1649 {offsets = [0, 11], sizes = [64, 256], strides = [1, 1]} : vector<64x512xf32> to vector<64x256xf32>
    %swap3A_1791 = arith.constant 20 : index
    %swap3A_1792 = arith.constant 0 : index
    %swap3A_1793 = arith.constant 1792 : index
    %swap3A_1794 = vector.load %arg2[%swap3A_1791, %swap3A_1792, %swap3A_1793] : memref<32x64x2048xf32, #tpu.memory_space<vmem>>, vector<1x64x256xf32>
    %swap3A_1795 = vector.shape_cast %swap3A_1794 : vector<1x64x256xf32> to vector<64x256xf32>
    %swap3A_1796 = vector.shape_cast %slice3A_1790 : vector<64x256xf32> to vector<1x64x256xf32>
    tpu.vector_store %arg2[%swap3A_1791, %swap3A_1792, %swap3A_1793], %swap3A_1796 {strides = array<i32>} : memref<32x64x2048xf32, #tpu.memory_space<vmem>>, vector<1x64x256xf32>,
    %slice3A_1797 = vector.extract_strided_slice %roll3A_1649 {offsets = [0, 10], sizes = [64, 256], strides = [1, 1]} : vector<64x512xf32> to vector<64x256xf32>
    %swap3A_1798 = arith.constant 21 : index
    %swap3A_1799 = arith.constant 0 : index
    %swap3A_1800 = arith.constant 1792 : index
    %swap3A_1801 = vector.load %arg2[%swap3A_1798, %swap3A_1799, %swap3A_1800] : memref<32x64x2048xf32, #tpu.memory_space<vmem>>, vector<1x64x256xf32>
    %swap3A_1802 = vector.shape_cast %swap3A_1801 : vector<1x64x256xf32> to vector<64x256xf32>
    %swap3A_1803 = vector.shape_cast %slice3A_1797 : vector<64x256xf32> to vector<1x64x256xf32>
    tpu.vector_store %arg2[%swap3A_1798, %swap3A_1799, %swap3A_1800], %swap3A_1803 {strides = array<i32>} : memref<32x64x2048xf32, #tpu.memory_space<vmem>>, vector<1x64x256xf32>,
    %slice3A_1804 = vector.extract_strided_slice %roll3A_1649 {offsets = [0, 9], sizes = [64, 256], strides = [1, 1]} : vector<64x512xf32> to vector<64x256xf32>
    %swap3A_1805 = arith.constant 22 : index
    %swap3A_1806 = arith.constant 0 : index
    %swap3A_1807 = arith.constant 1792 : index
    %swap3A_1808 = vector.load %arg2[%swap3A_1805, %swap3A_1806, %swap3A_1807] : memref<32x64x2048xf32, #tpu.memory_space<vmem>>, vector<1x64x256xf32>
    %swap3A_1809 = vector.shape_cast %swap3A_1808 : vector<1x64x256xf32> to vector<64x256xf32>
    %swap3A_1810 = vector.shape_cast %slice3A_1804 : vector<64x256xf32> to vector<1x64x256xf32>
    tpu.vector_store %arg2[%swap3A_1805, %swap3A_1806, %swap3A_1807], %swap3A_1810 {strides = array<i32>} : memref<32x64x2048xf32, #tpu.memory_space<vmem>>, vector<1x64x256xf32>,
    %slice3A_1811 = vector.extract_strided_slice %roll3A_1649 {offsets = [0, 8], sizes = [64, 256], strides = [1, 1]} : vector<64x512xf32> to vector<64x256xf32>
    %swap3A_1812 = arith.constant 23 : index
    %swap3A_1813 = arith.constant 0 : index
    %swap3A_1814 = arith.constant 1792 : index
    %swap3A_1815 = vector.load %arg2[%swap3A_1812, %swap3A_1813, %swap3A_1814] : memref<32x64x2048xf32, #tpu.memory_space<vmem>>, vector<1x64x256xf32>
    %swap3A_1816 = vector.shape_cast %swap3A_1815 : vector<1x64x256xf32> to vector<64x256xf32>
    %swap3A_1817 = vector.shape_cast %slice3A_1811 : vector<64x256xf32> to vector<1x64x256xf32>
    tpu.vector_store %arg2[%swap3A_1812, %swap3A_1813, %swap3A_1814], %swap3A_1817 {strides = array<i32>} : memref<32x64x2048xf32, #tpu.memory_space<vmem>>, vector<1x64x256xf32>,
    %slice3A_1818 = vector.extract_strided_slice %roll3A_1649 {offsets = [0, 7], sizes = [64, 256], strides = [1, 1]} : vector<64x512xf32> to vector<64x256xf32>
    %swap3A_1819 = arith.constant 24 : index
    %swap3A_1820 = arith.constant 0 : index
    %swap3A_1821 = arith.constant 1792 : index
    %swap3A_1822 = vector.load %arg2[%swap3A_1819, %swap3A_1820, %swap3A_1821] : memref<32x64x2048xf32, #tpu.memory_space<vmem>>, vector<1x64x256xf32>
    %swap3A_1823 = vector.shape_cast %swap3A_1822 : vector<1x64x256xf32> to vector<64x256xf32>
    %swap3A_1824 = vector.shape_cast %slice3A_1818 : vector<64x256xf32> to vector<1x64x256xf32>
    tpu.vector_store %arg2[%swap3A_1819, %swap3A_1820, %swap3A_1821], %swap3A_1824 {strides = array<i32>} : memref<32x64x2048xf32, #tpu.memory_space<vmem>>, vector<1x64x256xf32>,
    %slice3A_1825 = vector.extract_strided_slice %roll3A_1649 {offsets = [0, 6], sizes = [64, 256], strides = [1, 1]} : vector<64x512xf32> to vector<64x256xf32>
    %swap3A_1826 = arith.constant 25 : index
    %swap3A_1827 = arith.constant 0 : index
    %swap3A_1828 = arith.constant 1792 : index
    %swap3A_1829 = vector.load %arg2[%swap3A_1826, %swap3A_1827, %swap3A_1828] : memref<32x64x2048xf32, #tpu.memory_space<vmem>>, vector<1x64x256xf32>
    %swap3A_1830 = vector.shape_cast %swap3A_1829 : vector<1x64x256xf32> to vector<64x256xf32>
    %swap3A_1831 = vector.shape_cast %slice3A_1825 : vector<64x256xf32> to vector<1x64x256xf32>
    tpu.vector_store %arg2[%swap3A_1826, %swap3A_1827, %swap3A_1828], %swap3A_1831 {strides = array<i32>} : memref<32x64x2048xf32, #tpu.memory_space<vmem>>, vector<1x64x256xf32>,
    %slice3A_1832 = vector.extract_strided_slice %roll3A_1649 {offsets = [0, 5], sizes = [64, 256], strides = [1, 1]} : vector<64x512xf32> to vector<64x256xf32>
    %swap3A_1833 = arith.constant 26 : index
    %swap3A_1834 = arith.constant 0 : index
    %swap3A_1835 = arith.constant 1792 : index
    %swap3A_1836 = vector.load %arg2[%swap3A_1833, %swap3A_1834, %swap3A_1835] : memref<32x64x2048xf32, #tpu.memory_space<vmem>>, vector<1x64x256xf32>
    %swap3A_1837 = vector.shape_cast %swap3A_1836 : vector<1x64x256xf32> to vector<64x256xf32>
    %swap3A_1838 = vector.shape_cast %slice3A_1832 : vector<64x256xf32> to vector<1x64x256xf32>
    tpu.vector_store %arg2[%swap3A_1833, %swap3A_1834, %swap3A_1835], %swap3A_1838 {strides = array<i32>} : memref<32x64x2048xf32, #tpu.memory_space<vmem>>, vector<1x64x256xf32>,
    %slice3A_1839 = vector.extract_strided_slice %roll3A_1649 {offsets = [0, 4], sizes = [64, 256], strides = [1, 1]} : vector<64x512xf32> to vector<64x256xf32>
    %swap3A_1840 = arith.constant 27 : index
    %swap3A_1841 = arith.constant 0 : index
    %swap3A_1842 = arith.constant 1792 : index
    %swap3A_1843 = vector.load %arg2[%swap3A_1840, %swap3A_1841, %swap3A_1842] : memref<32x64x2048xf32, #tpu.memory_space<vmem>>, vector<1x64x256xf32>
    %swap3A_1844 = vector.shape_cast %swap3A_1843 : vector<1x64x256xf32> to vector<64x256xf32>
    %swap3A_1845 = vector.shape_cast %slice3A_1839 : vector<64x256xf32> to vector<1x64x256xf32>
    tpu.vector_store %arg2[%swap3A_1840, %swap3A_1841, %swap3A_1842], %swap3A_1845 {strides = array<i32>} : memref<32x64x2048xf32, #tpu.memory_space<vmem>>, vector<1x64x256xf32>,
    %slice3A_1846 = vector.extract_strided_slice %roll3A_1649 {offsets = [0, 3], sizes = [64, 256], strides = [1, 1]} : vector<64x512xf32> to vector<64x256xf32>
    %swap3A_1847 = arith.constant 28 : index
    %swap3A_1848 = arith.constant 0 : index
    %swap3A_1849 = arith.constant 1792 : index
    %swap3A_1850 = vector.load %arg2[%swap3A_1847, %swap3A_1848, %swap3A_1849] : memref<32x64x2048xf32, #tpu.memory_space<vmem>>, vector<1x64x256xf32>
    %swap3A_1851 = vector.shape_cast %swap3A_1850 : vector<1x64x256xf32> to vector<64x256xf32>
    %swap3A_1852 = vector.shape_cast %slice3A_1846 : vector<64x256xf32> to vector<1x64x256xf32>
    tpu.vector_store %arg2[%swap3A_1847, %swap3A_1848, %swap3A_1849], %swap3A_1852 {strides = array<i32>} : memref<32x64x2048xf32, #tpu.memory_space<vmem>>, vector<1x64x256xf32>,
    %slice3A_1853 = vector.extract_strided_slice %roll3A_1649 {offsets = [0, 2], sizes = [64, 256], strides = [1, 1]} : vector<64x512xf32> to vector<64x256xf32>
    %swap3A_1854 = arith.constant 29 : index
    %swap3A_1855 = arith.constant 0 : index
    %swap3A_1856 = arith.constant 1792 : index
    %swap3A_1857 = vector.load %arg2[%swap3A_1854, %swap3A_1855, %swap3A_1856] : memref<32x64x2048xf32, #tpu.memory_space<vmem>>, vector<1x64x256xf32>
    %swap3A_1858 = vector.shape_cast %swap3A_1857 : vector<1x64x256xf32> to vector<64x256xf32>
    %swap3A_1859 = vector.shape_cast %slice3A_1853 : vector<64x256xf32> to vector<1x64x256xf32>
    tpu.vector_store %arg2[%swap3A_1854, %swap3A_1855, %swap3A_1856], %swap3A_1859 {strides = array<i32>} : memref<32x64x2048xf32, #tpu.memory_space<vmem>>, vector<1x64x256xf32>,
    %slice3A_1860 = vector.extract_strided_slice %roll3A_1649 {offsets = [0, 1], sizes = [64, 256], strides = [1, 1]} : vector<64x512xf32> to vector<64x256xf32>
    %swap3A_1861 = arith.constant 30 : index
    %swap3A_1862 = arith.constant 0 : index
    %swap3A_1863 = arith.constant 1792 : index
    %swap3A_1864 = vector.load %arg2[%swap3A_1861, %swap3A_1862, %swap3A_1863] : memref<32x64x2048xf32, #tpu.memory_space<vmem>>, vector<1x64x256xf32>
    %swap3A_1865 = vector.shape_cast %swap3A_1864 : vector<1x64x256xf32> to vector<64x256xf32>
    %swap3A_1866 = vector.shape_cast %slice3A_1860 : vector<64x256xf32> to vector<1x64x256xf32>
    tpu.vector_store %arg2[%swap3A_1861, %swap3A_1862, %swap3A_1863], %swap3A_1866 {strides = array<i32>} : memref<32x64x2048xf32, #tpu.memory_space<vmem>>, vector<1x64x256xf32>,
    %slice3A_1867 = vector.extract_strided_slice %roll3A_1649 {offsets = [0, 0], sizes = [64, 256], strides = [1, 1]} : vector<64x512xf32> to vector<64x256xf32>
    %swap3A_1868 = arith.constant 31 : index
    %swap3A_1869 = arith.constant 0 : index
    %swap3A_1870 = arith.constant 1792 : index
    %swap3A_1871 = vector.load %arg2[%swap3A_1868, %swap3A_1869, %swap3A_1870] : memref<32x64x2048xf32, #tpu.memory_space<vmem>>, vector<1x64x256xf32>
    %swap3A_1872 = vector.shape_cast %swap3A_1871 : vector<1x64x256xf32> to vector<64x256xf32>
    %swap3A_1873 = vector.shape_cast %slice3A_1867 : vector<64x256xf32> to vector<1x64x256xf32>
    tpu.vector_store %arg2[%swap3A_1868, %swap3A_1869, %swap3A_1870], %swap3A_1873 {strides = array<i32>} : memref<32x64x2048xf32, #tpu.memory_space<vmem>>, vector<1x64x256xf32>,
    return
  }
  func.func @transform_0(%arg0: i32) -> (i32, i32) {
    %c0_i32 = arith.constant 0 : i32
    %c0_i32_0 = arith.constant 0 : i32
    %c0_i32_1 = arith.constant 0 : i32
    return %c0_i32, %c0_i32_0 : i32, i32
  }
  func.func @transform_1(%arg0: i32) -> (i32, i32, i32) {
    %c0_i32 = arith.constant 0 : i32
    %c0_i32_0 = arith.constant 0 : i32
    %c0_i32_1 = arith.constant 0 : i32
    return %arg0, %c0_i32, %c0_i32_0 : i32, i32, i32
  }
}

</mosaic_0001>

<sc_bundles>
// kernel: kernel.4.cloned.1.call-start
scs
__scs_entry_jumppad:
0x0: {  	(pc) =	sbr.rel $0x88, $3  }
0x1: {  	(tag) =	ssettag $0x0;
	lr =	simm.s32 $0x1  }
0x2: {  	[smem:$0x3FA0] =	sst lr;
	_ =	strace $0xD0000000  }
0x3: {  	_ = 	snop  }
0x4: {  	_ = 	snop  }
0x5: {  	_ = 	snop  }
0x6: {  	_ = 	snop  }
0x7: {  	_ = 	snop  }
__scs_overlays_trampoline_lowered:
0x8: {  	[smem:$0x3FAF] =	sst s0  }
0x9: {  	[smem:$0x3FB0] =	sst s1  }
0xa: {  	[smem:$0x3FB1] =	sst s2  }
0xb: {  	[smem:$0x3FB2] =	sst s3  }
0xc: {  	[smem:$0x3FB3] =	sst s4  }
0xd: {  	[smem:$0x3FB4] =	sst s5  }
0xe: {  	[smem:$0x3FB5] =	sst s6  }
0xf: {  	[smem:$0x3FB6] =	sst s7  }
0x10: {  	[smem:$0x3FB7] =	sst s8  }
0x11: {  	[smem:$0x3FB8] =	sst s9;
	s0 =	simm.s32 @!p0 $0x0  }
0x12: {  	s1 =	sld [smem:$0x3F9E];
	s0 =	simm.s32 @p0 $0x1  }
0x13: {  	[smem:$0x3FB9] =	sst s0;
	s0 =	simm.s32 @!p1 $0x0  }
0x14: {  	s2 =	sld [smem:$0x3F9D];
	s0 =	simm.s32 @p1 $0x1  }
0x15: {  	[smem:$0x3FBA] =	sst s0;
	s0 =	simm.s32 @!p2 $0x0  }
0x16: {  	s3 =	sld [smem:$0x3FDB];
	s0 =	simm.s32 @p2 $0x1  }
0x17: {  	s4 =	simm.s32 $0x1BF5;
	[smem:$0x3FBC] =	sst s0  }
0x18: {  	s0 =	sld [smem:$0x3F9F];
	_ =	swait.ge [sflag:s4], $0x0  }
0x19: {  	s7 =	sld [smem:$0x3FA0]  }
0x1a: {  	s8 =	sadd.s32 $0xFFFFE003, lr  }
0x1b: {  	s9 =	sadd.s32 $0xFFFFFEF7, lr;
	s5 =	simm.s32 $0xFFFFFFFF;
	p2 =	slt.u32 s8, $0xFFFFF086  }
0x1c: {  	p1 =	slt.u32 s9, $0xF7A;
	s5 =	simm.s32 @!p2 $0x0  }
0x1d: {  	s5 =	simm.s32 @p1 $0x1;
	p0 =	seq.s32 s7, s2  }
0x1e: {  	s7 =	smul.u32 @!p0 $0xF7A, s2;
	p2 =	seq.s32 @!p0 s5, $0x0  }
0x1f: {  	s9 =	smul.u32 $0xF7A, s1;
	s8 =	simm.s32 @!p0 $0x1BF5;
	p2 =	por !p2, p0  }
0x20: {  	[sflag:s8] =	ssyncset.s32 @!p0 $0xFFFFF086;
	s6 =	sadd.s32 @!p0 s3, s7;
	s7 =	simm.s32 @!p0 $0x108  }
0x21: {  	s3 =	sadd.s32 s3, s9;
	s6 =	sadd.s32 @!p0 $0x88, s6;
	s7 =	simm.s32 @p2 $0x1082  }
0x22: {  	[simem:s7], [sflag:s8] =	dma.local @!p0 [hbm:s6], $0xF7A  }
0x23: {  	s9 =	sor.u32 $0xD0000000, s2;
	s6 =	simm.s32 $0x108;
	_ =	swait.ge @!p0 [sflag:s8], $0x0  }
0x24: {  	s3 =	sadd.s32 $0x88, s3;
	s6 =	simm.s32 @!p1 $0x1082;
	[sflag:s4] =	ssyncset.s32 $0xFFFFF086  }
0x25: {  	[simem:s6], [sflag:s4] =	dma.local [hbm:s3], $0xF7A  }
0x26: {  	[smem:$0x3FA0] =	sst s1;
	(tag) =	ssettag s2;
	_ =	strace s9  }
0x27: {  	s1 =	sld [smem:$0x3FB0]  }
0x28: {  	s2 =	sld [smem:$0x3FB1]  }
0x29: {  	s4 =	sld [smem:$0x3FB3]  }
0x2a: {  	p0 =	seq.s32 s5, $0x0;
	s5 =	sld [smem:$0x3FB4]  }
0x2b: {  	s6 =	sld [smem:$0x3FB5]  }
0x2c: {  	s7 =	sld [smem:$0x3FB6]  }
0x2d: {  	s3 =	simm.s32 $0x108;
	s8 =	sld [smem:$0x3FB7]  }
0x2e: {  	s3 =	simm.s32 @!p0 $0x1082;
	s9 =	sld [smem:$0x3FB8]  }
0x2f: {  	lr =	sadd.s32 s0, s3;
	s0 =	sld [smem:$0x3FAF]  }
0x30: {  	s3 =	sld [smem:$0x3FB2]  }
0x31: {  	[smem:$0x3FBB] =	sst s10  }
0x32: {  	s10 =	sld [smem:$0x3FB9];
	_ =	sdelay $0x3  }
0x33: {  	p0 =	seq.s32 s10, $0x1;
	s10 =	sld [smem:$0x3FBB];
	_ =	sdelay $0x3  }
0x34: {  	[smem:$0x3FBB] =	sst s10  }
0x35: {  	s10 =	sld [smem:$0x3FBA];
	_ =	sdelay $0x3  }
0x36: {  	p1 =	seq.s32 s10, $0x1;
	s10 =	sld [smem:$0x3FBB];
	_ =	sdelay $0x3  }
0x37: {  	[smem:$0x3FBB] =	sst s10  }
0x38: {  	s10 =	sld [smem:$0x3FBC]  }
0x39: {  	_ = 	snop;
	(pc) =	sbr.ind lr, $3  }
0x3a: {  	_ = 	snop  }
0x3b: {  	_ = 	snop  }
0x3c: {  	p2 =	seq.s32 s10, $0x1;
	s10 =	sld [smem:$0x3FBB]  }
0x3d: {  	_ =	shalt  }
0x3e: {  	_ =	shalt  }
0x3f: {  	_ =	shalt  }
0x40: {  	_ =	shalt  }
0x41: {  	_ =	shalt  }
0x42: {  	_ =	shalt  }
0x43: {  	_ =	shalt  }
0x44: {  	_ =	shalt  }
0x45: {  	_ =	shalt  }
0x46: {  	_ =	shalt  }
0x47: {  	_ =	shalt  }
0x48: {  	_ =	shalt  }
0x49: {  	_ =	shalt  }
0x4a: {  	_ =	shalt  }
0x4b: {  	_ =	shalt  }
0x4c: {  	_ =	shalt  }
0x4d: {  	_ =	shalt  }
0x4e: {  	_ =	shalt  }
0x4f: {  	_ =	shalt  }
0x50: {  	_ =	shalt  }
0x51: {  	_ =	shalt  }
0x52: {  	_ =	shalt  }
0x53: {  	_ =	shalt  }
0x54: {  	_ =	shalt  }
0x55: {  	_ =	shalt  }
0x56: {  	_ =	shalt  }
0x57: {  	_ =	shalt  }
0x58: {  	_ =	shalt  }
0x59: {  	_ =	shalt  }
0x5a: {  	_ =	shalt  }
0x5b: {  	_ =	shalt  }
0x5c: {  	_ =	shalt  }
0x5d: {  	_ =	shalt  }
0x5e: {  	_ =	shalt  }
0x5f: {  	_ =	shalt  }
0x60: {  	_ =	shalt  }
0x61: {  	_ =	shalt  }
0x62: {  	_ =	shalt  }
0x63: {  	_ =	shalt  }
0x64: {  	_ =	shalt  }
0x65: {  	_ =	shalt  }
0x66: {  	_ =	shalt  }
0x67: {  	_ =	shalt  }
0x68: {  	_ =	shalt  }
0x69: {  	_ =	shalt  }
0x6a: {  	_ =	shalt  }
0x6b: {  	_ =	shalt  }
0x6c: {  	_ =	shalt  }
0x6d: {  	_ =	shalt  }
0x6e: {  	_ =	shalt  }
0x6f: {  	_ =	shalt  }
0x70: {  	_ =	shalt  }
0x71: {  	_ =	shalt  }
0x72: {  	_ =	shalt  }
0x73: {  	_ =	shalt  }
0x74: {  	_ =	shalt  }
0x75: {  	_ =	shalt  }
0x76: {  	_ =	shalt  }
0x77: {  	_ =	shalt  }
0x78: {  	_ =	shalt  }
0x79: {  	_ =	shalt  }
0x7a: {  	_ =	shalt  }
0x7b: {  	_ =	shalt  }
0x7c: {  	_ =	shalt  }
0x7d: {  	_ =	shalt  }
0x7e: {  	_ =	shalt  }
0x7f: {  	_ =	shalt  }
0x80: {  	_ =	shalt  }
0x81: {  	_ =	shalt  }
0x82: {  	_ =	shalt  }
0x83: {  	_ =	shalt  }
0x84: {  	_ =	shalt  }
0x85: {  	_ =	shalt  }
0x86: {  	_ =	shalt  }
0x87: {  	_ =	shalt  }
.Lfunc_end0:
.L_simem_size_0:
called_computation_lowered:
.L_overlay_start_0:
0x88: {  	s2 =	sld [smem:$0x3FD9]  }
0x89: {  	s3 =	sld [smem:$0x3FFE];
	_ =	sdelay $0x1  }
0x8a: {  	s1 =	srdreg.scid  }
0x8b: {  	s0 =	sand.u32 $0x1, s1  }
0x8c: {  	s17 =	sshll.u32 s0, $0xA;
	s2 =	sadd.s32 s3, s2  }
0x8d: {  	s2 =	sadd.s32 s2, s17  }
0x8e: {  	[smem:$0x3FC7] =	sst s2  }
0x8f: {  	_ = 	snop  }
0x90: {  	s2 =	sld [smem:$0x3FD0];
	(tm) =	ssettm $0x1  }
0x91: {  	s18 =	sld [smem:$0x3FFB];
	_ =	sdelay $0x3  }
0x92: {  	_ =	strace s18  }
0x93: {  	s3 =	sld [smem:$0x3FFC];
	_ =	sdelay $0x3  }
0x94: {  	_ =	strace s3  }
0x95: {  	s3 =	sld [smem:$0x3FFD];
	_ =	sdelay $0x3  }
0x96: {  	_ =	strace s3  }
0x97: {  	_ =	strace $0x8FFFFFFF  }
0x98: {  	s19 =	sld [smem:$0x3FDB];
	_ =	sdelay $0x1  }
0x99: {  	s4 =	simm.s32 $_scs_section_size  }
0x9a: {  	s5 =	simm.s32 $_size__tile_overlayer_lowered;
	s6 =	simm.s32 $_tile_overlayer_lowered  }
0x9b: {  	s22 =	simm.s32 $0x1BFF;
	s21 =	sshll.u32 s6, $0x1;
	s3 =	sadd.s32 s4, s19  }
0x9c: {  	s7 =	simm.s32 $0x0;
	s20 =	sshll.u32 s5, $0x1;
	s5 =	sadd.s32 s21, s3  }
0x9d: {  	[timem:s7], [sflag:s22] =	dma.local [hbm:s5], s20  }
0x9e: {  	_ =	swait.ge [sflag:s22], s20  }
0x9f: {  	s4 =	ssub.s32 $0x0, s20;
	[sflag:s22] =	ssyncset.done $0x0  }
0xa0: {  	[sflag:s22] =	ssyncadd.s32 s4;
	_ =	sdelay $0x1  }
0xa1: {  	s23 =	simm.s32 $0x1B8B  }
0xa2: {  	_ =	swait.ge [sflag:s23], $0x1  }
0xa3: {  	[sflag:s23] =	ssyncset.done $0x0  }
0xa4: {  	s25 =	simm.s32 $0x1B8E;
	s24 =	sld [smem:$0x3FFE];
	[sflag:s23] =	ssyncadd.s32 $0xFFFFFFFF  }
0xa5: {  	s26 =	simm.s32 $execute0_lowered;
	[smem:$0x3FD2] =	sst s25  }
0xa6: {  	s5 =	sshll.u32 s26, $0x1;
	_ =	strace $0x80000046;
	[dreg:$0x1] =	wrdreg $0xFFFFFFFF  }
0xa7: {  	s28 =	simm.s32 $_size_execute0_lowered;
	s3 =	sadd.s32 s3, s5;
	[dreg:$0x0] =	wrdreg $0x0  }
0xa8: {  	s5 =	sshll.u32 s28, $0x1;
	[dreg:$0x2] =	wrdreg s3  }
0xa9: {  	[dreg:$0x3] =	wrdreg s5  }
0xaa: {  	[dreg:$0x4] =	wrdreg $0xC0  }
0xab: {  	_ =	task [dreg:s7], $0x5FFFF  }
0xac: {  	[dreg:$0x1] =	wrdreg $0xFFFFFFFF  }
0xad: {  	[dreg:$0x0] =	wrdreg $0x60  }
0xae: {  	[dreg:$0x2] =	wrdreg s24  }
0xaf: {  	[dreg:$0x3] =	wrdreg s2  }
0xb0: {  	[dreg:$0x4] =	wrdreg $0x9  }
0xb1: {  	_ =	task.clear_ibuf [dreg:s7], $0x5FFFF;
	_ =	strace $0x90000046  }
0xb2: {  	s29 =	simm.s32 $0x9;
	_ =	strace $0x80000048  }
0xb3: {  	_ =	swait.ge [sflag:s29], $0x1  }
0xb4: {  	[sflag:s29] =	ssyncadd.s32 $0xFFFFFFFF  }
0xb5: {  	_ =	strace $0x90000048  }
0xb6: {  	_ =	sfence  }
0xb7: {  	s30 =	sld [smem:$0x0];
	_ =	sdelay $0x2  }
0xb8: {  	s31 =	sshll.u32 s1, $0xD;
	s1 =	sshrl.u32 s1, $0x2  }
0xb9: {  	s3 =	sand.u32 $0x4000, s31;
	s1 =	sadd.s32 s1, s30  }
0xba: {  	s0 =	sor.u32 s3, s0;
	s1 =	sshll.u32 s1, $0x11  }
0xbb: {  	s0 =	sor.u32 s1, s0  }
0xbc: {  	s0 =	sadd.s32 $0x8F2B, s0  }
0xbd: {  	[sflag:s0] =	ssyncadd.remote.s32 $0x1  }
0xbe: {  	_ =	sfence.sel $0xFFFF  }
0xbf: {  	[dreg:$0x0] =	wrdreg $0xFFFFFFFF;
	(pc) =	sbr.abs _section_cstart, $3  }
0xc0: {  	[dreg:$0x1] =	wrdreg $0xFFFFFFFF  }
0xc1: {  	_ =	task.clear_ibuf [dreg:s7], $0x2FFFF;
	_ =	strace $0x9FFFFFFF  }
0xc2: {  	(tm) =	ssettm $0x7FFFFFFF  }
0xc3: {  	_ =	shalt  }
tec
execute0_lowered:
.L_overlay_start_1:
0x0: {  	(tag) =	ssettag $0x1  }
0x1: {  	s3 =	rddreg [dreg:$0x0]  }
0x2: {  	s1 =	srdreg.scid;
	s0 =	stileid.u32  }
0x3: {  	s4 =	rddreg [dreg:$0x1];
	s2 =	simm.s32 $0x0;
	s10 =	simm.s32 $0x1100  }
0x4: {  	s11 =	simm.s32 $0x0;
	s5 =	sand.u32 $0x1, s1;
	s1 =	rddreg [dreg:$0x2]  }
0x5: {  	s6 =	sshll.u32 s0, $0x1;
	[smem:$0x7FF] =	sst s2;
	s9 =	smul.u32 $0x110, s0  }
0x6: {  	s3 =	sadd.s32 $0x400, s3;
	s6 =	sor.u32 s5, s6;
	s7 =	ssub.s32 $0x2, s5  }
0x7: {  	v0 =	vlaneseq.u32;
	_ =	strace $0x80000047;
	s6 =	smul.u32 $0x88, s6;
	s8 =	sshrl.u32 s7, $0x1  }
0x8: {  	v0 =	vmul.u32 $0x88, v0;
	s31 =	smul.u32 $0x88, s5;
	s7 =	ssub.s32 s7, s8;
	s8 =	simm.s32 $0x4040  }
0x9: {  	s6 =	sshrl.u32 s6, $0x3;
	s5 =	smax.u32 s7, $0x1;
	s7 =	simm.s32 $0x1  }
0xa: {  	v1 =	vadd.s32 $0x880, v0;
	v2 =	vadd.s32 $0x1100, v0;
	v3 =	vadd.s32 $0x1980, v0;
	s4 =	sadd.s32 s4, s6;
	s6 =	sadd.s32 s31, s9;
	s9 =	simm.s32 $0x88  }
.LBB2_1:
0xb: {  	[tilespmem:s2], [sflag:$0x1] =	stream.linear.gather [hbm4b:s3+s2], $0x4040, $0x38;
	[tilespmem:$0x6240] =	vst v63  }
0xc: {  	s12 =	sadd.s32 $0x0, s6  }
0xd: {  	p0 =	sgt.s32 s12, $0x77F  }
0xe: {  	_ =	swait.ge [sflag:s7], $0x4040;
	s12 =	simm.s32 @!p0 $0x77F  }
0xf: {  	v4 =	vmov s2;
	[sflag:s7] =	ssyncset.done $0x0;
	s12 =	smin.u32 s12, $0x87F  }
0x10: {  	v5 =	vand.u32 $0xFF, v4;
	[sflag:s7] =	ssyncadd.s32 $0xFFFFBFC0;
	s13 =	sshll.u32 s12, $0x6  }
0x11: {  	v6 =	vadd.s32 v0, v5;
	v4 =	vld [tilespmem:s13+$0xFFFE2040];
	_ =	sdelay $0x4  }
0x12: {  	[tilespmem:v6+s8+$0x0] =	vst.idx.msk $0xffff, v4  }
0x13: {  	v6 =	vadd.s32 v1, v5;
	v4 =	vld [tilespmem:s13+$0xFFFE2050];
	_ =	sdelay $0x4  }
0x14: {  	[tilespmem:v6+s8+$0x0] =	vst.idx.msk $0xffff, v4  }
0x15: {  	v6 =	vadd.s32 v2, v5;
	v4 =	vld [tilespmem:s13+$0xFFFE2060];
	_ =	sdelay $0x4  }
0x16: {  	[tilespmem:v6+s8+$0x0] =	vst.idx.msk $0xffff, v4  }
0x17: {  	v5 =	vadd.s32 v3, v5;
	v4 =	vld [tilespmem:s13+$0xFFFE2070]  }
0x18: {  	s14 =	sadd.s32 $0x1, s6;
	s12 =	simm.s32 $0x1;
	s13 =	simm.s32 $0x2  }
.LBB2_2:
0x19: {  	p0 =	sne.s32 s13, $0x87;
	p1 =	sgt.s32 s14, $0x77F  }
0x1a: {  	s14 =	simm.s32 @!p1 $0x77F  }
0x1b: {  	v6 =	vmov s12;
	s12 =	smov.u32 s13;
	s14 =	smin.u32 s14, $0x87F  }
0x1c: {  	v6 =	vand.u32 $0xFF, v6;
	s14 =	sshll.u32 s14, $0x6;
	[tilespmem:v5+s8+$0x0] =	vst.idx.msk $0xffff, v4  }
0x1d: {  	v5 =	vadd.s32 v0, v6;
	v4 =	vld [tilespmem:s14+$0xFFFE2040];
	_ =	sdelay $0x4  }
0x1e: {  	[tilespmem:v5+s8+$0x0] =	vst.idx.msk $0xffff, v4  }
0x1f: {  	v5 =	vadd.s32 v1, v6;
	v4 =	vld [tilespmem:s14+$0xFFFE2050];
	_ =	sdelay $0x4  }
0x20: {  	[tilespmem:v5+s8+$0x0] =	vst.idx.msk $0xffff, v4  }
0x21: {  	v5 =	vadd.s32 v2, v6;
	v4 =	vld [tilespmem:s14+$0xFFFE2060];
	_ =	sdelay $0x2  }
.Ltmp0:
0x22: {  	(pc) =	sbr.rel @p0 .LBB2_2-.Ltmp0, $4  }
0x23: {  	_ = 	snop  }
0x24: {  	[tilespmem:v5+s8+$0x0] =	vst.idx.msk $0xffff, v4  }
0x25: {  	v5 =	vadd.s32 v3, v6;
	v4 =	vld [tilespmem:s14+$0xFFFE2070]  }
0x26: {  	s13 =	sadd.s32 $0x1, s13;
	s14 =	sadd.s32 s12, s6  }
0x27: {  	_ = 	snop  }
0x28: {  	p0 =	sgt.s32 s14, $0x77F  }
0x29: {  	s14 =	simm.s32 @!p0 $0x77F  }
0x2a: {  	v6 =	vmov s12;
	s13 =	smin.u32 s14, $0x87F  }
0x2b: {  	v6 =	vand.u32 $0xFF, v6;
	s31 =	sshll.u32 s13, $0x6;
	[tilespmem:v5+s8+$0x0] =	vst.idx.msk $0xffff, v4  }
0x2c: {  	v5 =	vadd.s32 v0, v6;
	v4 =	vld [tilespmem:s31+$0xFFFE2040];
	_ =	sdelay $0x4  }
0x2d: {  	[tilespmem:v5+s8+$0x0] =	vst.idx.msk $0xffff, v4  }
0x2e: {  	v5 =	vadd.s32 v1, v6;
	v4 =	vld [tilespmem:s31+$0xFFFE2050];
	_ =	sdelay $0x4  }
0x2f: {  	[tilespmem:v5+s8+$0x0] =	vst.idx.msk $0xffff, v4  }
0x30: {  	v5 =	vadd.s32 v2, v6;
	v4 =	vld [tilespmem:s31+$0xFFFE2060];
	_ =	sdelay $0x4  }
0x31: {  	[tilespmem:v5+s8+$0x0] =	vst.idx.msk $0xffff, v4  }
0x32: {  	v5 =	vadd.s32 v3, v6;
	v4 =	vld [tilespmem:s31+$0xFFFE2070];
	_ =	sdelay $0x2  }
0x33: {  	s11 =	sadd.s32 $0x1, s11  }
0x34: {  	p0 =	sne.s32 s11, s5  }
.Ltmp1:
0x35: {  	[tilespmem:v5+s8+$0x0] =	vst.idx.msk $0xffff, v4;
	(pc) =	sbr.rel @p0 .LBB2_1-.Ltmp1, $4  }
0x36: {  	[hbm4b:s4+s9] =	stream.strided.scatter [tilespmem:s8], [sflag:$0x1], $0x2200, s10, s9, $0x38;
	[tilespmem:$0x6240] =	vst v63  }
0x37: {  	_ =	swait.ge [sflag:s7], $0x2200  }
0x38: {  	[sflag:s7] =	ssyncset.done $0x0  }
0x39: {  	[sflag:s7] =	ssyncadd.s32 $0xFFFFDE00  }
0x3a: {  	_ =	sfence.sel $0x180000  }
0x3b: {  	[bflag:$0x0] =	sbarrier.arrive $0xFFFF  }
0x3c: {  	p0 =	sne.s32 s0, $0x0;
	_ =	strace $0x90000047  }
0x3d: {  	s0 =	sadd.s32 @!p0 $0x100000, s1;
	[bflag:$0x2] =	sbarrier.arrive $0xFFFF  }
0x3e: {  	[sflag:s0] =	ssyncadd.tile.s32 @!p0 $0x1;
	_ =	shalt  }
.Lfunc_end2:
_tile_overlayer_lowered:
.L_overlay_start_2:
0x3f: {  	(tag) =	ssettag $0x2  }
0x40: {  	s0 =	rddreg [dreg:$0x0];
	s2 =	stileid.u32  }
0x41: {  	s1 =	rddreg [dreg:$0x1];
	p0 =	sne.s32 s2, $0x0  }
0x42: {  	s3 =	rddreg [dreg:$0x2];
	[bflag:$0x3] =	sbarrier.arrive $0xFFFF;
	s2 =	simm.s32 @!p0 $0x1C01  }
0x43: {  	[timem:s3], [sflag:s2] =	dma.local @!p0 [hbm:s0], s1  }
0x44: {  	s0 =	simm.s32 @!p0 $0x1  }
0x45: {  	_ =	swait.ge @!p0 [sflag:s0], s1  }
0x46: {  	s1 =	ssub.s32 @!p0 $0x0, s1;
	[sflag:s0] =	ssyncset.done @!p0 $0x0  }
0x47: {  	[sflag:s0] =	ssyncadd.s32 @!p0 s1  }
0x48: {  	[bflag:$0x3] =	sbarrier.arrive $0xFFFF  }
0x49: {  	_ =	shalt  }

</sc_bundles>
